<compile_context>
chip_gen: v7x
topology: tpu7x:2x2x1
jax: 0.10.2.dev20260603
libtpu: 0.0.44.dev20260713+nightly
codegen_flags: <defaults>
</compile_context>

<pallas_src>
import functools

import jax
import jax.numpy as jnp
from jax import lax
from jax.experimental import pallas as pl
from jax.experimental.pallas import tpu as pltpu
from jax.experimental.pallas import tpu_sc as plsc

BATCH = 16384
D = 64
NROWS = 1000000
NC, NS = 2, 16
NW = NC * NS
L = 16
W = 512
NWIN = (NROWS + W - 1) // W
NPAIR = (NWIN // NW + 1 + 1) // 2
HITCAP = BATCH + L
RB = 16


def _sc_scan_gather(user_ids, item_ids, ut_t, it_t, widtab):
    mesh = plsc.VectorSubcoreMesh(core_axis_name="c", subcore_axis_name="s")

    @functools.partial(
        pl.kernel,
        out_type=(
            jax.ShapeDtypeStruct((BATCH, D), jnp.float32),
            jax.ShapeDtypeStruct((BATCH, D), jnp.float32),
        ),
        mesh=mesh,
        scratch_types=[
            pltpu.VMEM((BATCH,), jnp.int32),
            pltpu.VMEM((HITCAP,), jnp.int32),
            pltpu.VMEM((HITCAP,), jnp.int32),
            pltpu.VMEM((D, W), jnp.float32),
            pltpu.VMEM((D, W), jnp.float32),
            pltpu.VMEM((2 * L,), jnp.int32),
            pltpu.VMEM((2 * L,), jnp.int32),
            pltpu.VMEM((L,), jnp.int32),
            pltpu.VMEM((L,), jnp.int32),
            pltpu.VMEM((RB, D), jnp.float32),
            pltpu.SemaphoreType.DMA,
            pltpu.SemaphoreType.DMA,
            pltpu.SemaphoreType.DMA,
        ],
        compiler_params=pltpu.CompilerParams(needs_layout_passes=False),
    )
    def gather_kernel(uid_hbm, iid_hbm, ut_hbm, it_hbm, wtab_hbm,
                      uout_hbm, iout_hbm,
                      ids_v, hitc, hitp, pA, pB, wc, wp, widb, tmpv, ring,
                      semA, semB, osem):
        wid = lax.axis_index("s") * NC + lax.axis_index("c")
        iota = lax.iota(jnp.int32, L)
        fifteen = iota * 0 + (L - 1)
        nwin_w = NWIN // NW + lax.max(0, lax.min(1, (NWIN % NW) - wid))
        pltpu.sync_copy(wtab_hbm.at[pl.ds(wid * L, L)], widb)
        widv = widb[pl.ds(0, L)]

        def drain_one():
            pltpu.make_async_copy(uid_hbm.at[pl.ds(0, D)],
                                  ids_v.at[pl.ds(0, D)], osem).wait()

        for id_hbm, t_hbm, out_hbm in ((uid_hbm, ut_hbm, uout_hbm),
                                       (iid_hbm, it_hbm, iout_hbm)):
            pltpu.sync_copy(id_hbm, ids_v)

            def fetch0(win, panel, sem):
                cw0 = pl.multiple_of(win * W, 128)
                pltpu.async_copy(t_hbm.at[:, pl.ds(cw0, W)], panel, sem)

            fetch0(wid, pA, semA)

            def comp_chunk(g, carry):
                offv, posv = carry
                vec = ids_v[pl.ds(g * L, L)]
                m = ((vec >> 9) & (NW - 1)) == widv
                mi = jnp.where(m, iota * 0 + 1, iota * 0)
                incl = plsc.cumsum(mi)
                idx = jnp.where(m, offv + incl - mi, BATCH + iota)
                plsc.store_scatter(hitc, [idx], vec)
                plsc.store_scatter(hitp, [idx], posv)
                tmpv[pl.ds(0, L)] = incl
                cntv = plsc.load_gather(tmpv, [fifteen])
                return (offv + cntv, posv + L)

            offv, _ = lax.fori_loop(0, BATCH // L, comp_chunk,
                                    (iota * 0, iota))
            nhits = offv[0]
            hitc[pl.ds(nhits, L)] = jnp.zeros((L,), jnp.int32) - 1
            nch = (nhits + L - 1) // L

            CLAMP = (NROWS + 127) // 128 * 128 - W

            def fetch(win, panel, sem):
                cw = pl.multiple_of(lax.min(win * W, CLAMP), 128)
                pltpu.async_copy(t_hbm.at[:, pl.ds(cw, W)], panel, sem)

            def wait_panel(panel, sem):
                pltpu.make_async_copy(t_hbm.at[:, pl.ds(0, W)], panel,
                                      sem).wait()

            def process(winv, panel, gc0):
                winoff = winv * W

                panel_org = jnp.minimum(winoff, iota * 0 + CLAMP)

                def scan_chunk(c, gc):
                    colv = hitc[pl.ds(c * L, L)]
                    posv = hitp[pl.ds(c * L, L)]
                    d = colv - winoff
                    m = (d >= 0) & (d < W)
                    mi = jnp.where(m, iota * 0 + 1, iota * 0)
                    incl = plsc.cumsum(mi)
                    cnt = incl[L - 1]
                    idx = jnp.where(m, incl - mi, L + iota)
                    plsc.store_scatter(wc, [idx], colv - panel_org)
                    plsc.store_scatter(wp, [idx], posv)

                    def extract_one(e, carry):
                        gc2, ev = carry
                        j = wp[pl.ds(e, L)][0]
                        slot = gc2 & (RB - 1)

                        @pl.when(gc2 >= RB)
                        def _():
                            drain_one()

                        csplat = plsc.load_gather(wc, [ev])
                        for kk in range(D // L):
                            vals = plsc.load_gather(
                                panel, [iota + kk * L, csplat])
                            ring[slot, pl.ds(kk * L, L)] = vals
                        pltpu.async_copy(
                            ring.at[pl.ds(slot, 1)],
                            out_hbm.at[pl.ds(j, 1)], osem)
                        return (gc2 + 1, ev + 1)

                    gc, _ = lax.fori_loop(0, cnt, extract_one,
                                          (gc, iota * 0))
                    return gc

                return lax.fori_loop(0, nch, scan_chunk, gc0)

            def pair_body(k2, carry):
                gc, winAv = carry
                j0 = 2 * k2
                j1 = j0 + 1
                j2 = j0 + 2
                win1 = wid + NW * j1
                win2 = wid + NW * j2
                winBv = winAv + NW

                @pl.when(j1 < nwin_w)
                def _():
                    fetch(win1, pB, semB)

                wait_panel(pA, semA)
                gc = process(winAv, pA, gc)

                @pl.when(j2 < nwin_w)
                def _():
                    fetch(win2, pA, semA)

                def do_b(gcb):
                    wait_panel(pB, semB)
                    return process(winBv, pB, gcb)

                gc = lax.cond(j1 < nwin_w, do_b, lambda g: g, gc)
                return (gc, winAv + 2 * NW)

            gcnt, _ = lax.fori_loop(0, NPAIR, pair_body, (0, widv))
            rem = lax.min(gcnt, RB)
            lax.fori_loop(0, rem, lambda e, x: (drain_one(), x)[1], 0)

    return gather_kernel(user_ids, item_ids, ut_t, it_t, widtab)


def _tc_mlp(user_emb, item_emb, content, W_content, b_content, W1, b1, W2, b2):
    BLK = 2048
    cdim = content.shape[1]

    def body(ue_ref, ie_ref, c_ref, wc_ref, bc_ref, w1_ref, b1_ref, w2_ref,
             b2_ref, o_ref):
        c_emb = jnp.dot(c_ref[...], wc_ref[...],
                        preferred_element_type=jnp.float32) + bc_ref[...]
        h = jnp.dot(ue_ref[...], w1_ref[0:D, :],
                    preferred_element_type=jnp.float32)
        h = h + jnp.dot(ie_ref[...], w1_ref[D:2 * D, :],
                        preferred_element_type=jnp.float32)
        h = h + jnp.dot(c_emb, w1_ref[2 * D:3 * D, :],
                        preferred_element_type=jnp.float32)
        h = jnp.maximum(h + b1_ref[...], 0.0)
        o_ref[...] = jnp.dot(h, w2_ref[...],
                             preferred_element_type=jnp.float32) + b2_ref[...]

    full = lambda shape: pl.BlockSpec(shape, lambda i: (0, 0))
    out = pl.pallas_call(
        body,
        grid=(BATCH // BLK,),
        in_specs=[
            pl.BlockSpec((BLK, D), lambda i: (i, 0)),
            pl.BlockSpec((BLK, D), lambda i: (i, 0)),
            pl.BlockSpec((BLK, cdim), lambda i: (i, 0)),
            full((cdim, D)),
            full((1, D)),
            full((3 * D, D)),
            full((1, D)),
            full((D, 1)),
            full((1, 1)),
        ],
        out_specs=pl.BlockSpec((BLK, 1), lambda i: (i, 0)),
        out_shape=jax.ShapeDtypeStruct((BATCH, 1), jnp.float32),
    )(user_emb, item_emb, content, W_content, b_content, W1, b1, W2, b2)
    return out


def kernel(user_ids, item_ids, content, user_table, item_table, W_content,
           b_content, W1, b1, W2, b2):
    widtab = jnp.repeat(jnp.arange(NW, dtype=jnp.int32), L)
    user_emb, item_emb = _sc_scan_gather(
        user_ids.astype(jnp.int32), item_ids.astype(jnp.int32),
        jnp.transpose(user_table), jnp.transpose(item_table), widtab)
    out = _tc_mlp(user_emb, item_emb, content, W_content,
                  b_content.reshape(1, D), W1, b1.reshape(1, D), W2,
                  b2.reshape(1, 1))
    return out.reshape(-1)

# --- scband reference (transcript-rebuilt; emitter-appended) ---
"""Pipeline reference for scband-neu-mfwith-content-41721312314275 (READ-ONLY COPY).

The authoritative reference and input builder live on the scoring server;
editing this copy changes nothing except your own understanding.
"""

import jax, jax.numpy as jnp
import numpy as np

NUM_USERS = 1000000
NUM_ITEMS = 1000000
EMBED_DIM = 64
CONTENT_DIM = 18
BATCH = 16384

def setup_inputs(seed: int = 0) -> dict:
    key = jax.random.key(seed)
    k1, k2, k3, k4, k5, k6, k7, k8, k9 = jax.random.split(key, 9)
    user_ids = jax.random.randint(k1, (BATCH,), 0, NUM_USERS, dtype=jnp.int64) if jax.config.jax_enable_x64 else jax.random.randint(k1, (BATCH,), 0, NUM_USERS, dtype=jnp.int32)
    item_ids = jax.random.randint(k2, (BATCH,), 0, NUM_ITEMS, dtype=jnp.int32)
    content = jax.random.normal(k3, (BATCH, CONTENT_DIM), dtype=jnp.float32)
    # xavier-uniform-like init for embedding tables
    lim_u = float(np.sqrt(6.0 / (NUM_USERS + EMBED_DIM)))
    lim_i = float(np.sqrt(6.0 / (NUM_ITEMS + EMBED_DIM)))
    user_table = jax.random.uniform(k4, (NUM_USERS, EMBED_DIM), minval=-lim_u, maxval=lim_u, dtype=jnp.float32)
    item_table = jax.random.uniform(k5, (NUM_ITEMS, EMBED_DIM), minval=-lim_i, maxval=lim_i, dtype=jnp.float32)
    # content_proj: Linear(content_dim, embed_dim)
    lim_c = float(np.sqrt(1.0 / CONTENT_DIM))
    W_content = jax.random.uniform(k6, (CONTENT_DIM, EMBED_DIM), minval=-lim_c, maxval=lim_c, dtype=jnp.float32)
    b_content = jnp.zeros((EMBED_DIM,), dtype=jnp.float32)
    # fc layers: Linear(3*embed_dim, 64) -> ReLU -> Linear(64, 1)
    lim1 = float(np.sqrt(1.0 / (3 * EMBED_DIM)))
    W1 = jax.random.uniform(k7, (3 * EMBED_DIM, 64), minval=-lim1, maxval=lim1, dtype=jnp.float32)
    b1 = jnp.zeros((64,), dtype=jnp.float32)
    lim2 = float(np.sqrt(1.0 / 64))
    W2 = jax.random.uniform(k8, (64, 1), minval=-lim2, maxval=lim2, dtype=jnp.float32)
    b2 = jnp.zeros((1,), dtype=jnp.float32)
    return {"user_ids": user_ids, "item_ids": item_ids, "content": content,
            "user_table": user_table, "item_table": item_table,
            "W_content": W_content, "b_content": b_content,
            "W1": W1, "b1": b1, "W2": W2, "b2": b2}

def reference(user_ids, item_ids, content, user_table, item_table, W_content, b_content, W1, b1, W2, b2):
    user_emb = jnp.take(user_table, user_ids, axis=0)
    item_emb = jnp.take(item_table, item_ids, axis=0)
    content_emb = content @ W_content + b_content
    x = jnp.concatenate([user_emb, item_emb, content_emb], axis=1)
    h = jax.nn.relu(x @ W1 + b1)
    out = h @ W2 + b2
    return out.reshape(-1)

if __name__ == "__main__":
    import jax
    _d = setup_inputs()
    print(jax.jit(kernel)(*tuple(_d.values())))

</pallas_src>

<mosaic_0001>
#map = affine_map<(d0, d1) -> (0)>
#map1 = affine_map<(d0, d1) -> (0, 0)>
module attributes {stable_mosaic.version = 14 : i64} {
  func.func @gather_kernel(%arg0: i32, %arg1: i32, %arg2: memref<16384xi32, #tpu.memory_space<hbm>>, %arg3: memref<16384xi32, #tpu.memory_space<hbm>>, %arg4: memref<64x1000000xf32, #tpu.memory_space<hbm>>, %arg5: memref<64x1000000xf32, #tpu.memory_space<hbm>>, %arg6: memref<512xi32, #tpu.memory_space<hbm>>, %arg7: memref<16384x64xf32, #tpu.memory_space<hbm>>, %arg8: memref<16384x64xf32, #tpu.memory_space<hbm>>, %arg9: memref<16384xi32, #tpu.memory_space<vmem>>, %arg10: memref<16400xi32, #tpu.memory_space<vmem>>, %arg11: memref<16400xi32, #tpu.memory_space<vmem>>, %arg12: memref<64x512xf32, #tpu.memory_space<vmem>>, %arg13: memref<64x512xf32, #tpu.memory_space<vmem>>, %arg14: memref<32xi32, #tpu.memory_space<vmem>>, %arg15: memref<32xi32, #tpu.memory_space<vmem>>, %arg16: memref<16xi32, #tpu.memory_space<vmem>>, %arg17: memref<16xi32, #tpu.memory_space<vmem>>, %arg18: memref<16x64xf32, #tpu.memory_space<vmem>>, %arg19: memref<!tpu.dma_semaphore, #tpu.memory_space<semaphore_mem>>, %arg20: memref<!tpu.dma_semaphore, #tpu.memory_space<semaphore_mem>>, %arg21: memref<!tpu.dma_semaphore, #tpu.memory_space<semaphore_mem>>) attributes {dimension_semantics = [#tpu.dimension_semantics<core_parallel>, #tpu.dimension_semantics<subcore_parallel>], iteration_bounds = array<i64: 2, 16>, scalar_prefetch = 0 : i64, scratch_operands = 13 : i64, tpu.core_type = #tpu.core_type<sc_vector_subcore>, window_params = [{transform_indices = #map}, {transform_indices = #map}, {transform_indices = #map1}, {transform_indices = #map1}, {transform_indices = #map}, {transform_indices = #map1}, {transform_indices = #map1}]} {
    %mul3A = arith.constant 2 : i32
    %mul3A_0 = arith.muli %arg1, %mul3A : i32
    %add3A = arith.addi %mul3A_0, %arg0 : i32
    %iota3A = tpu.iota {dimensions = array<i32: 0>} : vector<16xi32>
    %mul3A_1 = arith.constant 0 : i32
    %mul3A_2 = vector.broadcast %mul3A_1 : i32 to vector<16xi32>
    %mul3A_3 = arith.muli %iota3A, %mul3A_2 : vector<16xi32>
    %add3A_4 = arith.constant 15 : i32
    %add3A_5 = vector.broadcast %add3A_4 : i32 to vector<16xi32>
    %add3A_6 = arith.addi %mul3A_3, %add3A_5 : vector<16xi32>
    %sub3A = arith.constant 2 : i32
    %sub3A_7 = arith.subi %sub3A, %add3A : i32
    %min3A = arith.constant 1 : i32
    %min3A_8 = arith.minsi %min3A, %sub3A_7 : i32
    %max3A = arith.constant 0 : i32
    %max3A_9 = arith.maxsi %max3A, %min3A_8 : i32
    %add3A_10 = arith.constant 61 : i32
    %add3A_11 = arith.addi %add3A_10, %max3A_9 : i32
    %mul3A_12 = arith.constant 16 : i32
    %mul3A_13 = arith.muli %add3A, %mul3A_12 : i32
    "tpu.region"() ({
      %run_scoped3A = tpu.sem_alloc : memref<!tpu.dma_semaphore, #tpu.memory_space<semaphore_mem>>
      %dma_start3A_144 = tpu.memref_slice %arg6[%mul3A_13] : memref<512xi32, #tpu.memory_space<hbm>> -> memref<16xi32, #tpu.memory_space<hbm>>
      %dma_start3A_145 = tpu.memref_slice %arg6[%mul3A_13] : memref<512xi32, #tpu.memory_space<hbm>> -> memref<16xi32, #tpu.memory_space<hbm>>
      tpu.enqueue_dma source(%dma_start3A_145 : memref<16xi32, #tpu.memory_space<hbm>>) target(%arg16 : memref<16xi32, #tpu.memory_space<vmem>>) target_semaphore(%run_scoped3A : memref<!tpu.dma_semaphore, #tpu.memory_space<semaphore_mem>>)
      %dma_wait3A = tpu.memref_slice %arg6[%mul3A_13] : memref<512xi32, #tpu.memory_space<hbm>> -> memref<16xi32, #tpu.memory_space<hbm>>
      %dma_wait3A_146 = tpu.memref_slice %arg6[%mul3A_13] : memref<512xi32, #tpu.memory_space<hbm>> -> memref<16xi32, #tpu.memory_space<hbm>>
      tpu.wait_dma2 semaphore(%run_scoped3A : memref<!tpu.dma_semaphore, #tpu.memory_space<semaphore_mem>>) src(%dma_wait3A_146 : memref<16xi32, #tpu.memory_space<hbm>>) dst(%arg16 : memref<16xi32, #tpu.memory_space<vmem>>)
      tpu.yield
    }) : () -> ()
    %get3A = arith.constant 0 : index
    %get3A_14 = tpu.vector_load %arg16[%get3A] {strides = array<i32>} : memref<16xi32, #tpu.memory_space<vmem>>, vector<16xi32>,
    "tpu.region"() ({
      %run_scoped3A = tpu.sem_alloc : memref<!tpu.dma_semaphore, #tpu.memory_space<semaphore_mem>>
      tpu.enqueue_dma source(%arg2 : memref<16384xi32, #tpu.memory_space<hbm>>) target(%arg9 : memref<16384xi32, #tpu.memory_space<vmem>>) target_semaphore(%run_scoped3A : memref<!tpu.dma_semaphore, #tpu.memory_space<semaphore_mem>>)
      tpu.wait_dma2 semaphore(%run_scoped3A : memref<!tpu.dma_semaphore, #tpu.memory_space<semaphore_mem>>) src(%arg2 : memref<16384xi32, #tpu.memory_space<hbm>>) dst(%arg9 : memref<16384xi32, #tpu.memory_space<vmem>>)
      tpu.yield
    }) : () -> ()
    %mul3A_15 = arith.constant 512 : i32
    %mul3A_16 = arith.muli %add3A, %mul3A_15 : i32
    %multiple_of3A = tpu.assume_multiple %mul3A_16, 128 : i32
    %dma_start3A = arith.constant 0 : i32
    %dma_start3A_17 = tpu.memref_slice %arg4[%dma_start3A, %multiple_of3A] : memref<64x1000000xf32, #tpu.memory_space<hbm>> -> memref<64x512xf32, #tpu.memory_space<hbm>>
    %dma_start3A_18 = arith.constant 0 : i32
    %dma_start3A_19 = tpu.memref_slice %arg4[%dma_start3A_18, %multiple_of3A] : memref<64x1000000xf32, #tpu.memory_space<hbm>> -> memref<64x512xf32, #tpu.memory_space<hbm>>
    tpu.enqueue_dma source(%dma_start3A_19 : memref<64x512xf32, #tpu.memory_space<hbm>>) target(%arg12 : memref<64x512xf32, #tpu.memory_space<vmem>>) target_semaphore(%arg19 : memref<!tpu.dma_semaphore, #tpu.memory_space<semaphore_mem>>)
    %mul3A_20 = arith.constant 0 : i32
    %mul3A_21 = vector.broadcast %mul3A_20 : i32 to vector<16xi32>
    %mul3A_22 = arith.muli %iota3A, %mul3A_21 : vector<16xi32>
    %scan3A = arith.constant 0 : i32
    %scan3A_23 = arith.constant 1024 : i32
    %scan3A_24 = arith.addi %scan3A, %scan3A_23 : i32
    %scan3A_25 = arith.constant 1 : i32
    %scan3A_26:2 = scf.for %scan3A_144 = %scan3A to %scan3A_24 step %scan3A_25 iter_args(%scan3A_145 = %mul3A_22, %scan3A_146 = %iota3A) -> (vector<16xi32>, vector<16xi32>)  : i32 {
      %mul3A_147 = arith.constant 16 : i32
      %mul3A_148 = arith.muli %scan3A_144, %mul3A_147 : i32
      %get3A_149 = arith.index_cast %mul3A_148 : i32 to index
      %get3A_150 = tpu.vector_load %arg9[%get3A_149] {strides = array<i32>} : memref<16384xi32, #tpu.memory_space<vmem>>, vector<16xi32>,
      %shift_right_arithmetic3A = arith.constant 9 : i32
      %shift_right_arithmetic3A_151 = vector.broadcast %shift_right_arithmetic3A : i32 to vector<16xi32>
      %shift_right_arithmetic3A_152 = arith.shrsi %get3A_150, %shift_right_arithmetic3A_151 : vector<16xi32>
      %and3A_153 = arith.constant 31 : i32
      %and3A_154 = vector.broadcast %and3A_153 : i32 to vector<16xi32>
      %and3A_155 = arith.andi %shift_right_arithmetic3A_152, %and3A_154 : vector<16xi32>
      %eq3A = arith.cmpi eq, %and3A_155, %get3A_14 : vector<16xi32>
      %mul3A_156 = arith.constant 0 : i32
      %mul3A_157 = vector.broadcast %mul3A_156 : i32 to vector<16xi32>
      %mul3A_158 = arith.muli %iota3A, %mul3A_157 : vector<16xi32>
      %add3A_159 = arith.constant 1 : i32
      %add3A_160 = vector.broadcast %add3A_159 : i32 to vector<16xi32>
      %add3A_161 = arith.addi %mul3A_158, %add3A_160 : vector<16xi32>
      %mul3A_162 = arith.constant 0 : i32
      %mul3A_163 = vector.broadcast %mul3A_162 : i32 to vector<16xi32>
      %mul3A_164 = arith.muli %iota3A, %mul3A_163 : vector<16xi32>
      %select_n3A_165 = arith.select %eq3A, %add3A_161, %mul3A_164 : vector<16xi1>, vector<16xi32>
      %broadcast_in_dim3A_166 = arith.constant true
      %broadcast_in_dim3A_167 = vector.broadcast %broadcast_in_dim3A_166 : i1 to vector<16xi1>
      %masked_cumsum3A = tpu.scan <sum>, %select_n3A_165 masked %broadcast_in_dim3A_167 : vector<16xi32>, vector<16xi1> -> vector<16xi32>
      %add3A_168 = arith.addi %scan3A_145, %masked_cumsum3A : vector<16xi32>
      %sub3A_169 = arith.subi %add3A_168, %select_n3A_165 : vector<16xi32>
      %add3A_170 = arith.constant 16384 : i32
      %add3A_171 = vector.broadcast %add3A_170 : i32 to vector<16xi32>
      %add3A_172 = arith.addi %add3A_171, %iota3A : vector<16xi32>
      %select_n3A_173 = arith.select %eq3A, %sub3A_169, %add3A_172 : vector<16xi1>, vector<16xi32>
      tpu.vector_store_idx %arg10[%select_n3A_173], %get3A_150 : memref<16400xi32, #tpu.memory_space<vmem>>[vector<16xi32>], vector<16xi32>,
      tpu.vector_store_idx %arg11[%select_n3A_173], %scan3A_146 : memref<16400xi32, #tpu.memory_space<vmem>>[vector<16xi32>], vector<16xi32>,
      %swap3A_174 = arith.constant 0 : index
      %swap3A_175 = tpu.vector_load %arg17[%swap3A_174] {strides = array<i32>} : memref<16xi32, #tpu.memory_space<vmem>>, vector<16xi32>,
      tpu.vector_store %arg17[%swap3A_174], %masked_cumsum3A {strides = array<i32>} : memref<16xi32, #tpu.memory_space<vmem>>, vector<16xi32>,
      %gather3A = tpu.vector_load_idx %arg17[%add3A_6] : memref<16xi32, #tpu.memory_space<vmem>>[vector<16xi32>], vector<16xi32>,
      %add3A_176 = arith.addi %scan3A_145, %gather3A : vector<16xi32>
      %add3A_177 = arith.constant 16 : i32
      %add3A_178 = vector.broadcast %add3A_177 : i32 to vector<16xi32>
      %add3A_179 = arith.addi %scan3A_146, %add3A_178 : vector<16xi32>
      scf.yield %add3A_176, %add3A_179 : vector<16xi32>, vector<16xi32>
    }
    %scan3A_27 = arith.constant 1024 : i32
    %slice3A = vector.extract_strided_slice %scan3A_26#0 {offsets = [0], sizes = [1], strides = [1]} : vector<16xi32> to vector<1xi32>
    %squeeze3A = vector.extract %slice3A[0] : i32 from vector<1xi32>
    %broadcast_in_dim3A = arith.constant 0 : i32
    %broadcast_in_dim3A_28 = vector.broadcast %broadcast_in_dim3A : i32 to vector<16xi32>
    %sub3A_29 = arith.constant 1 : i32
    %sub3A_30 = vector.broadcast %sub3A_29 : i32 to vector<16xi32>
    %sub3A_31 = arith.subi %broadcast_in_dim3A_28, %sub3A_30 : vector<16xi32>
    %swap3A = arith.index_cast %squeeze3A : i32 to index
    %swap3A_32 = tpu.vector_load %arg10[%swap3A] {strides = array<i32>} : memref<16400xi32, #tpu.memory_space<vmem>>, vector<16xi32>,
    tpu.vector_store %arg10[%swap3A], %sub3A_31 {strides = array<i32>} : memref<16400xi32, #tpu.memory_space<vmem>>, vector<16xi32>,
    %add3A_33 = arith.constant 16 : i32
    %add3A_34 = arith.addi %squeeze3A, %add3A_33 : i32
    %sub3A_35 = arith.constant 1 : i32
    %sub3A_36 = arith.subi %add3A_34, %sub3A_35 : i32
    %jit3A = arith.constant 16 : i32
    %div3A = arith.divsi %sub3A_36, %jit3A : i32
    %sign3A = arith.constant 0 : i32
    %sign3A_37 = arith.cmpi sgt, %sub3A_36, %sign3A : i32
    %sign3A_38 = arith.extui %sign3A_37 : i1 to i32
    %sign3A_39 = arith.constant 0 : i32
    %sign3A_40 = arith.cmpi slt, %sub3A_36, %sign3A_39 : i32
    %sign3A_41 = arith.extui %sign3A_40 : i1 to i32
    %sign3A_42 = arith.subi %sign3A_38, %sign3A_41 : i32
    %sign3A_43 = arith.constant 0 : i32
    %sign3A_44 = arith.cmpi sgt, %jit3A, %sign3A_43 : i32
    %sign3A_45 = arith.extui %sign3A_44 : i1 to i32
    %sign3A_46 = arith.constant 0 : i32
    %sign3A_47 = arith.cmpi slt, %jit3A, %sign3A_46 : i32
    %sign3A_48 = arith.extui %sign3A_47 : i1 to i32
    %sign3A_49 = arith.subi %sign3A_45, %sign3A_48 : i32
    %ne3A = arith.cmpi ne, %sign3A_42, %sign3A_49 : i32
    %rem3A = arith.remsi %sub3A_36, %jit3A : i32
    %ne3A_50 = arith.constant 0 : i32
    %ne3A_51 = arith.cmpi ne, %rem3A, %ne3A_50 : i32
    %and3A = arith.andi %ne3A, %ne3A_51 : i1
    %sub3A_52 = arith.constant 1 : i32
    %sub3A_53 = arith.subi %div3A, %sub3A_52 : i32
    %select_n3A = arith.select %and3A, %sub3A_53, %div3A : i32
    %scan3A_54 = arith.constant 0 : i32
    %scan3A_55 = arith.constant 0 : i32
    %scan3A_56 = arith.constant 31 : i32
    %scan3A_57 = arith.addi %scan3A_55, %scan3A_56 : i32
    %scan3A_58 = arith.constant 1 : i32
    %scan3A_59:2 = scf.for %scan3A_144 = %scan3A_55 to %scan3A_57 step %scan3A_58 iter_args(%scan3A_145 = %scan3A_54, %scan3A_146 = %get3A_14) -> (i32, vector<16xi32>)  : i32 {
      %mul3A_147 = arith.constant 2 : i32
      %mul3A_148 = arith.muli %mul3A_147, %scan3A_144 : i32
      %add3A_149 = arith.constant 1 : i32
      %add3A_150 = arith.addi %mul3A_148, %add3A_149 : i32
      %add3A_151 = arith.constant 2 : i32
      %add3A_152 = arith.addi %mul3A_148, %add3A_151 : i32
      %mul3A_153 = arith.constant 32 : i32
      %mul3A_154 = arith.muli %mul3A_153, %add3A_150 : i32
      %add3A_155 = arith.addi %add3A, %mul3A_154 : i32
      %mul3A_156 = arith.constant 32 : i32
      %mul3A_157 = arith.muli %mul3A_156, %add3A_152 : i32
      %add3A_158 = arith.addi %add3A, %mul3A_157 : i32
      %add3A_159 = arith.constant 32 : i32
      %add3A_160 = vector.broadcast %add3A_159 : i32 to vector<16xi32>
      %add3A_161 = arith.addi %scan3A_146, %add3A_160 : vector<16xi32>
      %lt3A = arith.cmpi slt, %add3A_150, %add3A_11 : i32
      %convert_element_type3A = arith.extui %lt3A : i1 to i32
      %cond3A = arith.constant 0 : i32
      %cond3A_162 = arith.cmpi ne, %convert_element_type3A, %cond3A : i32
      scf.if %cond3A_162 {
        %mul3A_201 = arith.constant 512 : i32
        %mul3A_202 = arith.muli %add3A_155, %mul3A_201 : i32
        %min3A_203 = arith.constant 999552 : i32
        %min3A_204 = arith.minsi %mul3A_202, %min3A_203 : i32
        %multiple_of3A_205 = tpu.assume_multiple %min3A_204, 128 : i32
        %dma_start3A_206 = arith.constant 0 : i32
        %dma_start3A_207 = tpu.memref_slice %arg4[%dma_start3A_206, %multiple_of3A_205] : memref<64x1000000xf32, #tpu.memory_space<hbm>> -> memref<64x512xf32, #tpu.memory_space<hbm>>
        %dma_start3A_208 = arith.constant 0 : i32
        %dma_start3A_209 = tpu.memref_slice %arg4[%dma_start3A_208, %multiple_of3A_205] : memref<64x1000000xf32, #tpu.memory_space<hbm>> -> memref<64x512xf32, #tpu.memory_space<hbm>>
        tpu.enqueue_dma source(%dma_start3A_209 : memref<64x512xf32, #tpu.memory_space<hbm>>) target(%arg13 : memref<64x512xf32, #tpu.memory_space<vmem>>) target_semaphore(%arg20 : memref<!tpu.dma_semaphore, #tpu.memory_space<semaphore_mem>>)
      } else {
      }
      %dma_wait3A = arith.constant 0 : i32
      %dma_wait3A_163 = arith.constant 0 : i32
      %dma_wait3A_164 = tpu.memref_slice %arg4[%dma_wait3A, %dma_wait3A_163] : memref<64x1000000xf32, #tpu.memory_space<hbm>> -> memref<64x512xf32, #tpu.memory_space<hbm>>
      %dma_wait3A_165 = arith.constant 0 : i32
      %dma_wait3A_166 = arith.constant 0 : i32
      %dma_wait3A_167 = tpu.memref_slice %arg4[%dma_wait3A_165, %dma_wait3A_166] : memref<64x1000000xf32, #tpu.memory_space<hbm>> -> memref<64x512xf32, #tpu.memory_space<hbm>>
      tpu.wait_dma2 semaphore(%arg19 : memref<!tpu.dma_semaphore, #tpu.memory_space<semaphore_mem>>) src(%dma_wait3A_167 : memref<64x512xf32, #tpu.memory_space<hbm>>) dst(%arg12 : memref<64x512xf32, #tpu.memory_space<vmem>>)
      %mul3A_168 = arith.constant 512 : i32
      %mul3A_169 = vector.broadcast %mul3A_168 : i32 to vector<16xi32>
      %mul3A_170 = arith.muli %scan3A_146, %mul3A_169 : vector<16xi32>
      %mul3A_171 = arith.constant 0 : i32
      %mul3A_172 = vector.broadcast %mul3A_171 : i32 to vector<16xi32>
      %mul3A_173 = arith.muli %iota3A, %mul3A_172 : vector<16xi32>
      %add3A_174 = arith.constant 999552 : i32
      %add3A_175 = vector.broadcast %add3A_174 : i32 to vector<16xi32>
      %add3A_176 = arith.addi %mul3A_173, %add3A_175 : vector<16xi32>
      %min3A_177 = arith.minsi %mul3A_170, %add3A_176 : vector<16xi32>
      %while3A_178 = arith.constant 0 : i32
      %while3A_179 = arith.subi %select_n3A, %while3A_178 : i32
      %while3A_180 = arith.addi %while3A_178, %while3A_179 : i32
      %while3A_181 = arith.constant 1 : i32
      %while3A_182 = arith.divsi %while3A_179, %while3A_181 : i32
      %while3A_183 = arith.muli %while3A_182, %while3A_181 : i32
      %while3A_184 = arith.addi %while3A_178, %while3A_183 : i32
      %while3A_185 = arith.constant 1 : i32
      %while3A_186 = scf.for %while3A_201 = %while3A_178 to %while3A_184 step %while3A_185 iter_args(%while3A_202 = %scan3A_145) -> (i32)  : i32 {
        %mul3A_203 = arith.constant 16 : i32
        %mul3A_204 = arith.muli %while3A_201, %mul3A_203 : i32
        %get3A_205 = arith.index_cast %mul3A_204 : i32 to index
        %get3A_206 = tpu.vector_load %arg10[%get3A_205] {strides = array<i32>} : memref<16400xi32, #tpu.memory_space<vmem>>, vector<16xi32>,
        %mul3A_207 = arith.constant 16 : i32
        %mul3A_208 = arith.muli %while3A_201, %mul3A_207 : i32
        %get3A_209 = arith.index_cast %mul3A_208 : i32 to index
        %get3A_210 = tpu.vector_load %arg11[%get3A_209] {strides = array<i32>} : memref<16400xi32, #tpu.memory_space<vmem>>, vector<16xi32>,
        %sub3A_211 = arith.subi %get3A_206, %mul3A_170 : vector<16xi32>
        %ge3A = arith.constant 0 : i32
        %ge3A_212 = vector.broadcast %ge3A : i32 to vector<16xi32>
        %ge3A_213 = arith.cmpi sge, %sub3A_211, %ge3A_212 : vector<16xi32>
        %lt3A_214 = arith.constant 512 : i32
        %lt3A_215 = vector.broadcast %lt3A_214 : i32 to vector<16xi32>
        %lt3A_216 = arith.cmpi slt, %sub3A_211, %lt3A_215 : vector<16xi32>
        %and3A_217 = arith.andi %ge3A_213, %lt3A_216 : vector<16xi1>
        %mul3A_218 = arith.constant 0 : i32
        %mul3A_219 = vector.broadcast %mul3A_218 : i32 to vector<16xi32>
        %mul3A_220 = arith.muli %iota3A, %mul3A_219 : vector<16xi32>
        %add3A_221 = arith.constant 1 : i32
        %add3A_222 = vector.broadcast %add3A_221 : i32 to vector<16xi32>
        %add3A_223 = arith.addi %mul3A_220, %add3A_222 : vector<16xi32>
        %mul3A_224 = arith.constant 0 : i32
        %mul3A_225 = vector.broadcast %mul3A_224 : i32 to vector<16xi32>
        %mul3A_226 = arith.muli %iota3A, %mul3A_225 : vector<16xi32>
        %select_n3A_227 = arith.select %and3A_217, %add3A_223, %mul3A_226 : vector<16xi1>, vector<16xi32>
        %broadcast_in_dim3A_228 = arith.constant true
        %broadcast_in_dim3A_229 = vector.broadcast %broadcast_in_dim3A_228 : i1 to vector<16xi1>
        %masked_cumsum3A = tpu.scan <sum>, %select_n3A_227 masked %broadcast_in_dim3A_229 : vector<16xi32>, vector<16xi1> -> vector<16xi32>
        %slice3A_230 = vector.extract_strided_slice %masked_cumsum3A {offsets = [15], sizes = [1], strides = [1]} : vector<16xi32> to vector<1xi32>
        %squeeze3A_231 = vector.extract %slice3A_230[0] : i32 from vector<1xi32>
        %sub3A_232 = arith.subi %masked_cumsum3A, %select_n3A_227 : vector<16xi32>
        %add3A_233 = arith.constant 16 : i32
        %add3A_234 = vector.broadcast %add3A_233 : i32 to vector<16xi32>
        %add3A_235 = arith.addi %add3A_234, %iota3A : vector<16xi32>
        %select_n3A_236 = arith.select %and3A_217, %sub3A_232, %add3A_235 : vector<16xi1>, vector<16xi32>
        %sub3A_237 = arith.subi %get3A_206, %min3A_177 : vector<16xi32>
        tpu.vector_store_idx %arg14[%select_n3A_236], %sub3A_237 : memref<32xi32, #tpu.memory_space<vmem>>[vector<16xi32>], vector<16xi32>,
        tpu.vector_store_idx %arg15[%select_n3A_236], %get3A_210 : memref<32xi32, #tpu.memory_space<vmem>>[vector<16xi32>], vector<16xi32>,
        %mul3A_238 = arith.constant 0 : i32
        %mul3A_239 = vector.broadcast %mul3A_238 : i32 to vector<16xi32>
        %mul3A_240 = arith.muli %iota3A, %mul3A_239 : vector<16xi32>
        %while3A_241 = arith.constant 0 : i32
        %while3A_242 = arith.subi %squeeze3A_231, %while3A_241 : i32
        %while3A_243 = arith.addi %while3A_241, %while3A_242 : i32
        %while3A_244 = arith.constant 1 : i32
        %while3A_245 = arith.divsi %while3A_242, %while3A_244 : i32
        %while3A_246 = arith.muli %while3A_245, %while3A_244 : i32
        %while3A_247 = arith.addi %while3A_241, %while3A_246 : i32
        %while3A_248 = arith.constant 1 : i32
        %while3A_249:2 = scf.for %while3A_252 = %while3A_241 to %while3A_247 step %while3A_248 iter_args(%while3A_253 = %while3A_202, %while3A_254 = %mul3A_240) -> (i32, vector<16xi32>)  : i32 {
          %get3A_255 = arith.index_cast %while3A_252 : i32 to index
          %get3A_256 = tpu.vector_load %arg15[%get3A_255] {strides = array<i32>} : memref<32xi32, #tpu.memory_space<vmem>>, vector<16xi32>,
          %slice3A_257 = vector.extract_strided_slice %get3A_256 {offsets = [0], sizes = [1], strides = [1]} : vector<16xi32> to vector<1xi32>
          %squeeze3A_258 = vector.extract %slice3A_257[0] : i32 from vector<1xi32>
          %and3A_259 = arith.constant 15 : i32
          %and3A_260 = arith.andi %while3A_253, %and3A_259 : i32
          %ge3A_261 = arith.constant 16 : i32
          %ge3A_262 = arith.cmpi sge, %while3A_253, %ge3A_261 : i32
          %convert_element_type3A_263 = arith.extui %ge3A_262 : i1 to i32
          %cond3A_264 = arith.constant 0 : i32
          %cond3A_265 = arith.cmpi ne, %convert_element_type3A_263, %cond3A_264 : i32
          scf.if %cond3A_265 {
            %dma_wait3A_307 = arith.constant 0 : i32
            %dma_wait3A_308 = tpu.memref_slice %arg9[%dma_wait3A_307] : memref<16384xi32, #tpu.memory_space<vmem>> -> memref<64xi32, #tpu.memory_space<vmem>>
            %dma_wait3A_309 = arith.constant 0 : i32
            %dma_wait3A_310 = tpu.memref_slice %arg2[%dma_wait3A_309] : memref<16384xi32, #tpu.memory_space<hbm>> -> memref<64xi32, #tpu.memory_space<hbm>>
            %dma_wait3A_311 = arith.constant 0 : i32
            %dma_wait3A_312 = tpu.memref_slice %arg9[%dma_wait3A_311] : memref<16384xi32, #tpu.memory_space<vmem>> -> memref<64xi32, #tpu.memory_space<vmem>>
            %dma_wait3A_313 = arith.constant 0 : i32
            %dma_wait3A_314 = tpu.memref_slice %arg2[%dma_wait3A_313] : memref<16384xi32, #tpu.memory_space<hbm>> -> memref<64xi32, #tpu.memory_space<hbm>>
            tpu.wait_dma2 semaphore(%arg21 : memref<!tpu.dma_semaphore, #tpu.memory_space<semaphore_mem>>) src(%dma_wait3A_314 : memref<64xi32, #tpu.memory_space<hbm>>) dst(%dma_wait3A_312 : memref<64xi32, #tpu.memory_space<vmem>>)
          } else {
          }
          %gather3A = tpu.vector_load_idx %arg14[%while3A_254] : memref<32xi32, #tpu.memory_space<vmem>>[vector<16xi32>], vector<16xi32>,
          %add3A_266 = arith.constant 0 : i32
          %add3A_267 = vector.broadcast %add3A_266 : i32 to vector<16xi32>
          %add3A_268 = arith.addi %iota3A, %add3A_267 : vector<16xi32>
          %gather3A_269 = tpu.vector_load_idx %arg12[%add3A_268, %gather3A] : memref<64x512xf32, #tpu.memory_space<vmem>>[vector<16xi32>, vector<16xi32>], vector<16xf32>,
          %swap3A_270 = arith.index_cast %and3A_260 : i32 to index
          %swap3A_271 = arith.constant 0 : index
          %swap3A_272 = tpu.vector_load %arg18[%swap3A_270, %swap3A_271] {strides = array<i32>} : memref<16x64xf32, #tpu.memory_space<vmem>>, vector<16xf32>,
          tpu.vector_store %arg18[%swap3A_270, %swap3A_271], %gather3A_269 {strides = array<i32>} : memref<16x64xf32, #tpu.memory_space<vmem>>, vector<16xf32>,
          %add3A_273 = arith.constant 16 : i32
          %add3A_274 = vector.broadcast %add3A_273 : i32 to vector<16xi32>
          %add3A_275 = arith.addi %iota3A, %add3A_274 : vector<16xi32>
          %gather3A_276 = tpu.vector_load_idx %arg12[%add3A_275, %gather3A] : memref<64x512xf32, #tpu.memory_space<vmem>>[vector<16xi32>, vector<16xi32>], vector<16xf32>,
          %swap3A_277 = arith.index_cast %and3A_260 : i32 to index
          %swap3A_278 = arith.constant 16 : index
          %swap3A_279 = tpu.vector_load %arg18[%swap3A_277, %swap3A_278] {strides = array<i32>} : memref<16x64xf32, #tpu.memory_space<vmem>>, vector<16xf32>,
          tpu.vector_store %arg18[%swap3A_277, %swap3A_278], %gather3A_276 {strides = array<i32>} : memref<16x64xf32, #tpu.memory_space<vmem>>, vector<16xf32>,
          %add3A_280 = arith.constant 32 : i32
          %add3A_281 = vector.broadcast %add3A_280 : i32 to vector<16xi32>
          %add3A_282 = arith.addi %iota3A, %add3A_281 : vector<16xi32>
          %gather3A_283 = tpu.vector_load_idx %arg12[%add3A_282, %gather3A] : memref<64x512xf32, #tpu.memory_space<vmem>>[vector<16xi32>, vector<16xi32>], vector<16xf32>,
          %swap3A_284 = arith.index_cast %and3A_260 : i32 to index
          %swap3A_285 = arith.constant 32 : index
          %swap3A_286 = tpu.vector_load %arg18[%swap3A_284, %swap3A_285] {strides = array<i32>} : memref<16x64xf32, #tpu.memory_space<vmem>>, vector<16xf32>,
          tpu.vector_store %arg18[%swap3A_284, %swap3A_285], %gather3A_283 {strides = array<i32>} : memref<16x64xf32, #tpu.memory_space<vmem>>, vector<16xf32>,
          %add3A_287 = arith.constant 48 : i32
          %add3A_288 = vector.broadcast %add3A_287 : i32 to vector<16xi32>
          %add3A_289 = arith.addi %iota3A, %add3A_288 : vector<16xi32>
          %gather3A_290 = tpu.vector_load_idx %arg12[%add3A_289, %gather3A] : memref<64x512xf32, #tpu.memory_space<vmem>>[vector<16xi32>, vector<16xi32>], vector<16xf32>,
          %swap3A_291 = arith.index_cast %and3A_260 : i32 to index
          %swap3A_292 = arith.constant 48 : index
          %swap3A_293 = tpu.vector_load %arg18[%swap3A_291, %swap3A_292] {strides = array<i32>} : memref<16x64xf32, #tpu.memory_space<vmem>>, vector<16xf32>,
          tpu.vector_store %arg18[%swap3A_291, %swap3A_292], %gather3A_290 {strides = array<i32>} : memref<16x64xf32, #tpu.memory_space<vmem>>, vector<16xf32>,
          %dma_start3A_294 = arith.constant 0 : i32
          %dma_start3A_295 = tpu.memref_slice %arg18[%and3A_260, %dma_start3A_294] : memref<16x64xf32, #tpu.memory_space<vmem>> -> memref<1x64xf32, #tpu.memory_space<vmem>>
          %dma_start3A_296 = arith.constant 0 : i32
          %dma_start3A_297 = tpu.memref_slice %arg7[%squeeze3A_258, %dma_start3A_296] : memref<16384x64xf32, #tpu.memory_space<hbm>> -> memref<1x64xf32, #tpu.memory_space<hbm>>
          %dma_start3A_298 = arith.constant 0 : i32
          %dma_start3A_299 = tpu.memref_slice %arg7[%squeeze3A_258, %dma_start3A_298] : memref<16384x64xf32, #tpu.memory_space<hbm>> -> memref<1x64xf32, #tpu.memory_space<hbm>>
          %dma_start3A_300 = arith.constant 0 : i32
          %dma_start3A_301 = tpu.memref_slice %arg18[%and3A_260, %dma_start3A_300] : memref<16x64xf32, #tpu.memory_space<vmem>> -> memref<1x64xf32, #tpu.memory_space<vmem>>
          tpu.enqueue_dma source(%dma_start3A_301 : memref<1x64xf32, #tpu.memory_space<vmem>>) target(%dma_start3A_299 : memref<1x64xf32, #tpu.memory_space<hbm>>) target_semaphore(%arg21 : memref<!tpu.dma_semaphore, #tpu.memory_space<semaphore_mem>>)
          %add3A_302 = arith.constant 1 : i32
          %add3A_303 = arith.addi %while3A_253, %add3A_302 : i32
          %add3A_304 = arith.constant 1 : i32
          %add3A_305 = vector.broadcast %add3A_304 : i32 to vector<16xi32>
          %add3A_306 = arith.addi %while3A_254, %add3A_305 : vector<16xi32>
          scf.yield %add3A_303, %add3A_306 : i32, vector<16xi32>
        }
        %while3A_250 = arith.constant 1 : i32
        %while3A_251:2 = scf.for %while3A_252 = %while3A_247 to %while3A_243 step %while3A_250 iter_args(%while3A_253 = %while3A_249#0, %while3A_254 = %while3A_249#1) -> (i32, vector<16xi32>)  : i32 {
          %get3A_255 = arith.index_cast %while3A_252 : i32 to index
          %get3A_256 = tpu.vector_load %arg15[%get3A_255] {strides = array<i32>} : memref<32xi32, #tpu.memory_space<vmem>>, vector<16xi32>,
          %slice3A_257 = vector.extract_strided_slice %get3A_256 {offsets = [0], sizes = [1], strides = [1]} : vector<16xi32> to vector<1xi32>
          %squeeze3A_258 = vector.extract %slice3A_257[0] : i32 from vector<1xi32>
          %and3A_259 = arith.constant 15 : i32
          %and3A_260 = arith.andi %while3A_253, %and3A_259 : i32
          %ge3A_261 = arith.constant 16 : i32
          %ge3A_262 = arith.cmpi sge, %while3A_253, %ge3A_261 : i32
          %convert_element_type3A_263 = arith.extui %ge3A_262 : i1 to i32
          %cond3A_264 = arith.constant 0 : i32
          %cond3A_265 = arith.cmpi ne, %convert_element_type3A_263, %cond3A_264 : i32
          scf.if %cond3A_265 {
            %dma_wait3A_307 = arith.constant 0 : i32
            %dma_wait3A_308 = tpu.memref_slice %arg9[%dma_wait3A_307] : memref<16384xi32, #tpu.memory_space<vmem>> -> memref<64xi32, #tpu.memory_space<vmem>>
            %dma_wait3A_309 = arith.constant 0 : i32
            %dma_wait3A_310 = tpu.memref_slice %arg2[%dma_wait3A_309] : memref<16384xi32, #tpu.memory_space<hbm>> -> memref<64xi32, #tpu.memory_space<hbm>>
            %dma_wait3A_311 = arith.constant 0 : i32
            %dma_wait3A_312 = tpu.memref_slice %arg9[%dma_wait3A_311] : memref<16384xi32, #tpu.memory_space<vmem>> -> memref<64xi32, #tpu.memory_space<vmem>>
            %dma_wait3A_313 = arith.constant 0 : i32
            %dma_wait3A_314 = tpu.memref_slice %arg2[%dma_wait3A_313] : memref<16384xi32, #tpu.memory_space<hbm>> -> memref<64xi32, #tpu.memory_space<hbm>>
            tpu.wait_dma2 semaphore(%arg21 : memref<!tpu.dma_semaphore, #tpu.memory_space<semaphore_mem>>) src(%dma_wait3A_314 : memref<64xi32, #tpu.memory_space<hbm>>) dst(%dma_wait3A_312 : memref<64xi32, #tpu.memory_space<vmem>>)
          } else {
          }
          %gather3A = tpu.vector_load_idx %arg14[%while3A_254] : memref<32xi32, #tpu.memory_space<vmem>>[vector<16xi32>], vector<16xi32>,
          %add3A_266 = arith.constant 0 : i32
          %add3A_267 = vector.broadcast %add3A_266 : i32 to vector<16xi32>
          %add3A_268 = arith.addi %iota3A, %add3A_267 : vector<16xi32>
          %gather3A_269 = tpu.vector_load_idx %arg12[%add3A_268, %gather3A] : memref<64x512xf32, #tpu.memory_space<vmem>>[vector<16xi32>, vector<16xi32>], vector<16xf32>,
          %swap3A_270 = arith.index_cast %and3A_260 : i32 to index
          %swap3A_271 = arith.constant 0 : index
          %swap3A_272 = tpu.vector_load %arg18[%swap3A_270, %swap3A_271] {strides = array<i32>} : memref<16x64xf32, #tpu.memory_space<vmem>>, vector<16xf32>,
          tpu.vector_store %arg18[%swap3A_270, %swap3A_271], %gather3A_269 {strides = array<i32>} : memref<16x64xf32, #tpu.memory_space<vmem>>, vector<16xf32>,
          %add3A_273 = arith.constant 16 : i32
          %add3A_274 = vector.broadcast %add3A_273 : i32 to vector<16xi32>
          %add3A_275 = arith.addi %iota3A, %add3A_274 : vector<16xi32>
          %gather3A_276 = tpu.vector_load_idx %arg12[%add3A_275, %gather3A] : memref<64x512xf32, #tpu.memory_space<vmem>>[vector<16xi32>, vector<16xi32>], vector<16xf32>,
          %swap3A_277 = arith.index_cast %and3A_260 : i32 to index
          %swap3A_278 = arith.constant 16 : index
          %swap3A_279 = tpu.vector_load %arg18[%swap3A_277, %swap3A_278] {strides = array<i32>} : memref<16x64xf32, #tpu.memory_space<vmem>>, vector<16xf32>,
          tpu.vector_store %arg18[%swap3A_277, %swap3A_278], %gather3A_276 {strides = array<i32>} : memref<16x64xf32, #tpu.memory_space<vmem>>, vector<16xf32>,
          %add3A_280 = arith.constant 32 : i32
          %add3A_281 = vector.broadcast %add3A_280 : i32 to vector<16xi32>
          %add3A_282 = arith.addi %iota3A, %add3A_281 : vector<16xi32>
          %gather3A_283 = tpu.vector_load_idx %arg12[%add3A_282, %gather3A] : memref<64x512xf32, #tpu.memory_space<vmem>>[vector<16xi32>, vector<16xi32>], vector<16xf32>,
          %swap3A_284 = arith.index_cast %and3A_260 : i32 to index
          %swap3A_285 = arith.constant 32 : index
          %swap3A_286 = tpu.vector_load %arg18[%swap3A_284, %swap3A_285] {strides = array<i32>} : memref<16x64xf32, #tpu.memory_space<vmem>>, vector<16xf32>,
          tpu.vector_store %arg18[%swap3A_284, %swap3A_285], %gather3A_283 {strides = array<i32>} : memref<16x64xf32, #tpu.memory_space<vmem>>, vector<16xf32>,
          %add3A_287 = arith.constant 48 : i32
          %add3A_288 = vector.broadcast %add3A_287 : i32 to vector<16xi32>
          %add3A_289 = arith.addi %iota3A, %add3A_288 : vector<16xi32>
          %gather3A_290 = tpu.vector_load_idx %arg12[%add3A_289, %gather3A] : memref<64x512xf32, #tpu.memory_space<vmem>>[vector<16xi32>, vector<16xi32>], vector<16xf32>,
          %swap3A_291 = arith.index_cast %and3A_260 : i32 to index
          %swap3A_292 = arith.constant 48 : index
          %swap3A_293 = tpu.vector_load %arg18[%swap3A_291, %swap3A_292] {strides = array<i32>} : memref<16x64xf32, #tpu.memory_space<vmem>>, vector<16xf32>,
          tpu.vector_store %arg18[%swap3A_291, %swap3A_292], %gather3A_290 {strides = array<i32>} : memref<16x64xf32, #tpu.memory_space<vmem>>, vector<16xf32>,
          %dma_start3A_294 = arith.constant 0 : i32
          %dma_start3A_295 = tpu.memref_slice %arg18[%and3A_260, %dma_start3A_294] : memref<16x64xf32, #tpu.memory_space<vmem>> -> memref<1x64xf32, #tpu.memory_space<vmem>>
          %dma_start3A_296 = arith.constant 0 : i32
          %dma_start3A_297 = tpu.memref_slice %arg7[%squeeze3A_258, %dma_start3A_296] : memref<16384x64xf32, #tpu.memory_space<hbm>> -> memref<1x64xf32, #tpu.memory_space<hbm>>
          %dma_start3A_298 = arith.constant 0 : i32
          %dma_start3A_299 = tpu.memref_slice %arg7[%squeeze3A_258, %dma_start3A_298] : memref<16384x64xf32, #tpu.memory_space<hbm>> -> memref<1x64xf32, #tpu.memory_space<hbm>>
          %dma_start3A_300 = arith.constant 0 : i32
          %dma_start3A_301 = tpu.memref_slice %arg18[%and3A_260, %dma_start3A_300] : memref<16x64xf32, #tpu.memory_space<vmem>> -> memref<1x64xf32, #tpu.memory_space<vmem>>
          tpu.enqueue_dma source(%dma_start3A_301 : memref<1x64xf32, #tpu.memory_space<vmem>>) target(%dma_start3A_299 : memref<1x64xf32, #tpu.memory_space<hbm>>) target_semaphore(%arg21 : memref<!tpu.dma_semaphore, #tpu.memory_space<semaphore_mem>>)
          %add3A_302 = arith.constant 1 : i32
          %add3A_303 = arith.addi %while3A_253, %add3A_302 : i32
          %add3A_304 = arith.constant 1 : i32
          %add3A_305 = vector.broadcast %add3A_304 : i32 to vector<16xi32>
          %add3A_306 = arith.addi %while3A_254, %add3A_305 : vector<16xi32>
          scf.yield %add3A_303, %add3A_306 : i32, vector<16xi32>
        }
        scf.yield %while3A_251#0 : i32
      }
      %while3A_187 = arith.constant 1 : i32
      %while3A_188 = scf.for %while3A_201 = %while3A_184 to %while3A_180 step %while3A_187 iter_args(%while3A_202 = %while3A_186) -> (i32)  : i32 {
        %mul3A_203 = arith.constant 16 : i32
        %mul3A_204 = arith.muli %while3A_201, %mul3A_203 : i32
        %get3A_205 = arith.index_cast %mul3A_204 : i32 to index
        %get3A_206 = tpu.vector_load %arg10[%get3A_205] {strides = array<i32>} : memref<16400xi32, #tpu.memory_space<vmem>>, vector<16xi32>,
        %mul3A_207 = arith.constant 16 : i32
        %mul3A_208 = arith.muli %while3A_201, %mul3A_207 : i32
        %get3A_209 = arith.index_cast %mul3A_208 : i32 to index
        %get3A_210 = tpu.vector_load %arg11[%get3A_209] {strides = array<i32>} : memref<16400xi32, #tpu.memory_space<vmem>>, vector<16xi32>,
        %sub3A_211 = arith.subi %get3A_206, %mul3A_170 : vector<16xi32>
        %ge3A = arith.constant 0 : i32
        %ge3A_212 = vector.broadcast %ge3A : i32 to vector<16xi32>
        %ge3A_213 = arith.cmpi sge, %sub3A_211, %ge3A_212 : vector<16xi32>
        %lt3A_214 = arith.constant 512 : i32
        %lt3A_215 = vector.broadcast %lt3A_214 : i32 to vector<16xi32>
        %lt3A_216 = arith.cmpi slt, %sub3A_211, %lt3A_215 : vector<16xi32>
        %and3A_217 = arith.andi %ge3A_213, %lt3A_216 : vector<16xi1>
        %mul3A_218 = arith.constant 0 : i32
        %mul3A_219 = vector.broadcast %mul3A_218 : i32 to vector<16xi32>
        %mul3A_220 = arith.muli %iota3A, %mul3A_219 : vector<16xi32>
        %add3A_221 = arith.constant 1 : i32
        %add3A_222 = vector.broadcast %add3A_221 : i32 to vector<16xi32>
        %add3A_223 = arith.addi %mul3A_220, %add3A_222 : vector<16xi32>
        %mul3A_224 = arith.constant 0 : i32
        %mul3A_225 = vector.broadcast %mul3A_224 : i32 to vector<16xi32>
        %mul3A_226 = arith.muli %iota3A, %mul3A_225 : vector<16xi32>
        %select_n3A_227 = arith.select %and3A_217, %add3A_223, %mul3A_226 : vector<16xi1>, vector<16xi32>
        %broadcast_in_dim3A_228 = arith.constant true
        %broadcast_in_dim3A_229 = vector.broadcast %broadcast_in_dim3A_228 : i1 to vector<16xi1>
        %masked_cumsum3A = tpu.scan <sum>, %select_n3A_227 masked %broadcast_in_dim3A_229 : vector<16xi32>, vector<16xi1> -> vector<16xi32>
        %slice3A_230 = vector.extract_strided_slice %masked_cumsum3A {offsets = [15], sizes = [1], strides = [1]} : vector<16xi32> to vector<1xi32>
        %squeeze3A_231 = vector.extract %slice3A_230[0] : i32 from vector<1xi32>
        %sub3A_232 = arith.subi %masked_cumsum3A, %select_n3A_227 : vector<16xi32>
        %add3A_233 = arith.constant 16 : i32
        %add3A_234 = vector.broadcast %add3A_233 : i32 to vector<16xi32>
        %add3A_235 = arith.addi %add3A_234, %iota3A : vector<16xi32>
        %select_n3A_236 = arith.select %and3A_217, %sub3A_232, %add3A_235 : vector<16xi1>, vector<16xi32>
        %sub3A_237 = arith.subi %get3A_206, %min3A_177 : vector<16xi32>
        tpu.vector_store_idx %arg14[%select_n3A_236], %sub3A_237 : memref<32xi32, #tpu.memory_space<vmem>>[vector<16xi32>], vector<16xi32>,
        tpu.vector_store_idx %arg15[%select_n3A_236], %get3A_210 : memref<32xi32, #tpu.memory_space<vmem>>[vector<16xi32>], vector<16xi32>,
        %mul3A_238 = arith.constant 0 : i32
        %mul3A_239 = vector.broadcast %mul3A_238 : i32 to vector<16xi32>
        %mul3A_240 = arith.muli %iota3A, %mul3A_239 : vector<16xi32>
        %while3A_241 = arith.constant 0 : i32
        %while3A_242 = arith.subi %squeeze3A_231, %while3A_241 : i32
        %while3A_243 = arith.addi %while3A_241, %while3A_242 : i32
        %while3A_244 = arith.constant 1 : i32
        %while3A_245 = arith.divsi %while3A_242, %while3A_244 : i32
        %while3A_246 = arith.muli %while3A_245, %while3A_244 : i32
        %while3A_247 = arith.addi %while3A_241, %while3A_246 : i32
        %while3A_248 = arith.constant 1 : i32
        %while3A_249:2 = scf.for %while3A_252 = %while3A_241 to %while3A_247 step %while3A_248 iter_args(%while3A_253 = %while3A_202, %while3A_254 = %mul3A_240) -> (i32, vector<16xi32>)  : i32 {
          %get3A_255 = arith.index_cast %while3A_252 : i32 to index
          %get3A_256 = tpu.vector_load %arg15[%get3A_255] {strides = array<i32>} : memref<32xi32, #tpu.memory_space<vmem>>, vector<16xi32>,
          %slice3A_257 = vector.extract_strided_slice %get3A_256 {offsets = [0], sizes = [1], strides = [1]} : vector<16xi32> to vector<1xi32>
          %squeeze3A_258 = vector.extract %slice3A_257[0] : i32 from vector<1xi32>
          %and3A_259 = arith.constant 15 : i32
          %and3A_260 = arith.andi %while3A_253, %and3A_259 : i32
          %ge3A_261 = arith.constant 16 : i32
          %ge3A_262 = arith.cmpi sge, %while3A_253, %ge3A_261 : i32
          %convert_element_type3A_263 = arith.extui %ge3A_262 : i1 to i32
          %cond3A_264 = arith.constant 0 : i32
          %cond3A_265 = arith.cmpi ne, %convert_element_type3A_263, %cond3A_264 : i32
          scf.if %cond3A_265 {
            %dma_wait3A_307 = arith.constant 0 : i32
            %dma_wait3A_308 = tpu.memref_slice %arg9[%dma_wait3A_307] : memref<16384xi32, #tpu.memory_space<vmem>> -> memref<64xi32, #tpu.memory_space<vmem>>
            %dma_wait3A_309 = arith.constant 0 : i32
            %dma_wait3A_310 = tpu.memref_slice %arg2[%dma_wait3A_309] : memref<16384xi32, #tpu.memory_space<hbm>> -> memref<64xi32, #tpu.memory_space<hbm>>
            %dma_wait3A_311 = arith.constant 0 : i32
            %dma_wait3A_312 = tpu.memref_slice %arg9[%dma_wait3A_311] : memref<16384xi32, #tpu.memory_space<vmem>> -> memref<64xi32, #tpu.memory_space<vmem>>
            %dma_wait3A_313 = arith.constant 0 : i32
            %dma_wait3A_314 = tpu.memref_slice %arg2[%dma_wait3A_313] : memref<16384xi32, #tpu.memory_space<hbm>> -> memref<64xi32, #tpu.memory_space<hbm>>
            tpu.wait_dma2 semaphore(%arg21 : memref<!tpu.dma_semaphore, #tpu.memory_space<semaphore_mem>>) src(%dma_wait3A_314 : memref<64xi32, #tpu.memory_space<hbm>>) dst(%dma_wait3A_312 : memref<64xi32, #tpu.memory_space<vmem>>)
          } else {
          }
          %gather3A = tpu.vector_load_idx %arg14[%while3A_254] : memref<32xi32, #tpu.memory_space<vmem>>[vector<16xi32>], vector<16xi32>,
          %add3A_266 = arith.constant 0 : i32
          %add3A_267 = vector.broadcast %add3A_266 : i32 to vector<16xi32>
          %add3A_268 = arith.addi %iota3A, %add3A_267 : vector<16xi32>
          %gather3A_269 = tpu.vector_load_idx %arg12[%add3A_268, %gather3A] : memref<64x512xf32, #tpu.memory_space<vmem>>[vector<16xi32>, vector<16xi32>], vector<16xf32>,
          %swap3A_270 = arith.index_cast %and3A_260 : i32 to index
          %swap3A_271 = arith.constant 0 : index
          %swap3A_272 = tpu.vector_load %arg18[%swap3A_270, %swap3A_271] {strides = array<i32>} : memref<16x64xf32, #tpu.memory_space<vmem>>, vector<16xf32>,
          tpu.vector_store %arg18[%swap3A_270, %swap3A_271], %gather3A_269 {strides = array<i32>} : memref<16x64xf32, #tpu.memory_space<vmem>>, vector<16xf32>,
          %add3A_273 = arith.constant 16 : i32
          %add3A_274 = vector.broadcast %add3A_273 : i32 to vector<16xi32>
          %add3A_275 = arith.addi %iota3A, %add3A_274 : vector<16xi32>
          %gather3A_276 = tpu.vector_load_idx %arg12[%add3A_275, %gather3A] : memref<64x512xf32, #tpu.memory_space<vmem>>[vector<16xi32>, vector<16xi32>], vector<16xf32>,
          %swap3A_277 = arith.index_cast %and3A_260 : i32 to index
          %swap3A_278 = arith.constant 16 : index
          %swap3A_279 = tpu.vector_load %arg18[%swap3A_277, %swap3A_278] {strides = array<i32>} : memref<16x64xf32, #tpu.memory_space<vmem>>, vector<16xf32>,
          tpu.vector_store %arg18[%swap3A_277, %swap3A_278], %gather3A_276 {strides = array<i32>} : memref<16x64xf32, #tpu.memory_space<vmem>>, vector<16xf32>,
          %add3A_280 = arith.constant 32 : i32
          %add3A_281 = vector.broadcast %add3A_280 : i32 to vector<16xi32>
          %add3A_282 = arith.addi %iota3A, %add3A_281 : vector<16xi32>
          %gather3A_283 = tpu.vector_load_idx %arg12[%add3A_282, %gather3A] : memref<64x512xf32, #tpu.memory_space<vmem>>[vector<16xi32>, vector<16xi32>], vector<16xf32>,
          %swap3A_284 = arith.index_cast %and3A_260 : i32 to index
          %swap3A_285 = arith.constant 32 : index
          %swap3A_286 = tpu.vector_load %arg18[%swap3A_284, %swap3A_285] {strides = array<i32>} : memref<16x64xf32, #tpu.memory_space<vmem>>, vector<16xf32>,
          tpu.vector_store %arg18[%swap3A_284, %swap3A_285], %gather3A_283 {strides = array<i32>} : memref<16x64xf32, #tpu.memory_space<vmem>>, vector<16xf32>,
          %add3A_287 = arith.constant 48 : i32
          %add3A_288 = vector.broadcast %add3A_287 : i32 to vector<16xi32>
          %add3A_289 = arith.addi %iota3A, %add3A_288 : vector<16xi32>
          %gather3A_290 = tpu.vector_load_idx %arg12[%add3A_289, %gather3A] : memref<64x512xf32, #tpu.memory_space<vmem>>[vector<16xi32>, vector<16xi32>], vector<16xf32>,
          %swap3A_291 = arith.index_cast %and3A_260 : i32 to index
          %swap3A_292 = arith.constant 48 : index
          %swap3A_293 = tpu.vector_load %arg18[%swap3A_291, %swap3A_292] {strides = array<i32>} : memref<16x64xf32, #tpu.memory_space<vmem>>, vector<16xf32>,
          tpu.vector_store %arg18[%swap3A_291, %swap3A_292], %gather3A_290 {strides = array<i32>} : memref<16x64xf32, #tpu.memory_space<vmem>>, vector<16xf32>,
          %dma_start3A_294 = arith.constant 0 : i32
          %dma_start3A_295 = tpu.memref_slice %arg18[%and3A_260, %dma_start3A_294] : memref<16x64xf32, #tpu.memory_space<vmem>> -> memref<1x64xf32, #tpu.memory_space<vmem>>
          %dma_start3A_296 = arith.constant 0 : i32
          %dma_start3A_297 = tpu.memref_slice %arg7[%squeeze3A_258, %dma_start3A_296] : memref<16384x64xf32, #tpu.memory_space<hbm>> -> memref<1x64xf32, #tpu.memory_space<hbm>>
          %dma_start3A_298 = arith.constant 0 : i32
          %dma_start3A_299 = tpu.memref_slice %arg7[%squeeze3A_258, %dma_start3A_298] : memref<16384x64xf32, #tpu.memory_space<hbm>> -> memref<1x64xf32, #tpu.memory_space<hbm>>
          %dma_start3A_300 = arith.constant 0 : i32
          %dma_start3A_301 = tpu.memref_slice %arg18[%and3A_260, %dma_start3A_300] : memref<16x64xf32, #tpu.memory_space<vmem>> -> memref<1x64xf32, #tpu.memory_space<vmem>>
          tpu.enqueue_dma source(%dma_start3A_301 : memref<1x64xf32, #tpu.memory_space<vmem>>) target(%dma_start3A_299 : memref<1x64xf32, #tpu.memory_space<hbm>>) target_semaphore(%arg21 : memref<!tpu.dma_semaphore, #tpu.memory_space<semaphore_mem>>)
          %add3A_302 = arith.constant 1 : i32
          %add3A_303 = arith.addi %while3A_253, %add3A_302 : i32
          %add3A_304 = arith.constant 1 : i32
          %add3A_305 = vector.broadcast %add3A_304 : i32 to vector<16xi32>
          %add3A_306 = arith.addi %while3A_254, %add3A_305 : vector<16xi32>
          scf.yield %add3A_303, %add3A_306 : i32, vector<16xi32>
        }
        %while3A_250 = arith.constant 1 : i32
        %while3A_251:2 = scf.for %while3A_252 = %while3A_247 to %while3A_243 step %while3A_250 iter_args(%while3A_253 = %while3A_249#0, %while3A_254 = %while3A_249#1) -> (i32, vector<16xi32>)  : i32 {
          %get3A_255 = arith.index_cast %while3A_252 : i32 to index
          %get3A_256 = tpu.vector_load %arg15[%get3A_255] {strides = array<i32>} : memref<32xi32, #tpu.memory_space<vmem>>, vector<16xi32>,
          %slice3A_257 = vector.extract_strided_slice %get3A_256 {offsets = [0], sizes = [1], strides = [1]} : vector<16xi32> to vector<1xi32>
          %squeeze3A_258 = vector.extract %slice3A_257[0] : i32 from vector<1xi32>
          %and3A_259 = arith.constant 15 : i32
          %and3A_260 = arith.andi %while3A_253, %and3A_259 : i32
          %ge3A_261 = arith.constant 16 : i32
          %ge3A_262 = arith.cmpi sge, %while3A_253, %ge3A_261 : i32
          %convert_element_type3A_263 = arith.extui %ge3A_262 : i1 to i32
          %cond3A_264 = arith.constant 0 : i32
          %cond3A_265 = arith.cmpi ne, %convert_element_type3A_263, %cond3A_264 : i32
          scf.if %cond3A_265 {
            %dma_wait3A_307 = arith.constant 0 : i32
            %dma_wait3A_308 = tpu.memref_slice %arg9[%dma_wait3A_307] : memref<16384xi32, #tpu.memory_space<vmem>> -> memref<64xi32, #tpu.memory_space<vmem>>
            %dma_wait3A_309 = arith.constant 0 : i32
            %dma_wait3A_310 = tpu.memref_slice %arg2[%dma_wait3A_309] : memref<16384xi32, #tpu.memory_space<hbm>> -> memref<64xi32, #tpu.memory_space<hbm>>
            %dma_wait3A_311 = arith.constant 0 : i32
            %dma_wait3A_312 = tpu.memref_slice %arg9[%dma_wait3A_311] : memref<16384xi32, #tpu.memory_space<vmem>> -> memref<64xi32, #tpu.memory_space<vmem>>
            %dma_wait3A_313 = arith.constant 0 : i32
            %dma_wait3A_314 = tpu.memref_slice %arg2[%dma_wait3A_313] : memref<16384xi32, #tpu.memory_space<hbm>> -> memref<64xi32, #tpu.memory_space<hbm>>
            tpu.wait_dma2 semaphore(%arg21 : memref<!tpu.dma_semaphore, #tpu.memory_space<semaphore_mem>>) src(%dma_wait3A_314 : memref<64xi32, #tpu.memory_space<hbm>>) dst(%dma_wait3A_312 : memref<64xi32, #tpu.memory_space<vmem>>)
          } else {
          }
          %gather3A = tpu.vector_load_idx %arg14[%while3A_254] : memref<32xi32, #tpu.memory_space<vmem>>[vector<16xi32>], vector<16xi32>,
          %add3A_266 = arith.constant 0 : i32
          %add3A_267 = vector.broadcast %add3A_266 : i32 to vector<16xi32>
          %add3A_268 = arith.addi %iota3A, %add3A_267 : vector<16xi32>
          %gather3A_269 = tpu.vector_load_idx %arg12[%add3A_268, %gather3A] : memref<64x512xf32, #tpu.memory_space<vmem>>[vector<16xi32>, vector<16xi32>], vector<16xf32>,
          %swap3A_270 = arith.index_cast %and3A_260 : i32 to index
          %swap3A_271 = arith.constant 0 : index
          %swap3A_272 = tpu.vector_load %arg18[%swap3A_270, %swap3A_271] {strides = array<i32>} : memref<16x64xf32, #tpu.memory_space<vmem>>, vector<16xf32>,
          tpu.vector_store %arg18[%swap3A_270, %swap3A_271], %gather3A_269 {strides = array<i32>} : memref<16x64xf32, #tpu.memory_space<vmem>>, vector<16xf32>,
          %add3A_273 = arith.constant 16 : i32
          %add3A_274 = vector.broadcast %add3A_273 : i32 to vector<16xi32>
          %add3A_275 = arith.addi %iota3A, %add3A_274 : vector<16xi32>
          %gather3A_276 = tpu.vector_load_idx %arg12[%add3A_275, %gather3A] : memref<64x512xf32, #tpu.memory_space<vmem>>[vector<16xi32>, vector<16xi32>], vector<16xf32>,
          %swap3A_277 = arith.index_cast %and3A_260 : i32 to index
          %swap3A_278 = arith.constant 16 : index
          %swap3A_279 = tpu.vector_load %arg18[%swap3A_277, %swap3A_278] {strides = array<i32>} : memref<16x64xf32, #tpu.memory_space<vmem>>, vector<16xf32>,
          tpu.vector_store %arg18[%swap3A_277, %swap3A_278], %gather3A_276 {strides = array<i32>} : memref<16x64xf32, #tpu.memory_space<vmem>>, vector<16xf32>,
          %add3A_280 = arith.constant 32 : i32
          %add3A_281 = vector.broadcast %add3A_280 : i32 to vector<16xi32>
          %add3A_282 = arith.addi %iota3A, %add3A_281 : vector<16xi32>
          %gather3A_283 = tpu.vector_load_idx %arg12[%add3A_282, %gather3A] : memref<64x512xf32, #tpu.memory_space<vmem>>[vector<16xi32>, vector<16xi32>], vector<16xf32>,
          %swap3A_284 = arith.index_cast %and3A_260 : i32 to index
          %swap3A_285 = arith.constant 32 : index
          %swap3A_286 = tpu.vector_load %arg18[%swap3A_284, %swap3A_285] {strides = array<i32>} : memref<16x64xf32, #tpu.memory_space<vmem>>, vector<16xf32>,
          tpu.vector_store %arg18[%swap3A_284, %swap3A_285], %gather3A_283 {strides = array<i32>} : memref<16x64xf32, #tpu.memory_space<vmem>>, vector<16xf32>,
          %add3A_287 = arith.constant 48 : i32
          %add3A_288 = vector.broadcast %add3A_287 : i32 to vector<16xi32>
          %add3A_289 = arith.addi %iota3A, %add3A_288 : vector<16xi32>
          %gather3A_290 = tpu.vector_load_idx %arg12[%add3A_289, %gather3A] : memref<64x512xf32, #tpu.memory_space<vmem>>[vector<16xi32>, vector<16xi32>], vector<16xf32>,
          %swap3A_291 = arith.index_cast %and3A_260 : i32 to index
          %swap3A_292 = arith.constant 48 : index
          %swap3A_293 = tpu.vector_load %arg18[%swap3A_291, %swap3A_292] {strides = array<i32>} : memref<16x64xf32, #tpu.memory_space<vmem>>, vector<16xf32>,
          tpu.vector_store %arg18[%swap3A_291, %swap3A_292], %gather3A_290 {strides = array<i32>} : memref<16x64xf32, #tpu.memory_space<vmem>>, vector<16xf32>,
          %dma_start3A_294 = arith.constant 0 : i32
          %dma_start3A_295 = tpu.memref_slice %arg18[%and3A_260, %dma_start3A_294] : memref<16x64xf32, #tpu.memory_space<vmem>> -> memref<1x64xf32, #tpu.memory_space<vmem>>
          %dma_start3A_296 = arith.constant 0 : i32
          %dma_start3A_297 = tpu.memref_slice %arg7[%squeeze3A_258, %dma_start3A_296] : memref<16384x64xf32, #tpu.memory_space<hbm>> -> memref<1x64xf32, #tpu.memory_space<hbm>>
          %dma_start3A_298 = arith.constant 0 : i32
          %dma_start3A_299 = tpu.memref_slice %arg7[%squeeze3A_258, %dma_start3A_298] : memref<16384x64xf32, #tpu.memory_space<hbm>> -> memref<1x64xf32, #tpu.memory_space<hbm>>
          %dma_start3A_300 = arith.constant 0 : i32
          %dma_start3A_301 = tpu.memref_slice %arg18[%and3A_260, %dma_start3A_300] : memref<16x64xf32, #tpu.memory_space<vmem>> -> memref<1x64xf32, #tpu.memory_space<vmem>>
          tpu.enqueue_dma source(%dma_start3A_301 : memref<1x64xf32, #tpu.memory_space<vmem>>) target(%dma_start3A_299 : memref<1x64xf32, #tpu.memory_space<hbm>>) target_semaphore(%arg21 : memref<!tpu.dma_semaphore, #tpu.memory_space<semaphore_mem>>)
          %add3A_302 = arith.constant 1 : i32
          %add3A_303 = arith.addi %while3A_253, %add3A_302 : i32
          %add3A_304 = arith.constant 1 : i32
          %add3A_305 = vector.broadcast %add3A_304 : i32 to vector<16xi32>
          %add3A_306 = arith.addi %while3A_254, %add3A_305 : vector<16xi32>
          scf.yield %add3A_303, %add3A_306 : i32, vector<16xi32>
        }
        scf.yield %while3A_251#0 : i32
      }
      %lt3A_189 = arith.cmpi slt, %add3A_152, %add3A_11 : i32
      %convert_element_type3A_190 = arith.extui %lt3A_189 : i1 to i32
      %cond3A_191 = arith.constant 0 : i32
      %cond3A_192 = arith.cmpi ne, %convert_element_type3A_190, %cond3A_191 : i32
      scf.if %cond3A_192 {
        %mul3A_201 = arith.constant 512 : i32
        %mul3A_202 = arith.muli %add3A_158, %mul3A_201 : i32
        %min3A_203 = arith.constant 999552 : i32
        %min3A_204 = arith.minsi %mul3A_202, %min3A_203 : i32
        %multiple_of3A_205 = tpu.assume_multiple %min3A_204, 128 : i32
        %dma_start3A_206 = arith.constant 0 : i32
        %dma_start3A_207 = tpu.memref_slice %arg4[%dma_start3A_206, %multiple_of3A_205] : memref<64x1000000xf32, #tpu.memory_space<hbm>> -> memref<64x512xf32, #tpu.memory_space<hbm>>
        %dma_start3A_208 = arith.constant 0 : i32
        %dma_start3A_209 = tpu.memref_slice %arg4[%dma_start3A_208, %multiple_of3A_205] : memref<64x1000000xf32, #tpu.memory_space<hbm>> -> memref<64x512xf32, #tpu.memory_space<hbm>>
        tpu.enqueue_dma source(%dma_start3A_209 : memref<64x512xf32, #tpu.memory_space<hbm>>) target(%arg12 : memref<64x512xf32, #tpu.memory_space<vmem>>) target_semaphore(%arg19 : memref<!tpu.dma_semaphore, #tpu.memory_space<semaphore_mem>>)
      } else {
      }
      %lt3A_193 = arith.cmpi slt, %add3A_150, %add3A_11 : i32
      %convert_element_type3A_194 = arith.extui %lt3A_193 : i1 to i32
      %cond3A_195 = arith.constant 0 : i32
      %cond3A_196 = arith.cmpi ne, %convert_element_type3A_194, %cond3A_195 : i32
      %cond3A_197 = scf.if %cond3A_196 -> (i32) {
        %dma_wait3A_201 = arith.constant 0 : i32
        %dma_wait3A_202 = arith.constant 0 : i32
        %dma_wait3A_203 = tpu.memref_slice %arg4[%dma_wait3A_201, %dma_wait3A_202] : memref<64x1000000xf32, #tpu.memory_space<hbm>> -> memref<64x512xf32, #tpu.memory_space<hbm>>
        %dma_wait3A_204 = arith.constant 0 : i32
        %dma_wait3A_205 = arith.constant 0 : i32
        %dma_wait3A_206 = tpu.memref_slice %arg4[%dma_wait3A_204, %dma_wait3A_205] : memref<64x1000000xf32, #tpu.memory_space<hbm>> -> memref<64x512xf32, #tpu.memory_space<hbm>>
        tpu.wait_dma2 semaphore(%arg20 : memref<!tpu.dma_semaphore, #tpu.memory_space<semaphore_mem>>) src(%dma_wait3A_206 : memref<64x512xf32, #tpu.memory_space<hbm>>) dst(%arg13 : memref<64x512xf32, #tpu.memory_space<vmem>>)
        %mul3A_207 = arith.constant 512 : i32
        %mul3A_208 = vector.broadcast %mul3A_207 : i32 to vector<16xi32>
        %mul3A_209 = arith.muli %add3A_161, %mul3A_208 : vector<16xi32>
        %mul3A_210 = arith.constant 0 : i32
        %mul3A_211 = vector.broadcast %mul3A_210 : i32 to vector<16xi32>
        %mul3A_212 = arith.muli %iota3A, %mul3A_211 : vector<16xi32>
        %add3A_213 = arith.constant 999552 : i32
        %add3A_214 = vector.broadcast %add3A_213 : i32 to vector<16xi32>
        %add3A_215 = arith.addi %mul3A_212, %add3A_214 : vector<16xi32>
        %min3A_216 = arith.minsi %mul3A_209, %add3A_215 : vector<16xi32>
        %while3A_217 = arith.constant 0 : i32
        %while3A_218 = arith.subi %select_n3A, %while3A_217 : i32
        %while3A_219 = arith.addi %while3A_217, %while3A_218 : i32
        %while3A_220 = arith.constant 1 : i32
        %while3A_221 = arith.divsi %while3A_218, %while3A_220 : i32
        %while3A_222 = arith.muli %while3A_221, %while3A_220 : i32
        %while3A_223 = arith.addi %while3A_217, %while3A_222 : i32
        %while3A_224 = arith.constant 1 : i32
        %while3A_225 = scf.for %while3A_228 = %while3A_217 to %while3A_223 step %while3A_224 iter_args(%while3A_229 = %while3A_188) -> (i32)  : i32 {
          %mul3A_230 = arith.constant 16 : i32
          %mul3A_231 = arith.muli %while3A_228, %mul3A_230 : i32
          %get3A_232 = arith.index_cast %mul3A_231 : i32 to index
          %get3A_233 = tpu.vector_load %arg10[%get3A_232] {strides = array<i32>} : memref<16400xi32, #tpu.memory_space<vmem>>, vector<16xi32>,
          %mul3A_234 = arith.constant 16 : i32
          %mul3A_235 = arith.muli %while3A_228, %mul3A_234 : i32
          %get3A_236 = arith.index_cast %mul3A_235 : i32 to index
          %get3A_237 = tpu.vector_load %arg11[%get3A_236] {strides = array<i32>} : memref<16400xi32, #tpu.memory_space<vmem>>, vector<16xi32>,
          %sub3A_238 = arith.subi %get3A_233, %mul3A_209 : vector<16xi32>
          %ge3A = arith.constant 0 : i32
          %ge3A_239 = vector.broadcast %ge3A : i32 to vector<16xi32>
          %ge3A_240 = arith.cmpi sge, %sub3A_238, %ge3A_239 : vector<16xi32>
          %lt3A_241 = arith.constant 512 : i32
          %lt3A_242 = vector.broadcast %lt3A_241 : i32 to vector<16xi32>
          %lt3A_243 = arith.cmpi slt, %sub3A_238, %lt3A_242 : vector<16xi32>
          %and3A_244 = arith.andi %ge3A_240, %lt3A_243 : vector<16xi1>
          %mul3A_245 = arith.constant 0 : i32
          %mul3A_246 = vector.broadcast %mul3A_245 : i32 to vector<16xi32>
          %mul3A_247 = arith.muli %iota3A, %mul3A_246 : vector<16xi32>
          %add3A_248 = arith.constant 1 : i32
          %add3A_249 = vector.broadcast %add3A_248 : i32 to vector<16xi32>
          %add3A_250 = arith.addi %mul3A_247, %add3A_249 : vector<16xi32>
          %mul3A_251 = arith.constant 0 : i32
          %mul3A_252 = vector.broadcast %mul3A_251 : i32 to vector<16xi32>
          %mul3A_253 = arith.muli %iota3A, %mul3A_252 : vector<16xi32>
          %select_n3A_254 = arith.select %and3A_244, %add3A_250, %mul3A_253 : vector<16xi1>, vector<16xi32>
          %broadcast_in_dim3A_255 = arith.constant true
          %broadcast_in_dim3A_256 = vector.broadcast %broadcast_in_dim3A_255 : i1 to vector<16xi1>
          %masked_cumsum3A = tpu.scan <sum>, %select_n3A_254 masked %broadcast_in_dim3A_256 : vector<16xi32>, vector<16xi1> -> vector<16xi32>
          %slice3A_257 = vector.extract_strided_slice %masked_cumsum3A {offsets = [15], sizes = [1], strides = [1]} : vector<16xi32> to vector<1xi32>
          %squeeze3A_258 = vector.extract %slice3A_257[0] : i32 from vector<1xi32>
          %sub3A_259 = arith.subi %masked_cumsum3A, %select_n3A_254 : vector<16xi32>
          %add3A_260 = arith.constant 16 : i32
          %add3A_261 = vector.broadcast %add3A_260 : i32 to vector<16xi32>
          %add3A_262 = arith.addi %add3A_261, %iota3A : vector<16xi32>
          %select_n3A_263 = arith.select %and3A_244, %sub3A_259, %add3A_262 : vector<16xi1>, vector<16xi32>
          %sub3A_264 = arith.subi %get3A_233, %min3A_216 : vector<16xi32>
          tpu.vector_store_idx %arg14[%select_n3A_263], %sub3A_264 : memref<32xi32, #tpu.memory_space<vmem>>[vector<16xi32>], vector<16xi32>,
          tpu.vector_store_idx %arg15[%select_n3A_263], %get3A_237 : memref<32xi32, #tpu.memory_space<vmem>>[vector<16xi32>], vector<16xi32>,
          %mul3A_265 = arith.constant 0 : i32
          %mul3A_266 = vector.broadcast %mul3A_265 : i32 to vector<16xi32>
          %mul3A_267 = arith.muli %iota3A, %mul3A_266 : vector<16xi32>
          %while3A_268 = arith.constant 0 : i32
          %while3A_269 = arith.subi %squeeze3A_258, %while3A_268 : i32
          %while3A_270 = arith.addi %while3A_268, %while3A_269 : i32
          %while3A_271 = arith.constant 1 : i32
          %while3A_272 = arith.divsi %while3A_269, %while3A_271 : i32
          %while3A_273 = arith.muli %while3A_272, %while3A_271 : i32
          %while3A_274 = arith.addi %while3A_268, %while3A_273 : i32
          %while3A_275 = arith.constant 1 : i32
          %while3A_276:2 = scf.for %while3A_279 = %while3A_268 to %while3A_274 step %while3A_275 iter_args(%while3A_280 = %while3A_229, %while3A_281 = %mul3A_267) -> (i32, vector<16xi32>)  : i32 {
            %get3A_282 = arith.index_cast %while3A_279 : i32 to index
            %get3A_283 = tpu.vector_load %arg15[%get3A_282] {strides = array<i32>} : memref<32xi32, #tpu.memory_space<vmem>>, vector<16xi32>,
            %slice3A_284 = vector.extract_strided_slice %get3A_283 {offsets = [0], sizes = [1], strides = [1]} : vector<16xi32> to vector<1xi32>
            %squeeze3A_285 = vector.extract %slice3A_284[0] : i32 from vector<1xi32>
            %and3A_286 = arith.constant 15 : i32
            %and3A_287 = arith.andi %while3A_280, %and3A_286 : i32
            %ge3A_288 = arith.constant 16 : i32
            %ge3A_289 = arith.cmpi sge, %while3A_280, %ge3A_288 : i32
            %convert_element_type3A_290 = arith.extui %ge3A_289 : i1 to i32
            %cond3A_291 = arith.constant 0 : i32
            %cond3A_292 = arith.cmpi ne, %convert_element_type3A_290, %cond3A_291 : i32
            scf.if %cond3A_292 {
              %dma_wait3A_334 = arith.constant 0 : i32
              %dma_wait3A_335 = tpu.memref_slice %arg9[%dma_wait3A_334] : memref<16384xi32, #tpu.memory_space<vmem>> -> memref<64xi32, #tpu.memory_space<vmem>>
              %dma_wait3A_336 = arith.constant 0 : i32
              %dma_wait3A_337 = tpu.memref_slice %arg2[%dma_wait3A_336] : memref<16384xi32, #tpu.memory_space<hbm>> -> memref<64xi32, #tpu.memory_space<hbm>>
              %dma_wait3A_338 = arith.constant 0 : i32
              %dma_wait3A_339 = tpu.memref_slice %arg9[%dma_wait3A_338] : memref<16384xi32, #tpu.memory_space<vmem>> -> memref<64xi32, #tpu.memory_space<vmem>>
              %dma_wait3A_340 = arith.constant 0 : i32
              %dma_wait3A_341 = tpu.memref_slice %arg2[%dma_wait3A_340] : memref<16384xi32, #tpu.memory_space<hbm>> -> memref<64xi32, #tpu.memory_space<hbm>>
              tpu.wait_dma2 semaphore(%arg21 : memref<!tpu.dma_semaphore, #tpu.memory_space<semaphore_mem>>) src(%dma_wait3A_341 : memref<64xi32, #tpu.memory_space<hbm>>) dst(%dma_wait3A_339 : memref<64xi32, #tpu.memory_space<vmem>>)
            } else {
            }
            %gather3A = tpu.vector_load_idx %arg14[%while3A_281] : memref<32xi32, #tpu.memory_space<vmem>>[vector<16xi32>], vector<16xi32>,
            %add3A_293 = arith.constant 0 : i32
            %add3A_294 = vector.broadcast %add3A_293 : i32 to vector<16xi32>
            %add3A_295 = arith.addi %iota3A, %add3A_294 : vector<16xi32>
            %gather3A_296 = tpu.vector_load_idx %arg13[%add3A_295, %gather3A] : memref<64x512xf32, #tpu.memory_space<vmem>>[vector<16xi32>, vector<16xi32>], vector<16xf32>,
            %swap3A_297 = arith.index_cast %and3A_287 : i32 to index
            %swap3A_298 = arith.constant 0 : index
            %swap3A_299 = tpu.vector_load %arg18[%swap3A_297, %swap3A_298] {strides = array<i32>} : memref<16x64xf32, #tpu.memory_space<vmem>>, vector<16xf32>,
            tpu.vector_store %arg18[%swap3A_297, %swap3A_298], %gather3A_296 {strides = array<i32>} : memref<16x64xf32, #tpu.memory_space<vmem>>, vector<16xf32>,
            %add3A_300 = arith.constant 16 : i32
            %add3A_301 = vector.broadcast %add3A_300 : i32 to vector<16xi32>
            %add3A_302 = arith.addi %iota3A, %add3A_301 : vector<16xi32>
            %gather3A_303 = tpu.vector_load_idx %arg13[%add3A_302, %gather3A] : memref<64x512xf32, #tpu.memory_space<vmem>>[vector<16xi32>, vector<16xi32>], vector<16xf32>,
            %swap3A_304 = arith.index_cast %and3A_287 : i32 to index
            %swap3A_305 = arith.constant 16 : index
            %swap3A_306 = tpu.vector_load %arg18[%swap3A_304, %swap3A_305] {strides = array<i32>} : memref<16x64xf32, #tpu.memory_space<vmem>>, vector<16xf32>,
            tpu.vector_store %arg18[%swap3A_304, %swap3A_305], %gather3A_303 {strides = array<i32>} : memref<16x64xf32, #tpu.memory_space<vmem>>, vector<16xf32>,
            %add3A_307 = arith.constant 32 : i32
            %add3A_308 = vector.broadcast %add3A_307 : i32 to vector<16xi32>
            %add3A_309 = arith.addi %iota3A, %add3A_308 : vector<16xi32>
            %gather3A_310 = tpu.vector_load_idx %arg13[%add3A_309, %gather3A] : memref<64x512xf32, #tpu.memory_space<vmem>>[vector<16xi32>, vector<16xi32>], vector<16xf32>,
            %swap3A_311 = arith.index_cast %and3A_287 : i32 to index
            %swap3A_312 = arith.constant 32 : index
            %swap3A_313 = tpu.vector_load %arg18[%swap3A_311, %swap3A_312] {strides = array<i32>} : memref<16x64xf32, #tpu.memory_space<vmem>>, vector<16xf32>,
            tpu.vector_store %arg18[%swap3A_311, %swap3A_312], %gather3A_310 {strides = array<i32>} : memref<16x64xf32, #tpu.memory_space<vmem>>, vector<16xf32>,
            %add3A_314 = arith.constant 48 : i32
            %add3A_315 = vector.broadcast %add3A_314 : i32 to vector<16xi32>
            %add3A_316 = arith.addi %iota3A, %add3A_315 : vector<16xi32>
            %gather3A_317 = tpu.vector_load_idx %arg13[%add3A_316, %gather3A] : memref<64x512xf32, #tpu.memory_space<vmem>>[vector<16xi32>, vector<16xi32>], vector<16xf32>,
            %swap3A_318 = arith.index_cast %and3A_287 : i32 to index
            %swap3A_319 = arith.constant 48 : index
            %swap3A_320 = tpu.vector_load %arg18[%swap3A_318, %swap3A_319] {strides = array<i32>} : memref<16x64xf32, #tpu.memory_space<vmem>>, vector<16xf32>,
            tpu.vector_store %arg18[%swap3A_318, %swap3A_319], %gather3A_317 {strides = array<i32>} : memref<16x64xf32, #tpu.memory_space<vmem>>, vector<16xf32>,
            %dma_start3A_321 = arith.constant 0 : i32
            %dma_start3A_322 = tpu.memref_slice %arg18[%and3A_287, %dma_start3A_321] : memref<16x64xf32, #tpu.memory_space<vmem>> -> memref<1x64xf32, #tpu.memory_space<vmem>>
            %dma_start3A_323 = arith.constant 0 : i32
            %dma_start3A_324 = tpu.memref_slice %arg7[%squeeze3A_285, %dma_start3A_323] : memref<16384x64xf32, #tpu.memory_space<hbm>> -> memref<1x64xf32, #tpu.memory_space<hbm>>
            %dma_start3A_325 = arith.constant 0 : i32
            %dma_start3A_326 = tpu.memref_slice %arg7[%squeeze3A_285, %dma_start3A_325] : memref<16384x64xf32, #tpu.memory_space<hbm>> -> memref<1x64xf32, #tpu.memory_space<hbm>>
            %dma_start3A_327 = arith.constant 0 : i32
            %dma_start3A_328 = tpu.memref_slice %arg18[%and3A_287, %dma_start3A_327] : memref<16x64xf32, #tpu.memory_space<vmem>> -> memref<1x64xf32, #tpu.memory_space<vmem>>
            tpu.enqueue_dma source(%dma_start3A_328 : memref<1x64xf32, #tpu.memory_space<vmem>>) target(%dma_start3A_326 : memref<1x64xf32, #tpu.memory_space<hbm>>) target_semaphore(%arg21 : memref<!tpu.dma_semaphore, #tpu.memory_space<semaphore_mem>>)
            %add3A_329 = arith.constant 1 : i32
            %add3A_330 = arith.addi %while3A_280, %add3A_329 : i32
            %add3A_331 = arith.constant 1 : i32
            %add3A_332 = vector.broadcast %add3A_331 : i32 to vector<16xi32>
            %add3A_333 = arith.addi %while3A_281, %add3A_332 : vector<16xi32>
            scf.yield %add3A_330, %add3A_333 : i32, vector<16xi32>
          }
          %while3A_277 = arith.constant 1 : i32
          %while3A_278:2 = scf.for %while3A_279 = %while3A_274 to %while3A_270 step %while3A_277 iter_args(%while3A_280 = %while3A_276#0, %while3A_281 = %while3A_276#1) -> (i32, vector<16xi32>)  : i32 {
            %get3A_282 = arith.index_cast %while3A_279 : i32 to index
            %get3A_283 = tpu.vector_load %arg15[%get3A_282] {strides = array<i32>} : memref<32xi32, #tpu.memory_space<vmem>>, vector<16xi32>,
            %slice3A_284 = vector.extract_strided_slice %get3A_283 {offsets = [0], sizes = [1], strides = [1]} : vector<16xi32> to vector<1xi32>
            %squeeze3A_285 = vector.extract %slice3A_284[0] : i32 from vector<1xi32>
            %and3A_286 = arith.constant 15 : i32
            %and3A_287 = arith.andi %while3A_280, %and3A_286 : i32
            %ge3A_288 = arith.constant 16 : i32
            %ge3A_289 = arith.cmpi sge, %while3A_280, %ge3A_288 : i32
            %convert_element_type3A_290 = arith.extui %ge3A_289 : i1 to i32
            %cond3A_291 = arith.constant 0 : i32
            %cond3A_292 = arith.cmpi ne, %convert_element_type3A_290, %cond3A_291 : i32
            scf.if %cond3A_292 {
              %dma_wait3A_334 = arith.constant 0 : i32
              %dma_wait3A_335 = tpu.memref_slice %arg9[%dma_wait3A_334] : memref<16384xi32, #tpu.memory_space<vmem>> -> memref<64xi32, #tpu.memory_space<vmem>>
              %dma_wait3A_336 = arith.constant 0 : i32
              %dma_wait3A_337 = tpu.memref_slice %arg2[%dma_wait3A_336] : memref<16384xi32, #tpu.memory_space<hbm>> -> memref<64xi32, #tpu.memory_space<hbm>>
              %dma_wait3A_338 = arith.constant 0 : i32
              %dma_wait3A_339 = tpu.memref_slice %arg9[%dma_wait3A_338] : memref<16384xi32, #tpu.memory_space<vmem>> -> memref<64xi32, #tpu.memory_space<vmem>>
              %dma_wait3A_340 = arith.constant 0 : i32
              %dma_wait3A_341 = tpu.memref_slice %arg2[%dma_wait3A_340] : memref<16384xi32, #tpu.memory_space<hbm>> -> memref<64xi32, #tpu.memory_space<hbm>>
              tpu.wait_dma2 semaphore(%arg21 : memref<!tpu.dma_semaphore, #tpu.memory_space<semaphore_mem>>) src(%dma_wait3A_341 : memref<64xi32, #tpu.memory_space<hbm>>) dst(%dma_wait3A_339 : memref<64xi32, #tpu.memory_space<vmem>>)
            } else {
            }
            %gather3A = tpu.vector_load_idx %arg14[%while3A_281] : memref<32xi32, #tpu.memory_space<vmem>>[vector<16xi32>], vector<16xi32>,
            %add3A_293 = arith.constant 0 : i32
            %add3A_294 = vector.broadcast %add3A_293 : i32 to vector<16xi32>
            %add3A_295 = arith.addi %iota3A, %add3A_294 : vector<16xi32>
            %gather3A_296 = tpu.vector_load_idx %arg13[%add3A_295, %gather3A] : memref<64x512xf32, #tpu.memory_space<vmem>>[vector<16xi32>, vector<16xi32>], vector<16xf32>,
            %swap3A_297 = arith.index_cast %and3A_287 : i32 to index
            %swap3A_298 = arith.constant 0 : index
            %swap3A_299 = tpu.vector_load %arg18[%swap3A_297, %swap3A_298] {strides = array<i32>} : memref<16x64xf32, #tpu.memory_space<vmem>>, vector<16xf32>,
            tpu.vector_store %arg18[%swap3A_297, %swap3A_298], %gather3A_296 {strides = array<i32>} : memref<16x64xf32, #tpu.memory_space<vmem>>, vector<16xf32>,
            %add3A_300 = arith.constant 16 : i32
            %add3A_301 = vector.broadcast %add3A_300 : i32 to vector<16xi32>
            %add3A_302 = arith.addi %iota3A, %add3A_301 : vector<16xi32>
            %gather3A_303 = tpu.vector_load_idx %arg13[%add3A_302, %gather3A] : memref<64x512xf32, #tpu.memory_space<vmem>>[vector<16xi32>, vector<16xi32>], vector<16xf32>,
            %swap3A_304 = arith.index_cast %and3A_287 : i32 to index
            %swap3A_305 = arith.constant 16 : index
            %swap3A_306 = tpu.vector_load %arg18[%swap3A_304, %swap3A_305] {strides = array<i32>} : memref<16x64xf32, #tpu.memory_space<vmem>>, vector<16xf32>,
            tpu.vector_store %arg18[%swap3A_304, %swap3A_305], %gather3A_303 {strides = array<i32>} : memref<16x64xf32, #tpu.memory_space<vmem>>, vector<16xf32>,
            %add3A_307 = arith.constant 32 : i32
            %add3A_308 = vector.broadcast %add3A_307 : i32 to vector<16xi32>
            %add3A_309 = arith.addi %iota3A, %add3A_308 : vector<16xi32>
            %gather3A_310 = tpu.vector_load_idx %arg13[%add3A_309, %gather3A] : memref<64x512xf32, #tpu.memory_space<vmem>>[vector<16xi32>, vector<16xi32>], vector<16xf32>,
            %swap3A_311 = arith.index_cast %and3A_287 : i32 to index
            %swap3A_312 = arith.constant 32 : index
            %swap3A_313 = tpu.vector_load %arg18[%swap3A_311, %swap3A_312] {strides = array<i32>} : memref<16x64xf32, #tpu.memory_space<vmem>>, vector<16xf32>,
            tpu.vector_store %arg18[%swap3A_311, %swap3A_312], %gather3A_310 {strides = array<i32>} : memref<16x64xf32, #tpu.memory_space<vmem>>, vector<16xf32>,
            %add3A_314 = arith.constant 48 : i32
            %add3A_315 = vector.broadcast %add3A_314 : i32 to vector<16xi32>
            %add3A_316 = arith.addi %iota3A, %add3A_315 : vector<16xi32>
            %gather3A_317 = tpu.vector_load_idx %arg13[%add3A_316, %gather3A] : memref<64x512xf32, #tpu.memory_space<vmem>>[vector<16xi32>, vector<16xi32>], vector<16xf32>,
            %swap3A_318 = arith.index_cast %and3A_287 : i32 to index
            %swap3A_319 = arith.constant 48 : index
            %swap3A_320 = tpu.vector_load %arg18[%swap3A_318, %swap3A_319] {strides = array<i32>} : memref<16x64xf32, #tpu.memory_space<vmem>>, vector<16xf32>,
            tpu.vector_store %arg18[%swap3A_318, %swap3A_319], %gather3A_317 {strides = array<i32>} : memref<16x64xf32, #tpu.memory_space<vmem>>, vector<16xf32>,
            %dma_start3A_321 = arith.constant 0 : i32
            %dma_start3A_322 = tpu.memref_slice %arg18[%and3A_287, %dma_start3A_321] : memref<16x64xf32, #tpu.memory_space<vmem>> -> memref<1x64xf32, #tpu.memory_space<vmem>>
            %dma_start3A_323 = arith.constant 0 : i32
            %dma_start3A_324 = tpu.memref_slice %arg7[%squeeze3A_285, %dma_start3A_323] : memref<16384x64xf32, #tpu.memory_space<hbm>> -> memref<1x64xf32, #tpu.memory_space<hbm>>
            %dma_start3A_325 = arith.constant 0 : i32
            %dma_start3A_326 = tpu.memref_slice %arg7[%squeeze3A_285, %dma_start3A_325] : memref<16384x64xf32, #tpu.memory_space<hbm>> -> memref<1x64xf32, #tpu.memory_space<hbm>>
            %dma_start3A_327 = arith.constant 0 : i32
            %dma_start3A_328 = tpu.memref_slice %arg18[%and3A_287, %dma_start3A_327] : memref<16x64xf32, #tpu.memory_space<vmem>> -> memref<1x64xf32, #tpu.memory_space<vmem>>
            tpu.enqueue_dma source(%dma_start3A_328 : memref<1x64xf32, #tpu.memory_space<vmem>>) target(%dma_start3A_326 : memref<1x64xf32, #tpu.memory_space<hbm>>) target_semaphore(%arg21 : memref<!tpu.dma_semaphore, #tpu.memory_space<semaphore_mem>>)
            %add3A_329 = arith.constant 1 : i32
            %add3A_330 = arith.addi %while3A_280, %add3A_329 : i32
            %add3A_331 = arith.constant 1 : i32
            %add3A_332 = vector.broadcast %add3A_331 : i32 to vector<16xi32>
            %add3A_333 = arith.addi %while3A_281, %add3A_332 : vector<16xi32>
            scf.yield %add3A_330, %add3A_333 : i32, vector<16xi32>
          }
          scf.yield %while3A_278#0 : i32
        }
        %while3A_226 = arith.constant 1 : i32
        %while3A_227 = scf.for %while3A_228 = %while3A_223 to %while3A_219 step %while3A_226 iter_args(%while3A_229 = %while3A_225) -> (i32)  : i32 {
          %mul3A_230 = arith.constant 16 : i32
          %mul3A_231 = arith.muli %while3A_228, %mul3A_230 : i32
          %get3A_232 = arith.index_cast %mul3A_231 : i32 to index
          %get3A_233 = tpu.vector_load %arg10[%get3A_232] {strides = array<i32>} : memref<16400xi32, #tpu.memory_space<vmem>>, vector<16xi32>,
          %mul3A_234 = arith.constant 16 : i32
          %mul3A_235 = arith.muli %while3A_228, %mul3A_234 : i32
          %get3A_236 = arith.index_cast %mul3A_235 : i32 to index
          %get3A_237 = tpu.vector_load %arg11[%get3A_236] {strides = array<i32>} : memref<16400xi32, #tpu.memory_space<vmem>>, vector<16xi32>,
          %sub3A_238 = arith.subi %get3A_233, %mul3A_209 : vector<16xi32>
          %ge3A = arith.constant 0 : i32
          %ge3A_239 = vector.broadcast %ge3A : i32 to vector<16xi32>
          %ge3A_240 = arith.cmpi sge, %sub3A_238, %ge3A_239 : vector<16xi32>
          %lt3A_241 = arith.constant 512 : i32
          %lt3A_242 = vector.broadcast %lt3A_241 : i32 to vector<16xi32>
          %lt3A_243 = arith.cmpi slt, %sub3A_238, %lt3A_242 : vector<16xi32>
          %and3A_244 = arith.andi %ge3A_240, %lt3A_243 : vector<16xi1>
          %mul3A_245 = arith.constant 0 : i32
          %mul3A_246 = vector.broadcast %mul3A_245 : i32 to vector<16xi32>
          %mul3A_247 = arith.muli %iota3A, %mul3A_246 : vector<16xi32>
          %add3A_248 = arith.constant 1 : i32
          %add3A_249 = vector.broadcast %add3A_248 : i32 to vector<16xi32>
          %add3A_250 = arith.addi %mul3A_247, %add3A_249 : vector<16xi32>
          %mul3A_251 = arith.constant 0 : i32
          %mul3A_252 = vector.broadcast %mul3A_251 : i32 to vector<16xi32>
          %mul3A_253 = arith.muli %iota3A, %mul3A_252 : vector<16xi32>
          %select_n3A_254 = arith.select %and3A_244, %add3A_250, %mul3A_253 : vector<16xi1>, vector<16xi32>
          %broadcast_in_dim3A_255 = arith.constant true
          %broadcast_in_dim3A_256 = vector.broadcast %broadcast_in_dim3A_255 : i1 to vector<16xi1>
          %masked_cumsum3A = tpu.scan <sum>, %select_n3A_254 masked %broadcast_in_dim3A_256 : vector<16xi32>, vector<16xi1> -> vector<16xi32>
          %slice3A_257 = vector.extract_strided_slice %masked_cumsum3A {offsets = [15], sizes = [1], strides = [1]} : vector<16xi32> to vector<1xi32>
          %squeeze3A_258 = vector.extract %slice3A_257[0] : i32 from vector<1xi32>
          %sub3A_259 = arith.subi %masked_cumsum3A, %select_n3A_254 : vector<16xi32>
          %add3A_260 = arith.constant 16 : i32
          %add3A_261 = vector.broadcast %add3A_260 : i32 to vector<16xi32>
          %add3A_262 = arith.addi %add3A_261, %iota3A : vector<16xi32>
          %select_n3A_263 = arith.select %and3A_244, %sub3A_259, %add3A_262 : vector<16xi1>, vector<16xi32>
          %sub3A_264 = arith.subi %get3A_233, %min3A_216 : vector<16xi32>
          tpu.vector_store_idx %arg14[%select_n3A_263], %sub3A_264 : memref<32xi32, #tpu.memory_space<vmem>>[vector<16xi32>], vector<16xi32>,
          tpu.vector_store_idx %arg15[%select_n3A_263], %get3A_237 : memref<32xi32, #tpu.memory_space<vmem>>[vector<16xi32>], vector<16xi32>,
          %mul3A_265 = arith.constant 0 : i32
          %mul3A_266 = vector.broadcast %mul3A_265 : i32 to vector<16xi32>
          %mul3A_267 = arith.muli %iota3A, %mul3A_266 : vector<16xi32>
          %while3A_268 = arith.constant 0 : i32
          %while3A_269 = arith.subi %squeeze3A_258, %while3A_268 : i32
          %while3A_270 = arith.addi %while3A_268, %while3A_269 : i32
          %while3A_271 = arith.constant 1 : i32
          %while3A_272 = arith.divsi %while3A_269, %while3A_271 : i32
          %while3A_273 = arith.muli %while3A_272, %while3A_271 : i32
          %while3A_274 = arith.addi %while3A_268, %while3A_273 : i32
          %while3A_275 = arith.constant 1 : i32
          %while3A_276:2 = scf.for %while3A_279 = %while3A_268 to %while3A_274 step %while3A_275 iter_args(%while3A_280 = %while3A_229, %while3A_281 = %mul3A_267) -> (i32, vector<16xi32>)  : i32 {
            %get3A_282 = arith.index_cast %while3A_279 : i32 to index
            %get3A_283 = tpu.vector_load %arg15[%get3A_282] {strides = array<i32>} : memref<32xi32, #tpu.memory_space<vmem>>, vector<16xi32>,
            %slice3A_284 = vector.extract_strided_slice %get3A_283 {offsets = [0], sizes = [1], strides = [1]} : vector<16xi32> to vector<1xi32>
            %squeeze3A_285 = vector.extract %slice3A_284[0] : i32 from vector<1xi32>
            %and3A_286 = arith.constant 15 : i32
            %and3A_287 = arith.andi %while3A_280, %and3A_286 : i32
            %ge3A_288 = arith.constant 16 : i32
            %ge3A_289 = arith.cmpi sge, %while3A_280, %ge3A_288 : i32
            %convert_element_type3A_290 = arith.extui %ge3A_289 : i1 to i32
            %cond3A_291 = arith.constant 0 : i32
            %cond3A_292 = arith.cmpi ne, %convert_element_type3A_290, %cond3A_291 : i32
            scf.if %cond3A_292 {
              %dma_wait3A_334 = arith.constant 0 : i32
              %dma_wait3A_335 = tpu.memref_slice %arg9[%dma_wait3A_334] : memref<16384xi32, #tpu.memory_space<vmem>> -> memref<64xi32, #tpu.memory_space<vmem>>
              %dma_wait3A_336 = arith.constant 0 : i32
              %dma_wait3A_337 = tpu.memref_slice %arg2[%dma_wait3A_336] : memref<16384xi32, #tpu.memory_space<hbm>> -> memref<64xi32, #tpu.memory_space<hbm>>
              %dma_wait3A_338 = arith.constant 0 : i32
              %dma_wait3A_339 = tpu.memref_slice %arg9[%dma_wait3A_338] : memref<16384xi32, #tpu.memory_space<vmem>> -> memref<64xi32, #tpu.memory_space<vmem>>
              %dma_wait3A_340 = arith.constant 0 : i32
              %dma_wait3A_341 = tpu.memref_slice %arg2[%dma_wait3A_340] : memref<16384xi32, #tpu.memory_space<hbm>> -> memref<64xi32, #tpu.memory_space<hbm>>
              tpu.wait_dma2 semaphore(%arg21 : memref<!tpu.dma_semaphore, #tpu.memory_space<semaphore_mem>>) src(%dma_wait3A_341 : memref<64xi32, #tpu.memory_space<hbm>>) dst(%dma_wait3A_339 : memref<64xi32, #tpu.memory_space<vmem>>)
            } else {
            }
            %gather3A = tpu.vector_load_idx %arg14[%while3A_281] : memref<32xi32, #tpu.memory_space<vmem>>[vector<16xi32>], vector<16xi32>,
            %add3A_293 = arith.constant 0 : i32
            %add3A_294 = vector.broadcast %add3A_293 : i32 to vector<16xi32>
            %add3A_295 = arith.addi %iota3A, %add3A_294 : vector<16xi32>
            %gather3A_296 = tpu.vector_load_idx %arg13[%add3A_295, %gather3A] : memref<64x512xf32, #tpu.memory_space<vmem>>[vector<16xi32>, vector<16xi32>], vector<16xf32>,
            %swap3A_297 = arith.index_cast %and3A_287 : i32 to index
            %swap3A_298 = arith.constant 0 : index
            %swap3A_299 = tpu.vector_load %arg18[%swap3A_297, %swap3A_298] {strides = array<i32>} : memref<16x64xf32, #tpu.memory_space<vmem>>, vector<16xf32>,
            tpu.vector_store %arg18[%swap3A_297, %swap3A_298], %gather3A_296 {strides = array<i32>} : memref<16x64xf32, #tpu.memory_space<vmem>>, vector<16xf32>,
            %add3A_300 = arith.constant 16 : i32
            %add3A_301 = vector.broadcast %add3A_300 : i32 to vector<16xi32>
            %add3A_302 = arith.addi %iota3A, %add3A_301 : vector<16xi32>
            %gather3A_303 = tpu.vector_load_idx %arg13[%add3A_302, %gather3A] : memref<64x512xf32, #tpu.memory_space<vmem>>[vector<16xi32>, vector<16xi32>], vector<16xf32>,
            %swap3A_304 = arith.index_cast %and3A_287 : i32 to index
            %swap3A_305 = arith.constant 16 : index
            %swap3A_306 = tpu.vector_load %arg18[%swap3A_304, %swap3A_305] {strides = array<i32>} : memref<16x64xf32, #tpu.memory_space<vmem>>, vector<16xf32>,
            tpu.vector_store %arg18[%swap3A_304, %swap3A_305], %gather3A_303 {strides = array<i32>} : memref<16x64xf32, #tpu.memory_space<vmem>>, vector<16xf32>,
            %add3A_307 = arith.constant 32 : i32
            %add3A_308 = vector.broadcast %add3A_307 : i32 to vector<16xi32>
            %add3A_309 = arith.addi %iota3A, %add3A_308 : vector<16xi32>
            %gather3A_310 = tpu.vector_load_idx %arg13[%add3A_309, %gather3A] : memref<64x512xf32, #tpu.memory_space<vmem>>[vector<16xi32>, vector<16xi32>], vector<16xf32>,
            %swap3A_311 = arith.index_cast %and3A_287 : i32 to index
            %swap3A_312 = arith.constant 32 : index
            %swap3A_313 = tpu.vector_load %arg18[%swap3A_311, %swap3A_312] {strides = array<i32>} : memref<16x64xf32, #tpu.memory_space<vmem>>, vector<16xf32>,
            tpu.vector_store %arg18[%swap3A_311, %swap3A_312], %gather3A_310 {strides = array<i32>} : memref<16x64xf32, #tpu.memory_space<vmem>>, vector<16xf32>,
            %add3A_314 = arith.constant 48 : i32
            %add3A_315 = vector.broadcast %add3A_314 : i32 to vector<16xi32>
            %add3A_316 = arith.addi %iota3A, %add3A_315 : vector<16xi32>
            %gather3A_317 = tpu.vector_load_idx %arg13[%add3A_316, %gather3A] : memref<64x512xf32, #tpu.memory_space<vmem>>[vector<16xi32>, vector<16xi32>], vector<16xf32>,
            %swap3A_318 = arith.index_cast %and3A_287 : i32 to index
            %swap3A_319 = arith.constant 48 : index
            %swap3A_320 = tpu.vector_load %arg18[%swap3A_318, %swap3A_319] {strides = array<i32>} : memref<16x64xf32, #tpu.memory_space<vmem>>, vector<16xf32>,
            tpu.vector_store %arg18[%swap3A_318, %swap3A_319], %gather3A_317 {strides = array<i32>} : memref<16x64xf32, #tpu.memory_space<vmem>>, vector<16xf32>,
            %dma_start3A_321 = arith.constant 0 : i32
            %dma_start3A_322 = tpu.memref_slice %arg18[%and3A_287, %dma_start3A_321] : memref<16x64xf32, #tpu.memory_space<vmem>> -> memref<1x64xf32, #tpu.memory_space<vmem>>
            %dma_start3A_323 = arith.constant 0 : i32
            %dma_start3A_324 = tpu.memref_slice %arg7[%squeeze3A_285, %dma_start3A_323] : memref<16384x64xf32, #tpu.memory_space<hbm>> -> memref<1x64xf32, #tpu.memory_space<hbm>>
            %dma_start3A_325 = arith.constant 0 : i32
            %dma_start3A_326 = tpu.memref_slice %arg7[%squeeze3A_285, %dma_start3A_325] : memref<16384x64xf32, #tpu.memory_space<hbm>> -> memref<1x64xf32, #tpu.memory_space<hbm>>
            %dma_start3A_327 = arith.constant 0 : i32
            %dma_start3A_328 = tpu.memref_slice %arg18[%and3A_287, %dma_start3A_327] : memref<16x64xf32, #tpu.memory_space<vmem>> -> memref<1x64xf32, #tpu.memory_space<vmem>>
            tpu.enqueue_dma source(%dma_start3A_328 : memref<1x64xf32, #tpu.memory_space<vmem>>) target(%dma_start3A_326 : memref<1x64xf32, #tpu.memory_space<hbm>>) target_semaphore(%arg21 : memref<!tpu.dma_semaphore, #tpu.memory_space<semaphore_mem>>)
            %add3A_329 = arith.constant 1 : i32
            %add3A_330 = arith.addi %while3A_280, %add3A_329 : i32
            %add3A_331 = arith.constant 1 : i32
            %add3A_332 = vector.broadcast %add3A_331 : i32 to vector<16xi32>
            %add3A_333 = arith.addi %while3A_281, %add3A_332 : vector<16xi32>
            scf.yield %add3A_330, %add3A_333 : i32, vector<16xi32>
          }
          %while3A_277 = arith.constant 1 : i32
          %while3A_278:2 = scf.for %while3A_279 = %while3A_274 to %while3A_270 step %while3A_277 iter_args(%while3A_280 = %while3A_276#0, %while3A_281 = %while3A_276#1) -> (i32, vector<16xi32>)  : i32 {
            %get3A_282 = arith.index_cast %while3A_279 : i32 to index
            %get3A_283 = tpu.vector_load %arg15[%get3A_282] {strides = array<i32>} : memref<32xi32, #tpu.memory_space<vmem>>, vector<16xi32>,
            %slice3A_284 = vector.extract_strided_slice %get3A_283 {offsets = [0], sizes = [1], strides = [1]} : vector<16xi32> to vector<1xi32>
            %squeeze3A_285 = vector.extract %slice3A_284[0] : i32 from vector<1xi32>
            %and3A_286 = arith.constant 15 : i32
            %and3A_287 = arith.andi %while3A_280, %and3A_286 : i32
            %ge3A_288 = arith.constant 16 : i32
            %ge3A_289 = arith.cmpi sge, %while3A_280, %ge3A_288 : i32
            %convert_element_type3A_290 = arith.extui %ge3A_289 : i1 to i32
            %cond3A_291 = arith.constant 0 : i32
            %cond3A_292 = arith.cmpi ne, %convert_element_type3A_290, %cond3A_291 : i32
            scf.if %cond3A_292 {
              %dma_wait3A_334 = arith.constant 0 : i32
              %dma_wait3A_335 = tpu.memref_slice %arg9[%dma_wait3A_334] : memref<16384xi32, #tpu.memory_space<vmem>> -> memref<64xi32, #tpu.memory_space<vmem>>
              %dma_wait3A_336 = arith.constant 0 : i32
              %dma_wait3A_337 = tpu.memref_slice %arg2[%dma_wait3A_336] : memref<16384xi32, #tpu.memory_space<hbm>> -> memref<64xi32, #tpu.memory_space<hbm>>
              %dma_wait3A_338 = arith.constant 0 : i32
              %dma_wait3A_339 = tpu.memref_slice %arg9[%dma_wait3A_338] : memref<16384xi32, #tpu.memory_space<vmem>> -> memref<64xi32, #tpu.memory_space<vmem>>
              %dma_wait3A_340 = arith.constant 0 : i32
              %dma_wait3A_341 = tpu.memref_slice %arg2[%dma_wait3A_340] : memref<16384xi32, #tpu.memory_space<hbm>> -> memref<64xi32, #tpu.memory_space<hbm>>
              tpu.wait_dma2 semaphore(%arg21 : memref<!tpu.dma_semaphore, #tpu.memory_space<semaphore_mem>>) src(%dma_wait3A_341 : memref<64xi32, #tpu.memory_space<hbm>>) dst(%dma_wait3A_339 : memref<64xi32, #tpu.memory_space<vmem>>)
            } else {
            }
            %gather3A = tpu.vector_load_idx %arg14[%while3A_281] : memref<32xi32, #tpu.memory_space<vmem>>[vector<16xi32>], vector<16xi32>,
            %add3A_293 = arith.constant 0 : i32
            %add3A_294 = vector.broadcast %add3A_293 : i32 to vector<16xi32>
            %add3A_295 = arith.addi %iota3A, %add3A_294 : vector<16xi32>
            %gather3A_296 = tpu.vector_load_idx %arg13[%add3A_295, %gather3A] : memref<64x512xf32, #tpu.memory_space<vmem>>[vector<16xi32>, vector<16xi32>], vector<16xf32>,
            %swap3A_297 = arith.index_cast %and3A_287 : i32 to index
            %swap3A_298 = arith.constant 0 : index
            %swap3A_299 = tpu.vector_load %arg18[%swap3A_297, %swap3A_298] {strides = array<i32>} : memref<16x64xf32, #tpu.memory_space<vmem>>, vector<16xf32>,
            tpu.vector_store %arg18[%swap3A_297, %swap3A_298], %gather3A_296 {strides = array<i32>} : memref<16x64xf32, #tpu.memory_space<vmem>>, vector<16xf32>,
            %add3A_300 = arith.constant 16 : i32
            %add3A_301 = vector.broadcast %add3A_300 : i32 to vector<16xi32>
            %add3A_302 = arith.addi %iota3A, %add3A_301 : vector<16xi32>
            %gather3A_303 = tpu.vector_load_idx %arg13[%add3A_302, %gather3A] : memref<64x512xf32, #tpu.memory_space<vmem>>[vector<16xi32>, vector<16xi32>], vector<16xf32>,
            %swap3A_304 = arith.index_cast %and3A_287 : i32 to index
            %swap3A_305 = arith.constant 16 : index
            %swap3A_306 = tpu.vector_load %arg18[%swap3A_304, %swap3A_305] {strides = array<i32>} : memref<16x64xf32, #tpu.memory_space<vmem>>, vector<16xf32>,
            tpu.vector_store %arg18[%swap3A_304, %swap3A_305], %gather3A_303 {strides = array<i32>} : memref<16x64xf32, #tpu.memory_space<vmem>>, vector<16xf32>,
            %add3A_307 = arith.constant 32 : i32
            %add3A_308 = vector.broadcast %add3A_307 : i32 to vector<16xi32>
            %add3A_309 = arith.addi %iota3A, %add3A_308 : vector<16xi32>
            %gather3A_310 = tpu.vector_load_idx %arg13[%add3A_309, %gather3A] : memref<64x512xf32, #tpu.memory_space<vmem>>[vector<16xi32>, vector<16xi32>], vector<16xf32>,
            %swap3A_311 = arith.index_cast %and3A_287 : i32 to index
            %swap3A_312 = arith.constant 32 : index
            %swap3A_313 = tpu.vector_load %arg18[%swap3A_311, %swap3A_312] {strides = array<i32>} : memref<16x64xf32, #tpu.memory_space<vmem>>, vector<16xf32>,
            tpu.vector_store %arg18[%swap3A_311, %swap3A_312], %gather3A_310 {strides = array<i32>} : memref<16x64xf32, #tpu.memory_space<vmem>>, vector<16xf32>,
            %add3A_314 = arith.constant 48 : i32
            %add3A_315 = vector.broadcast %add3A_314 : i32 to vector<16xi32>
            %add3A_316 = arith.addi %iota3A, %add3A_315 : vector<16xi32>
            %gather3A_317 = tpu.vector_load_idx %arg13[%add3A_316, %gather3A] : memref<64x512xf32, #tpu.memory_space<vmem>>[vector<16xi32>, vector<16xi32>], vector<16xf32>,
            %swap3A_318 = arith.index_cast %and3A_287 : i32 to index
            %swap3A_319 = arith.constant 48 : index
            %swap3A_320 = tpu.vector_load %arg18[%swap3A_318, %swap3A_319] {strides = array<i32>} : memref<16x64xf32, #tpu.memory_space<vmem>>, vector<16xf32>,
            tpu.vector_store %arg18[%swap3A_318, %swap3A_319], %gather3A_317 {strides = array<i32>} : memref<16x64xf32, #tpu.memory_space<vmem>>, vector<16xf32>,
            %dma_start3A_321 = arith.constant 0 : i32
            %dma_start3A_322 = tpu.memref_slice %arg18[%and3A_287, %dma_start3A_321] : memref<16x64xf32, #tpu.memory_space<vmem>> -> memref<1x64xf32, #tpu.memory_space<vmem>>
            %dma_start3A_323 = arith.constant 0 : i32
            %dma_start3A_324 = tpu.memref_slice %arg7[%squeeze3A_285, %dma_start3A_323] : memref<16384x64xf32, #tpu.memory_space<hbm>> -> memref<1x64xf32, #tpu.memory_space<hbm>>
            %dma_start3A_325 = arith.constant 0 : i32
            %dma_start3A_326 = tpu.memref_slice %arg7[%squeeze3A_285, %dma_start3A_325] : memref<16384x64xf32, #tpu.memory_space<hbm>> -> memref<1x64xf32, #tpu.memory_space<hbm>>
            %dma_start3A_327 = arith.constant 0 : i32
            %dma_start3A_328 = tpu.memref_slice %arg18[%and3A_287, %dma_start3A_327] : memref<16x64xf32, #tpu.memory_space<vmem>> -> memref<1x64xf32, #tpu.memory_space<vmem>>
            tpu.enqueue_dma source(%dma_start3A_328 : memref<1x64xf32, #tpu.memory_space<vmem>>) target(%dma_start3A_326 : memref<1x64xf32, #tpu.memory_space<hbm>>) target_semaphore(%arg21 : memref<!tpu.dma_semaphore, #tpu.memory_space<semaphore_mem>>)
            %add3A_329 = arith.constant 1 : i32
            %add3A_330 = arith.addi %while3A_280, %add3A_329 : i32
            %add3A_331 = arith.constant 1 : i32
            %add3A_332 = vector.broadcast %add3A_331 : i32 to vector<16xi32>
            %add3A_333 = arith.addi %while3A_281, %add3A_332 : vector<16xi32>
            scf.yield %add3A_330, %add3A_333 : i32, vector<16xi32>
          }
          scf.yield %while3A_278#0 : i32
        }
        scf.yield %while3A_227 : i32
      } else {
        scf.yield %while3A_188 : i32
      }
      %add3A_198 = arith.constant 64 : i32
      %add3A_199 = vector.broadcast %add3A_198 : i32 to vector<16xi32>
      %add3A_200 = arith.addi %scan3A_146, %add3A_199 : vector<16xi32>
      scf.yield %cond3A_197, %add3A_200 : i32, vector<16xi32>
    }
    %scan3A_60 = arith.constant 31 : i32
    %min3A_61 = arith.constant 16 : i32
    %min3A_62 = arith.minsi %scan3A_59#0, %min3A_61 : i32
    %while3A = arith.constant 0 : i32
    %while3A_63 = arith.constant 0 : i32
    %while3A_64 = arith.subi %min3A_62, %while3A_63 : i32
    %while3A_65 = arith.addi %while3A_63, %while3A_64 : i32
    %while3A_66 = arith.constant 1 : i32
    %while3A_67 = arith.divsi %while3A_64, %while3A_66 : i32
    %while3A_68 = arith.muli %while3A_67, %while3A_66 : i32
    %while3A_69 = arith.addi %while3A_63, %while3A_68 : i32
    %while3A_70 = arith.constant 1 : i32
    scf.for %while3A_144 = %while3A_63 to %while3A_69 step %while3A_70  : i32 {
      %dma_wait3A = arith.constant 0 : i32
      %dma_wait3A_145 = tpu.memref_slice %arg9[%dma_wait3A] : memref<16384xi32, #tpu.memory_space<vmem>> -> memref<64xi32, #tpu.memory_space<vmem>>
      %dma_wait3A_146 = arith.constant 0 : i32
      %dma_wait3A_147 = tpu.memref_slice %arg2[%dma_wait3A_146] : memref<16384xi32, #tpu.memory_space<hbm>> -> memref<64xi32, #tpu.memory_space<hbm>>
      %dma_wait3A_148 = arith.constant 0 : i32
      %dma_wait3A_149 = tpu.memref_slice %arg9[%dma_wait3A_148] : memref<16384xi32, #tpu.memory_space<vmem>> -> memref<64xi32, #tpu.memory_space<vmem>>
      %dma_wait3A_150 = arith.constant 0 : i32
      %dma_wait3A_151 = tpu.memref_slice %arg2[%dma_wait3A_150] : memref<16384xi32, #tpu.memory_space<hbm>> -> memref<64xi32, #tpu.memory_space<hbm>>
      tpu.wait_dma2 semaphore(%arg21 : memref<!tpu.dma_semaphore, #tpu.memory_space<semaphore_mem>>) src(%dma_wait3A_151 : memref<64xi32, #tpu.memory_space<hbm>>) dst(%dma_wait3A_149 : memref<64xi32, #tpu.memory_space<vmem>>)
    }
    %while3A_71 = arith.constant 1 : i32
    scf.for %while3A_144 = %while3A_69 to %while3A_65 step %while3A_71  : i32 {
      %dma_wait3A = arith.constant 0 : i32
      %dma_wait3A_145 = tpu.memref_slice %arg9[%dma_wait3A] : memref<16384xi32, #tpu.memory_space<vmem>> -> memref<64xi32, #tpu.memory_space<vmem>>
      %dma_wait3A_146 = arith.constant 0 : i32
      %dma_wait3A_147 = tpu.memref_slice %arg2[%dma_wait3A_146] : memref<16384xi32, #tpu.memory_space<hbm>> -> memref<64xi32, #tpu.memory_space<hbm>>
      %dma_wait3A_148 = arith.constant 0 : i32
      %dma_wait3A_149 = tpu.memref_slice %arg9[%dma_wait3A_148] : memref<16384xi32, #tpu.memory_space<vmem>> -> memref<64xi32, #tpu.memory_space<vmem>>
      %dma_wait3A_150 = arith.constant 0 : i32
      %dma_wait3A_151 = tpu.memref_slice %arg2[%dma_wait3A_150] : memref<16384xi32, #tpu.memory_space<hbm>> -> memref<64xi32, #tpu.memory_space<hbm>>
      tpu.wait_dma2 semaphore(%arg21 : memref<!tpu.dma_semaphore, #tpu.memory_space<semaphore_mem>>) src(%dma_wait3A_151 : memref<64xi32, #tpu.memory_space<hbm>>) dst(%dma_wait3A_149 : memref<64xi32, #tpu.memory_space<vmem>>)
    }
    "tpu.region"() ({
      %run_scoped3A = tpu.sem_alloc : memref<!tpu.dma_semaphore, #tpu.memory_space<semaphore_mem>>
      tpu.enqueue_dma source(%arg3 : memref<16384xi32, #tpu.memory_space<hbm>>) target(%arg9 : memref<16384xi32, #tpu.memory_space<vmem>>) target_semaphore(%run_scoped3A : memref<!tpu.dma_semaphore, #tpu.memory_space<semaphore_mem>>)
      tpu.wait_dma2 semaphore(%run_scoped3A : memref<!tpu.dma_semaphore, #tpu.memory_space<semaphore_mem>>) src(%arg3 : memref<16384xi32, #tpu.memory_space<hbm>>) dst(%arg9 : memref<16384xi32, #tpu.memory_space<vmem>>)
      tpu.yield
    }) : () -> ()
    %mul3A_72 = arith.constant 512 : i32
    %mul3A_73 = arith.muli %add3A, %mul3A_72 : i32
    %multiple_of3A_74 = tpu.assume_multiple %mul3A_73, 128 : i32
    %dma_start3A_75 = arith.constant 0 : i32
    %dma_start3A_76 = tpu.memref_slice %arg5[%dma_start3A_75, %multiple_of3A_74] : memref<64x1000000xf32, #tpu.memory_space<hbm>> -> memref<64x512xf32, #tpu.memory_space<hbm>>
    %dma_start3A_77 = arith.constant 0 : i32
    %dma_start3A_78 = tpu.memref_slice %arg5[%dma_start3A_77, %multiple_of3A_74] : memref<64x1000000xf32, #tpu.memory_space<hbm>> -> memref<64x512xf32, #tpu.memory_space<hbm>>
    tpu.enqueue_dma source(%dma_start3A_78 : memref<64x512xf32, #tpu.memory_space<hbm>>) target(%arg12 : memref<64x512xf32, #tpu.memory_space<vmem>>) target_semaphore(%arg19 : memref<!tpu.dma_semaphore, #tpu.memory_space<semaphore_mem>>)
    %mul3A_79 = arith.constant 0 : i32
    %mul3A_80 = vector.broadcast %mul3A_79 : i32 to vector<16xi32>
    %mul3A_81 = arith.muli %iota3A, %mul3A_80 : vector<16xi32>
    %scan3A_82 = arith.constant 0 : i32
    %scan3A_83 = arith.constant 1024 : i32
    %scan3A_84 = arith.addi %scan3A_82, %scan3A_83 : i32
    %scan3A_85 = arith.constant 1 : i32
    %scan3A_86:2 = scf.for %scan3A_144 = %scan3A_82 to %scan3A_84 step %scan3A_85 iter_args(%scan3A_145 = %mul3A_81, %scan3A_146 = %iota3A) -> (vector<16xi32>, vector<16xi32>)  : i32 {
      %mul3A_147 = arith.constant 16 : i32
      %mul3A_148 = arith.muli %scan3A_144, %mul3A_147 : i32
      %get3A_149 = arith.index_cast %mul3A_148 : i32 to index
      %get3A_150 = tpu.vector_load %arg9[%get3A_149] {strides = array<i32>} : memref<16384xi32, #tpu.memory_space<vmem>>, vector<16xi32>,
      %shift_right_arithmetic3A = arith.constant 9 : i32
      %shift_right_arithmetic3A_151 = vector.broadcast %shift_right_arithmetic3A : i32 to vector<16xi32>
      %shift_right_arithmetic3A_152 = arith.shrsi %get3A_150, %shift_right_arithmetic3A_151 : vector<16xi32>
      %and3A_153 = arith.constant 31 : i32
      %and3A_154 = vector.broadcast %and3A_153 : i32 to vector<16xi32>
      %and3A_155 = arith.andi %shift_right_arithmetic3A_152, %and3A_154 : vector<16xi32>
      %eq3A = arith.cmpi eq, %and3A_155, %get3A_14 : vector<16xi32>
      %mul3A_156 = arith.constant 0 : i32
      %mul3A_157 = vector.broadcast %mul3A_156 : i32 to vector<16xi32>
      %mul3A_158 = arith.muli %iota3A, %mul3A_157 : vector<16xi32>
      %add3A_159 = arith.constant 1 : i32
      %add3A_160 = vector.broadcast %add3A_159 : i32 to vector<16xi32>
      %add3A_161 = arith.addi %mul3A_158, %add3A_160 : vector<16xi32>
      %mul3A_162 = arith.constant 0 : i32
      %mul3A_163 = vector.broadcast %mul3A_162 : i32 to vector<16xi32>
      %mul3A_164 = arith.muli %iota3A, %mul3A_163 : vector<16xi32>
      %select_n3A_165 = arith.select %eq3A, %add3A_161, %mul3A_164 : vector<16xi1>, vector<16xi32>
      %broadcast_in_dim3A_166 = arith.constant true
      %broadcast_in_dim3A_167 = vector.broadcast %broadcast_in_dim3A_166 : i1 to vector<16xi1>
      %masked_cumsum3A = tpu.scan <sum>, %select_n3A_165 masked %broadcast_in_dim3A_167 : vector<16xi32>, vector<16xi1> -> vector<16xi32>
      %add3A_168 = arith.addi %scan3A_145, %masked_cumsum3A : vector<16xi32>
      %sub3A_169 = arith.subi %add3A_168, %select_n3A_165 : vector<16xi32>
      %add3A_170 = arith.constant 16384 : i32
      %add3A_171 = vector.broadcast %add3A_170 : i32 to vector<16xi32>
      %add3A_172 = arith.addi %add3A_171, %iota3A : vector<16xi32>
      %select_n3A_173 = arith.select %eq3A, %sub3A_169, %add3A_172 : vector<16xi1>, vector<16xi32>
      tpu.vector_store_idx %arg10[%select_n3A_173], %get3A_150 : memref<16400xi32, #tpu.memory_space<vmem>>[vector<16xi32>], vector<16xi32>,
      tpu.vector_store_idx %arg11[%select_n3A_173], %scan3A_146 : memref<16400xi32, #tpu.memory_space<vmem>>[vector<16xi32>], vector<16xi32>,
      %swap3A_174 = arith.constant 0 : index
      %swap3A_175 = tpu.vector_load %arg17[%swap3A_174] {strides = array<i32>} : memref<16xi32, #tpu.memory_space<vmem>>, vector<16xi32>,
      tpu.vector_store %arg17[%swap3A_174], %masked_cumsum3A {strides = array<i32>} : memref<16xi32, #tpu.memory_space<vmem>>, vector<16xi32>,
      %gather3A = tpu.vector_load_idx %arg17[%add3A_6] : memref<16xi32, #tpu.memory_space<vmem>>[vector<16xi32>], vector<16xi32>,
      %add3A_176 = arith.addi %scan3A_145, %gather3A : vector<16xi32>
      %add3A_177 = arith.constant 16 : i32
      %add3A_178 = vector.broadcast %add3A_177 : i32 to vector<16xi32>
      %add3A_179 = arith.addi %scan3A_146, %add3A_178 : vector<16xi32>
      scf.yield %add3A_176, %add3A_179 : vector<16xi32>, vector<16xi32>
    }
    %scan3A_87 = arith.constant 1024 : i32
    %slice3A_88 = vector.extract_strided_slice %scan3A_86#0 {offsets = [0], sizes = [1], strides = [1]} : vector<16xi32> to vector<1xi32>
    %squeeze3A_89 = vector.extract %slice3A_88[0] : i32 from vector<1xi32>
    %broadcast_in_dim3A_90 = arith.constant 0 : i32
    %broadcast_in_dim3A_91 = vector.broadcast %broadcast_in_dim3A_90 : i32 to vector<16xi32>
    %sub3A_92 = arith.constant 1 : i32
    %sub3A_93 = vector.broadcast %sub3A_92 : i32 to vector<16xi32>
    %sub3A_94 = arith.subi %broadcast_in_dim3A_91, %sub3A_93 : vector<16xi32>
    %swap3A_95 = arith.index_cast %squeeze3A_89 : i32 to index
    %swap3A_96 = tpu.vector_load %arg10[%swap3A_95] {strides = array<i32>} : memref<16400xi32, #tpu.memory_space<vmem>>, vector<16xi32>,
    tpu.vector_store %arg10[%swap3A_95], %sub3A_94 {strides = array<i32>} : memref<16400xi32, #tpu.memory_space<vmem>>, vector<16xi32>,
    %add3A_97 = arith.constant 16 : i32
    %add3A_98 = arith.addi %squeeze3A_89, %add3A_97 : i32
    %sub3A_99 = arith.constant 1 : i32
    %sub3A_100 = arith.subi %add3A_98, %sub3A_99 : i32
    %jit3A_101 = arith.constant 16 : i32
    %div3A_102 = arith.divsi %sub3A_100, %jit3A_101 : i32
    %sign3A_103 = arith.constant 0 : i32
    %sign3A_104 = arith.cmpi sgt, %sub3A_100, %sign3A_103 : i32
    %sign3A_105 = arith.extui %sign3A_104 : i1 to i32
    %sign3A_106 = arith.constant 0 : i32
    %sign3A_107 = arith.cmpi slt, %sub3A_100, %sign3A_106 : i32
    %sign3A_108 = arith.extui %sign3A_107 : i1 to i32
    %sign3A_109 = arith.subi %sign3A_105, %sign3A_108 : i32
    %sign3A_110 = arith.constant 0 : i32
    %sign3A_111 = arith.cmpi sgt, %jit3A_101, %sign3A_110 : i32
    %sign3A_112 = arith.extui %sign3A_111 : i1 to i32
    %sign3A_113 = arith.constant 0 : i32
    %sign3A_114 = arith.cmpi slt, %jit3A_101, %sign3A_113 : i32
    %sign3A_115 = arith.extui %sign3A_114 : i1 to i32
    %sign3A_116 = arith.subi %sign3A_112, %sign3A_115 : i32
    %ne3A_117 = arith.cmpi ne, %sign3A_109, %sign3A_116 : i32
    %rem3A_118 = arith.remsi %sub3A_100, %jit3A_101 : i32
    %ne3A_119 = arith.constant 0 : i32
    %ne3A_120 = arith.cmpi ne, %rem3A_118, %ne3A_119 : i32
    %and3A_121 = arith.andi %ne3A_117, %ne3A_120 : i1
    %sub3A_122 = arith.constant 1 : i32
    %sub3A_123 = arith.subi %div3A_102, %sub3A_122 : i32
    %select_n3A_124 = arith.select %and3A_121, %sub3A_123, %div3A_102 : i32
    %scan3A_125 = arith.constant 0 : i32
    %scan3A_126 = arith.constant 0 : i32
    %scan3A_127 = arith.constant 31 : i32
    %scan3A_128 = arith.addi %scan3A_126, %scan3A_127 : i32
    %scan3A_129 = arith.constant 1 : i32
    %scan3A_130:2 = scf.for %scan3A_144 = %scan3A_126 to %scan3A_128 step %scan3A_129 iter_args(%scan3A_145 = %scan3A_125, %scan3A_146 = %get3A_14) -> (i32, vector<16xi32>)  : i32 {
      %mul3A_147 = arith.constant 2 : i32
      %mul3A_148 = arith.muli %mul3A_147, %scan3A_144 : i32
      %add3A_149 = arith.constant 1 : i32
      %add3A_150 = arith.addi %mul3A_148, %add3A_149 : i32
      %add3A_151 = arith.constant 2 : i32
      %add3A_152 = arith.addi %mul3A_148, %add3A_151 : i32
      %mul3A_153 = arith.constant 32 : i32
      %mul3A_154 = arith.muli %mul3A_153, %add3A_150 : i32
      %add3A_155 = arith.addi %add3A, %mul3A_154 : i32
      %mul3A_156 = arith.constant 32 : i32
      %mul3A_157 = arith.muli %mul3A_156, %add3A_152 : i32
      %add3A_158 = arith.addi %add3A, %mul3A_157 : i32
      %add3A_159 = arith.constant 32 : i32
      %add3A_160 = vector.broadcast %add3A_159 : i32 to vector<16xi32>
      %add3A_161 = arith.addi %scan3A_146, %add3A_160 : vector<16xi32>
      %lt3A = arith.cmpi slt, %add3A_150, %add3A_11 : i32
      %convert_element_type3A = arith.extui %lt3A : i1 to i32
      %cond3A = arith.constant 0 : i32
      %cond3A_162 = arith.cmpi ne, %convert_element_type3A, %cond3A : i32
      scf.if %cond3A_162 {
        %mul3A_201 = arith.constant 512 : i32
        %mul3A_202 = arith.muli %add3A_155, %mul3A_201 : i32
        %min3A_203 = arith.constant 999552 : i32
        %min3A_204 = arith.minsi %mul3A_202, %min3A_203 : i32
        %multiple_of3A_205 = tpu.assume_multiple %min3A_204, 128 : i32
        %dma_start3A_206 = arith.constant 0 : i32
        %dma_start3A_207 = tpu.memref_slice %arg5[%dma_start3A_206, %multiple_of3A_205] : memref<64x1000000xf32, #tpu.memory_space<hbm>> -> memref<64x512xf32, #tpu.memory_space<hbm>>
        %dma_start3A_208 = arith.constant 0 : i32
        %dma_start3A_209 = tpu.memref_slice %arg5[%dma_start3A_208, %multiple_of3A_205] : memref<64x1000000xf32, #tpu.memory_space<hbm>> -> memref<64x512xf32, #tpu.memory_space<hbm>>
        tpu.enqueue_dma source(%dma_start3A_209 : memref<64x512xf32, #tpu.memory_space<hbm>>) target(%arg13 : memref<64x512xf32, #tpu.memory_space<vmem>>) target_semaphore(%arg20 : memref<!tpu.dma_semaphore, #tpu.memory_space<semaphore_mem>>)
      } else {
      }
      %dma_wait3A = arith.constant 0 : i32
      %dma_wait3A_163 = arith.constant 0 : i32
      %dma_wait3A_164 = tpu.memref_slice %arg5[%dma_wait3A, %dma_wait3A_163] : memref<64x1000000xf32, #tpu.memory_space<hbm>> -> memref<64x512xf32, #tpu.memory_space<hbm>>
      %dma_wait3A_165 = arith.constant 0 : i32
      %dma_wait3A_166 = arith.constant 0 : i32
      %dma_wait3A_167 = tpu.memref_slice %arg5[%dma_wait3A_165, %dma_wait3A_166] : memref<64x1000000xf32, #tpu.memory_space<hbm>> -> memref<64x512xf32, #tpu.memory_space<hbm>>
      tpu.wait_dma2 semaphore(%arg19 : memref<!tpu.dma_semaphore, #tpu.memory_space<semaphore_mem>>) src(%dma_wait3A_167 : memref<64x512xf32, #tpu.memory_space<hbm>>) dst(%arg12 : memref<64x512xf32, #tpu.memory_space<vmem>>)
      %mul3A_168 = arith.constant 512 : i32
      %mul3A_169 = vector.broadcast %mul3A_168 : i32 to vector<16xi32>
      %mul3A_170 = arith.muli %scan3A_146, %mul3A_169 : vector<16xi32>
      %mul3A_171 = arith.constant 0 : i32
      %mul3A_172 = vector.broadcast %mul3A_171 : i32 to vector<16xi32>
      %mul3A_173 = arith.muli %iota3A, %mul3A_172 : vector<16xi32>
      %add3A_174 = arith.constant 999552 : i32
      %add3A_175 = vector.broadcast %add3A_174 : i32 to vector<16xi32>
      %add3A_176 = arith.addi %mul3A_173, %add3A_175 : vector<16xi32>
      %min3A_177 = arith.minsi %mul3A_170, %add3A_176 : vector<16xi32>
      %while3A_178 = arith.constant 0 : i32
      %while3A_179 = arith.subi %select_n3A_124, %while3A_178 : i32
      %while3A_180 = arith.addi %while3A_178, %while3A_179 : i32
      %while3A_181 = arith.constant 1 : i32
      %while3A_182 = arith.divsi %while3A_179, %while3A_181 : i32
      %while3A_183 = arith.muli %while3A_182, %while3A_181 : i32
      %while3A_184 = arith.addi %while3A_178, %while3A_183 : i32
      %while3A_185 = arith.constant 1 : i32
      %while3A_186 = scf.for %while3A_201 = %while3A_178 to %while3A_184 step %while3A_185 iter_args(%while3A_202 = %scan3A_145) -> (i32)  : i32 {
        %mul3A_203 = arith.constant 16 : i32
        %mul3A_204 = arith.muli %while3A_201, %mul3A_203 : i32
        %get3A_205 = arith.index_cast %mul3A_204 : i32 to index
        %get3A_206 = tpu.vector_load %arg10[%get3A_205] {strides = array<i32>} : memref<16400xi32, #tpu.memory_space<vmem>>, vector<16xi32>,
        %mul3A_207 = arith.constant 16 : i32
        %mul3A_208 = arith.muli %while3A_201, %mul3A_207 : i32
        %get3A_209 = arith.index_cast %mul3A_208 : i32 to index
        %get3A_210 = tpu.vector_load %arg11[%get3A_209] {strides = array<i32>} : memref<16400xi32, #tpu.memory_space<vmem>>, vector<16xi32>,
        %sub3A_211 = arith.subi %get3A_206, %mul3A_170 : vector<16xi32>
        %ge3A = arith.constant 0 : i32
        %ge3A_212 = vector.broadcast %ge3A : i32 to vector<16xi32>
        %ge3A_213 = arith.cmpi sge, %sub3A_211, %ge3A_212 : vector<16xi32>
        %lt3A_214 = arith.constant 512 : i32
        %lt3A_215 = vector.broadcast %lt3A_214 : i32 to vector<16xi32>
        %lt3A_216 = arith.cmpi slt, %sub3A_211, %lt3A_215 : vector<16xi32>
        %and3A_217 = arith.andi %ge3A_213, %lt3A_216 : vector<16xi1>
        %mul3A_218 = arith.constant 0 : i32
        %mul3A_219 = vector.broadcast %mul3A_218 : i32 to vector<16xi32>
        %mul3A_220 = arith.muli %iota3A, %mul3A_219 : vector<16xi32>
        %add3A_221 = arith.constant 1 : i32
        %add3A_222 = vector.broadcast %add3A_221 : i32 to vector<16xi32>
        %add3A_223 = arith.addi %mul3A_220, %add3A_222 : vector<16xi32>
        %mul3A_224 = arith.constant 0 : i32
        %mul3A_225 = vector.broadcast %mul3A_224 : i32 to vector<16xi32>
        %mul3A_226 = arith.muli %iota3A, %mul3A_225 : vector<16xi32>
        %select_n3A_227 = arith.select %and3A_217, %add3A_223, %mul3A_226 : vector<16xi1>, vector<16xi32>
        %broadcast_in_dim3A_228 = arith.constant true
        %broadcast_in_dim3A_229 = vector.broadcast %broadcast_in_dim3A_228 : i1 to vector<16xi1>
        %masked_cumsum3A = tpu.scan <sum>, %select_n3A_227 masked %broadcast_in_dim3A_229 : vector<16xi32>, vector<16xi1> -> vector<16xi32>
        %slice3A_230 = vector.extract_strided_slice %masked_cumsum3A {offsets = [15], sizes = [1], strides = [1]} : vector<16xi32> to vector<1xi32>
        %squeeze3A_231 = vector.extract %slice3A_230[0] : i32 from vector<1xi32>
        %sub3A_232 = arith.subi %masked_cumsum3A, %select_n3A_227 : vector<16xi32>
        %add3A_233 = arith.constant 16 : i32
        %add3A_234 = vector.broadcast %add3A_233 : i32 to vector<16xi32>
        %add3A_235 = arith.addi %add3A_234, %iota3A : vector<16xi32>
        %select_n3A_236 = arith.select %and3A_217, %sub3A_232, %add3A_235 : vector<16xi1>, vector<16xi32>
        %sub3A_237 = arith.subi %get3A_206, %min3A_177 : vector<16xi32>
        tpu.vector_store_idx %arg14[%select_n3A_236], %sub3A_237 : memref<32xi32, #tpu.memory_space<vmem>>[vector<16xi32>], vector<16xi32>,
        tpu.vector_store_idx %arg15[%select_n3A_236], %get3A_210 : memref<32xi32, #tpu.memory_space<vmem>>[vector<16xi32>], vector<16xi32>,
        %mul3A_238 = arith.constant 0 : i32
        %mul3A_239 = vector.broadcast %mul3A_238 : i32 to vector<16xi32>
        %mul3A_240 = arith.muli %iota3A, %mul3A_239 : vector<16xi32>
        %while3A_241 = arith.constant 0 : i32
        %while3A_242 = arith.subi %squeeze3A_231, %while3A_241 : i32
        %while3A_243 = arith.addi %while3A_241, %while3A_242 : i32
        %while3A_244 = arith.constant 1 : i32
        %while3A_245 = arith.divsi %while3A_242, %while3A_244 : i32
        %while3A_246 = arith.muli %while3A_245, %while3A_244 : i32
        %while3A_247 = arith.addi %while3A_241, %while3A_246 : i32
        %while3A_248 = arith.constant 1 : i32
        %while3A_249:2 = scf.for %while3A_252 = %while3A_241 to %while3A_247 step %while3A_248 iter_args(%while3A_253 = %while3A_202, %while3A_254 = %mul3A_240) -> (i32, vector<16xi32>)  : i32 {
          %get3A_255 = arith.index_cast %while3A_252 : i32 to index
          %get3A_256 = tpu.vector_load %arg15[%get3A_255] {strides = array<i32>} : memref<32xi32, #tpu.memory_space<vmem>>, vector<16xi32>,
          %slice3A_257 = vector.extract_strided_slice %get3A_256 {offsets = [0], sizes = [1], strides = [1]} : vector<16xi32> to vector<1xi32>
          %squeeze3A_258 = vector.extract %slice3A_257[0] : i32 from vector<1xi32>
          %and3A_259 = arith.constant 15 : i32
          %and3A_260 = arith.andi %while3A_253, %and3A_259 : i32
          %ge3A_261 = arith.constant 16 : i32
          %ge3A_262 = arith.cmpi sge, %while3A_253, %ge3A_261 : i32
          %convert_element_type3A_263 = arith.extui %ge3A_262 : i1 to i32
          %cond3A_264 = arith.constant 0 : i32
          %cond3A_265 = arith.cmpi ne, %convert_element_type3A_263, %cond3A_264 : i32
          scf.if %cond3A_265 {
            %dma_wait3A_307 = arith.constant 0 : i32
            %dma_wait3A_308 = tpu.memref_slice %arg9[%dma_wait3A_307] : memref<16384xi32, #tpu.memory_space<vmem>> -> memref<64xi32, #tpu.memory_space<vmem>>
            %dma_wait3A_309 = arith.constant 0 : i32
            %dma_wait3A_310 = tpu.memref_slice %arg2[%dma_wait3A_309] : memref<16384xi32, #tpu.memory_space<hbm>> -> memref<64xi32, #tpu.memory_space<hbm>>
            %dma_wait3A_311 = arith.constant 0 : i32
            %dma_wait3A_312 = tpu.memref_slice %arg9[%dma_wait3A_311] : memref<16384xi32, #tpu.memory_space<vmem>> -> memref<64xi32, #tpu.memory_space<vmem>>
            %dma_wait3A_313 = arith.constant 0 : i32
            %dma_wait3A_314 = tpu.memref_slice %arg2[%dma_wait3A_313] : memref<16384xi32, #tpu.memory_space<hbm>> -> memref<64xi32, #tpu.memory_space<hbm>>
            tpu.wait_dma2 semaphore(%arg21 : memref<!tpu.dma_semaphore, #tpu.memory_space<semaphore_mem>>) src(%dma_wait3A_314 : memref<64xi32, #tpu.memory_space<hbm>>) dst(%dma_wait3A_312 : memref<64xi32, #tpu.memory_space<vmem>>)
          } else {
          }
          %gather3A = tpu.vector_load_idx %arg14[%while3A_254] : memref<32xi32, #tpu.memory_space<vmem>>[vector<16xi32>], vector<16xi32>,
          %add3A_266 = arith.constant 0 : i32
          %add3A_267 = vector.broadcast %add3A_266 : i32 to vector<16xi32>
          %add3A_268 = arith.addi %iota3A, %add3A_267 : vector<16xi32>
          %gather3A_269 = tpu.vector_load_idx %arg12[%add3A_268, %gather3A] : memref<64x512xf32, #tpu.memory_space<vmem>>[vector<16xi32>, vector<16xi32>], vector<16xf32>,
          %swap3A_270 = arith.index_cast %and3A_260 : i32 to index
          %swap3A_271 = arith.constant 0 : index
          %swap3A_272 = tpu.vector_load %arg18[%swap3A_270, %swap3A_271] {strides = array<i32>} : memref<16x64xf32, #tpu.memory_space<vmem>>, vector<16xf32>,
          tpu.vector_store %arg18[%swap3A_270, %swap3A_271], %gather3A_269 {strides = array<i32>} : memref<16x64xf32, #tpu.memory_space<vmem>>, vector<16xf32>,
          %add3A_273 = arith.constant 16 : i32
          %add3A_274 = vector.broadcast %add3A_273 : i32 to vector<16xi32>
          %add3A_275 = arith.addi %iota3A, %add3A_274 : vector<16xi32>
          %gather3A_276 = tpu.vector_load_idx %arg12[%add3A_275, %gather3A] : memref<64x512xf32, #tpu.memory_space<vmem>>[vector<16xi32>, vector<16xi32>], vector<16xf32>,
          %swap3A_277 = arith.index_cast %and3A_260 : i32 to index
          %swap3A_278 = arith.constant 16 : index
          %swap3A_279 = tpu.vector_load %arg18[%swap3A_277, %swap3A_278] {strides = array<i32>} : memref<16x64xf32, #tpu.memory_space<vmem>>, vector<16xf32>,
          tpu.vector_store %arg18[%swap3A_277, %swap3A_278], %gather3A_276 {strides = array<i32>} : memref<16x64xf32, #tpu.memory_space<vmem>>, vector<16xf32>,
          %add3A_280 = arith.constant 32 : i32
          %add3A_281 = vector.broadcast %add3A_280 : i32 to vector<16xi32>
          %add3A_282 = arith.addi %iota3A, %add3A_281 : vector<16xi32>
          %gather3A_283 = tpu.vector_load_idx %arg12[%add3A_282, %gather3A] : memref<64x512xf32, #tpu.memory_space<vmem>>[vector<16xi32>, vector<16xi32>], vector<16xf32>,
          %swap3A_284 = arith.index_cast %and3A_260 : i32 to index
          %swap3A_285 = arith.constant 32 : index
          %swap3A_286 = tpu.vector_load %arg18[%swap3A_284, %swap3A_285] {strides = array<i32>} : memref<16x64xf32, #tpu.memory_space<vmem>>, vector<16xf32>,
          tpu.vector_store %arg18[%swap3A_284, %swap3A_285], %gather3A_283 {strides = array<i32>} : memref<16x64xf32, #tpu.memory_space<vmem>>, vector<16xf32>,
          %add3A_287 = arith.constant 48 : i32
          %add3A_288 = vector.broadcast %add3A_287 : i32 to vector<16xi32>
          %add3A_289 = arith.addi %iota3A, %add3A_288 : vector<16xi32>
          %gather3A_290 = tpu.vector_load_idx %arg12[%add3A_289, %gather3A] : memref<64x512xf32, #tpu.memory_space<vmem>>[vector<16xi32>, vector<16xi32>], vector<16xf32>,
          %swap3A_291 = arith.index_cast %and3A_260 : i32 to index
          %swap3A_292 = arith.constant 48 : index
          %swap3A_293 = tpu.vector_load %arg18[%swap3A_291, %swap3A_292] {strides = array<i32>} : memref<16x64xf32, #tpu.memory_space<vmem>>, vector<16xf32>,
          tpu.vector_store %arg18[%swap3A_291, %swap3A_292], %gather3A_290 {strides = array<i32>} : memref<16x64xf32, #tpu.memory_space<vmem>>, vector<16xf32>,
          %dma_start3A_294 = arith.constant 0 : i32
          %dma_start3A_295 = tpu.memref_slice %arg18[%and3A_260, %dma_start3A_294] : memref<16x64xf32, #tpu.memory_space<vmem>> -> memref<1x64xf32, #tpu.memory_space<vmem>>
          %dma_start3A_296 = arith.constant 0 : i32
          %dma_start3A_297 = tpu.memref_slice %arg8[%squeeze3A_258, %dma_start3A_296] : memref<16384x64xf32, #tpu.memory_space<hbm>> -> memref<1x64xf32, #tpu.memory_space<hbm>>
          %dma_start3A_298 = arith.constant 0 : i32
          %dma_start3A_299 = tpu.memref_slice %arg8[%squeeze3A_258, %dma_start3A_298] : memref<16384x64xf32, #tpu.memory_space<hbm>> -> memref<1x64xf32, #tpu.memory_space<hbm>>
          %dma_start3A_300 = arith.constant 0 : i32
          %dma_start3A_301 = tpu.memref_slice %arg18[%and3A_260, %dma_start3A_300] : memref<16x64xf32, #tpu.memory_space<vmem>> -> memref<1x64xf32, #tpu.memory_space<vmem>>
          tpu.enqueue_dma source(%dma_start3A_301 : memref<1x64xf32, #tpu.memory_space<vmem>>) target(%dma_start3A_299 : memref<1x64xf32, #tpu.memory_space<hbm>>) target_semaphore(%arg21 : memref<!tpu.dma_semaphore, #tpu.memory_space<semaphore_mem>>)
          %add3A_302 = arith.constant 1 : i32
          %add3A_303 = arith.addi %while3A_253, %add3A_302 : i32
          %add3A_304 = arith.constant 1 : i32
          %add3A_305 = vector.broadcast %add3A_304 : i32 to vector<16xi32>
          %add3A_306 = arith.addi %while3A_254, %add3A_305 : vector<16xi32>
          scf.yield %add3A_303, %add3A_306 : i32, vector<16xi32>
        }
        %while3A_250 = arith.constant 1 : i32
        %while3A_251:2 = scf.for %while3A_252 = %while3A_247 to %while3A_243 step %while3A_250 iter_args(%while3A_253 = %while3A_249#0, %while3A_254 = %while3A_249#1) -> (i32, vector<16xi32>)  : i32 {
          %get3A_255 = arith.index_cast %while3A_252 : i32 to index
          %get3A_256 = tpu.vector_load %arg15[%get3A_255] {strides = array<i32>} : memref<32xi32, #tpu.memory_space<vmem>>, vector<16xi32>,
          %slice3A_257 = vector.extract_strided_slice %get3A_256 {offsets = [0], sizes = [1], strides = [1]} : vector<16xi32> to vector<1xi32>
          %squeeze3A_258 = vector.extract %slice3A_257[0] : i32 from vector<1xi32>
          %and3A_259 = arith.constant 15 : i32
          %and3A_260 = arith.andi %while3A_253, %and3A_259 : i32
          %ge3A_261 = arith.constant 16 : i32
          %ge3A_262 = arith.cmpi sge, %while3A_253, %ge3A_261 : i32
          %convert_element_type3A_263 = arith.extui %ge3A_262 : i1 to i32
          %cond3A_264 = arith.constant 0 : i32
          %cond3A_265 = arith.cmpi ne, %convert_element_type3A_263, %cond3A_264 : i32
          scf.if %cond3A_265 {
            %dma_wait3A_307 = arith.constant 0 : i32
            %dma_wait3A_308 = tpu.memref_slice %arg9[%dma_wait3A_307] : memref<16384xi32, #tpu.memory_space<vmem>> -> memref<64xi32, #tpu.memory_space<vmem>>
            %dma_wait3A_309 = arith.constant 0 : i32
            %dma_wait3A_310 = tpu.memref_slice %arg2[%dma_wait3A_309] : memref<16384xi32, #tpu.memory_space<hbm>> -> memref<64xi32, #tpu.memory_space<hbm>>
            %dma_wait3A_311 = arith.constant 0 : i32
            %dma_wait3A_312 = tpu.memref_slice %arg9[%dma_wait3A_311] : memref<16384xi32, #tpu.memory_space<vmem>> -> memref<64xi32, #tpu.memory_space<vmem>>
            %dma_wait3A_313 = arith.constant 0 : i32
            %dma_wait3A_314 = tpu.memref_slice %arg2[%dma_wait3A_313] : memref<16384xi32, #tpu.memory_space<hbm>> -> memref<64xi32, #tpu.memory_space<hbm>>
            tpu.wait_dma2 semaphore(%arg21 : memref<!tpu.dma_semaphore, #tpu.memory_space<semaphore_mem>>) src(%dma_wait3A_314 : memref<64xi32, #tpu.memory_space<hbm>>) dst(%dma_wait3A_312 : memref<64xi32, #tpu.memory_space<vmem>>)
          } else {
          }
          %gather3A = tpu.vector_load_idx %arg14[%while3A_254] : memref<32xi32, #tpu.memory_space<vmem>>[vector<16xi32>], vector<16xi32>,
          %add3A_266 = arith.constant 0 : i32
          %add3A_267 = vector.broadcast %add3A_266 : i32 to vector<16xi32>
          %add3A_268 = arith.addi %iota3A, %add3A_267 : vector<16xi32>
          %gather3A_269 = tpu.vector_load_idx %arg12[%add3A_268, %gather3A] : memref<64x512xf32, #tpu.memory_space<vmem>>[vector<16xi32>, vector<16xi32>], vector<16xf32>,
          %swap3A_270 = arith.index_cast %and3A_260 : i32 to index
          %swap3A_271 = arith.constant 0 : index
          %swap3A_272 = tpu.vector_load %arg18[%swap3A_270, %swap3A_271] {strides = array<i32>} : memref<16x64xf32, #tpu.memory_space<vmem>>, vector<16xf32>,
          tpu.vector_store %arg18[%swap3A_270, %swap3A_271], %gather3A_269 {strides = array<i32>} : memref<16x64xf32, #tpu.memory_space<vmem>>, vector<16xf32>,
          %add3A_273 = arith.constant 16 : i32
          %add3A_274 = vector.broadcast %add3A_273 : i32 to vector<16xi32>
          %add3A_275 = arith.addi %iota3A, %add3A_274 : vector<16xi32>
          %gather3A_276 = tpu.vector_load_idx %arg12[%add3A_275, %gather3A] : memref<64x512xf32, #tpu.memory_space<vmem>>[vector<16xi32>, vector<16xi32>], vector<16xf32>,
          %swap3A_277 = arith.index_cast %and3A_260 : i32 to index
          %swap3A_278 = arith.constant 16 : index
          %swap3A_279 = tpu.vector_load %arg18[%swap3A_277, %swap3A_278] {strides = array<i32>} : memref<16x64xf32, #tpu.memory_space<vmem>>, vector<16xf32>,
          tpu.vector_store %arg18[%swap3A_277, %swap3A_278], %gather3A_276 {strides = array<i32>} : memref<16x64xf32, #tpu.memory_space<vmem>>, vector<16xf32>,
          %add3A_280 = arith.constant 32 : i32
          %add3A_281 = vector.broadcast %add3A_280 : i32 to vector<16xi32>
          %add3A_282 = arith.addi %iota3A, %add3A_281 : vector<16xi32>
          %gather3A_283 = tpu.vector_load_idx %arg12[%add3A_282, %gather3A] : memref<64x512xf32, #tpu.memory_space<vmem>>[vector<16xi32>, vector<16xi32>], vector<16xf32>,
          %swap3A_284 = arith.index_cast %and3A_260 : i32 to index
          %swap3A_285 = arith.constant 32 : index
          %swap3A_286 = tpu.vector_load %arg18[%swap3A_284, %swap3A_285] {strides = array<i32>} : memref<16x64xf32, #tpu.memory_space<vmem>>, vector<16xf32>,
          tpu.vector_store %arg18[%swap3A_284, %swap3A_285], %gather3A_283 {strides = array<i32>} : memref<16x64xf32, #tpu.memory_space<vmem>>, vector<16xf32>,
          %add3A_287 = arith.constant 48 : i32
          %add3A_288 = vector.broadcast %add3A_287 : i32 to vector<16xi32>
          %add3A_289 = arith.addi %iota3A, %add3A_288 : vector<16xi32>
          %gather3A_290 = tpu.vector_load_idx %arg12[%add3A_289, %gather3A] : memref<64x512xf32, #tpu.memory_space<vmem>>[vector<16xi32>, vector<16xi32>], vector<16xf32>,
          %swap3A_291 = arith.index_cast %and3A_260 : i32 to index
          %swap3A_292 = arith.constant 48 : index
          %swap3A_293 = tpu.vector_load %arg18[%swap3A_291, %swap3A_292] {strides = array<i32>} : memref<16x64xf32, #tpu.memory_space<vmem>>, vector<16xf32>,
          tpu.vector_store %arg18[%swap3A_291, %swap3A_292], %gather3A_290 {strides = array<i32>} : memref<16x64xf32, #tpu.memory_space<vmem>>, vector<16xf32>,
          %dma_start3A_294 = arith.constant 0 : i32
          %dma_start3A_295 = tpu.memref_slice %arg18[%and3A_260, %dma_start3A_294] : memref<16x64xf32, #tpu.memory_space<vmem>> -> memref<1x64xf32, #tpu.memory_space<vmem>>
          %dma_start3A_296 = arith.constant 0 : i32
          %dma_start3A_297 = tpu.memref_slice %arg8[%squeeze3A_258, %dma_start3A_296] : memref<16384x64xf32, #tpu.memory_space<hbm>> -> memref<1x64xf32, #tpu.memory_space<hbm>>
          %dma_start3A_298 = arith.constant 0 : i32
          %dma_start3A_299 = tpu.memref_slice %arg8[%squeeze3A_258, %dma_start3A_298] : memref<16384x64xf32, #tpu.memory_space<hbm>> -> memref<1x64xf32, #tpu.memory_space<hbm>>
          %dma_start3A_300 = arith.constant 0 : i32
          %dma_start3A_301 = tpu.memref_slice %arg18[%and3A_260, %dma_start3A_300] : memref<16x64xf32, #tpu.memory_space<vmem>> -> memref<1x64xf32, #tpu.memory_space<vmem>>
          tpu.enqueue_dma source(%dma_start3A_301 : memref<1x64xf32, #tpu.memory_space<vmem>>) target(%dma_start3A_299 : memref<1x64xf32, #tpu.memory_space<hbm>>) target_semaphore(%arg21 : memref<!tpu.dma_semaphore, #tpu.memory_space<semaphore_mem>>)
          %add3A_302 = arith.constant 1 : i32
          %add3A_303 = arith.addi %while3A_253, %add3A_302 : i32
          %add3A_304 = arith.constant 1 : i32
          %add3A_305 = vector.broadcast %add3A_304 : i32 to vector<16xi32>
          %add3A_306 = arith.addi %while3A_254, %add3A_305 : vector<16xi32>
          scf.yield %add3A_303, %add3A_306 : i32, vector<16xi32>
        }
        scf.yield %while3A_251#0 : i32
      }
      %while3A_187 = arith.constant 1 : i32
      %while3A_188 = scf.for %while3A_201 = %while3A_184 to %while3A_180 step %while3A_187 iter_args(%while3A_202 = %while3A_186) -> (i32)  : i32 {
        %mul3A_203 = arith.constant 16 : i32
        %mul3A_204 = arith.muli %while3A_201, %mul3A_203 : i32
        %get3A_205 = arith.index_cast %mul3A_204 : i32 to index
        %get3A_206 = tpu.vector_load %arg10[%get3A_205] {strides = array<i32>} : memref<16400xi32, #tpu.memory_space<vmem>>, vector<16xi32>,
        %mul3A_207 = arith.constant 16 : i32
        %mul3A_208 = arith.muli %while3A_201, %mul3A_207 : i32
        %get3A_209 = arith.index_cast %mul3A_208 : i32 to index
        %get3A_210 = tpu.vector_load %arg11[%get3A_209] {strides = array<i32>} : memref<16400xi32, #tpu.memory_space<vmem>>, vector<16xi32>,
        %sub3A_211 = arith.subi %get3A_206, %mul3A_170 : vector<16xi32>
        %ge3A = arith.constant 0 : i32
        %ge3A_212 = vector.broadcast %ge3A : i32 to vector<16xi32>
        %ge3A_213 = arith.cmpi sge, %sub3A_211, %ge3A_212 : vector<16xi32>
        %lt3A_214 = arith.constant 512 : i32
        %lt3A_215 = vector.broadcast %lt3A_214 : i32 to vector<16xi32>
        %lt3A_216 = arith.cmpi slt, %sub3A_211, %lt3A_215 : vector<16xi32>
        %and3A_217 = arith.andi %ge3A_213, %lt3A_216 : vector<16xi1>
        %mul3A_218 = arith.constant 0 : i32
        %mul3A_219 = vector.broadcast %mul3A_218 : i32 to vector<16xi32>
        %mul3A_220 = arith.muli %iota3A, %mul3A_219 : vector<16xi32>
        %add3A_221 = arith.constant 1 : i32
        %add3A_222 = vector.broadcast %add3A_221 : i32 to vector<16xi32>
        %add3A_223 = arith.addi %mul3A_220, %add3A_222 : vector<16xi32>
        %mul3A_224 = arith.constant 0 : i32
        %mul3A_225 = vector.broadcast %mul3A_224 : i32 to vector<16xi32>
        %mul3A_226 = arith.muli %iota3A, %mul3A_225 : vector<16xi32>
        %select_n3A_227 = arith.select %and3A_217, %add3A_223, %mul3A_226 : vector<16xi1>, vector<16xi32>
        %broadcast_in_dim3A_228 = arith.constant true
        %broadcast_in_dim3A_229 = vector.broadcast %broadcast_in_dim3A_228 : i1 to vector<16xi1>
        %masked_cumsum3A = tpu.scan <sum>, %select_n3A_227 masked %broadcast_in_dim3A_229 : vector<16xi32>, vector<16xi1> -> vector<16xi32>
        %slice3A_230 = vector.extract_strided_slice %masked_cumsum3A {offsets = [15], sizes = [1], strides = [1]} : vector<16xi32> to vector<1xi32>
        %squeeze3A_231 = vector.extract %slice3A_230[0] : i32 from vector<1xi32>
        %sub3A_232 = arith.subi %masked_cumsum3A, %select_n3A_227 : vector<16xi32>
        %add3A_233 = arith.constant 16 : i32
        %add3A_234 = vector.broadcast %add3A_233 : i32 to vector<16xi32>
        %add3A_235 = arith.addi %add3A_234, %iota3A : vector<16xi32>
        %select_n3A_236 = arith.select %and3A_217, %sub3A_232, %add3A_235 : vector<16xi1>, vector<16xi32>
        %sub3A_237 = arith.subi %get3A_206, %min3A_177 : vector<16xi32>
        tpu.vector_store_idx %arg14[%select_n3A_236], %sub3A_237 : memref<32xi32, #tpu.memory_space<vmem>>[vector<16xi32>], vector<16xi32>,
        tpu.vector_store_idx %arg15[%select_n3A_236], %get3A_210 : memref<32xi32, #tpu.memory_space<vmem>>[vector<16xi32>], vector<16xi32>,
        %mul3A_238 = arith.constant 0 : i32
        %mul3A_239 = vector.broadcast %mul3A_238 : i32 to vector<16xi32>
        %mul3A_240 = arith.muli %iota3A, %mul3A_239 : vector<16xi32>
        %while3A_241 = arith.constant 0 : i32
        %while3A_242 = arith.subi %squeeze3A_231, %while3A_241 : i32
        %while3A_243 = arith.addi %while3A_241, %while3A_242 : i32
        %while3A_244 = arith.constant 1 : i32
        %while3A_245 = arith.divsi %while3A_242, %while3A_244 : i32
        %while3A_246 = arith.muli %while3A_245, %while3A_244 : i32
        %while3A_247 = arith.addi %while3A_241, %while3A_246 : i32
        %while3A_248 = arith.constant 1 : i32
        %while3A_249:2 = scf.for %while3A_252 = %while3A_241 to %while3A_247 step %while3A_248 iter_args(%while3A_253 = %while3A_202, %while3A_254 = %mul3A_240) -> (i32, vector<16xi32>)  : i32 {
          %get3A_255 = arith.index_cast %while3A_252 : i32 to index
          %get3A_256 = tpu.vector_load %arg15[%get3A_255] {strides = array<i32>} : memref<32xi32, #tpu.memory_space<vmem>>, vector<16xi32>,
          %slice3A_257 = vector.extract_strided_slice %get3A_256 {offsets = [0], sizes = [1], strides = [1]} : vector<16xi32> to vector<1xi32>
          %squeeze3A_258 = vector.extract %slice3A_257[0] : i32 from vector<1xi32>
          %and3A_259 = arith.constant 15 : i32
          %and3A_260 = arith.andi %while3A_253, %and3A_259 : i32
          %ge3A_261 = arith.constant 16 : i32
          %ge3A_262 = arith.cmpi sge, %while3A_253, %ge3A_261 : i32
          %convert_element_type3A_263 = arith.extui %ge3A_262 : i1 to i32
          %cond3A_264 = arith.constant 0 : i32
          %cond3A_265 = arith.cmpi ne, %convert_element_type3A_263, %cond3A_264 : i32
          scf.if %cond3A_265 {
            %dma_wait3A_307 = arith.constant 0 : i32
            %dma_wait3A_308 = tpu.memref_slice %arg9[%dma_wait3A_307] : memref<16384xi32, #tpu.memory_space<vmem>> -> memref<64xi32, #tpu.memory_space<vmem>>
            %dma_wait3A_309 = arith.constant 0 : i32
            %dma_wait3A_310 = tpu.memref_slice %arg2[%dma_wait3A_309] : memref<16384xi32, #tpu.memory_space<hbm>> -> memref<64xi32, #tpu.memory_space<hbm>>
            %dma_wait3A_311 = arith.constant 0 : i32
            %dma_wait3A_312 = tpu.memref_slice %arg9[%dma_wait3A_311] : memref<16384xi32, #tpu.memory_space<vmem>> -> memref<64xi32, #tpu.memory_space<vmem>>
            %dma_wait3A_313 = arith.constant 0 : i32
            %dma_wait3A_314 = tpu.memref_slice %arg2[%dma_wait3A_313] : memref<16384xi32, #tpu.memory_space<hbm>> -> memref<64xi32, #tpu.memory_space<hbm>>
            tpu.wait_dma2 semaphore(%arg21 : memref<!tpu.dma_semaphore, #tpu.memory_space<semaphore_mem>>) src(%dma_wait3A_314 : memref<64xi32, #tpu.memory_space<hbm>>) dst(%dma_wait3A_312 : memref<64xi32, #tpu.memory_space<vmem>>)
          } else {
          }
          %gather3A = tpu.vector_load_idx %arg14[%while3A_254] : memref<32xi32, #tpu.memory_space<vmem>>[vector<16xi32>], vector<16xi32>,
          %add3A_266 = arith.constant 0 : i32
          %add3A_267 = vector.broadcast %add3A_266 : i32 to vector<16xi32>
          %add3A_268 = arith.addi %iota3A, %add3A_267 : vector<16xi32>
          %gather3A_269 = tpu.vector_load_idx %arg12[%add3A_268, %gather3A] : memref<64x512xf32, #tpu.memory_space<vmem>>[vector<16xi32>, vector<16xi32>], vector<16xf32>,
          %swap3A_270 = arith.index_cast %and3A_260 : i32 to index
          %swap3A_271 = arith.constant 0 : index
          %swap3A_272 = tpu.vector_load %arg18[%swap3A_270, %swap3A_271] {strides = array<i32>} : memref<16x64xf32, #tpu.memory_space<vmem>>, vector<16xf32>,
          tpu.vector_store %arg18[%swap3A_270, %swap3A_271], %gather3A_269 {strides = array<i32>} : memref<16x64xf32, #tpu.memory_space<vmem>>, vector<16xf32>,
          %add3A_273 = arith.constant 16 : i32
          %add3A_274 = vector.broadcast %add3A_273 : i32 to vector<16xi32>
          %add3A_275 = arith.addi %iota3A, %add3A_274 : vector<16xi32>
          %gather3A_276 = tpu.vector_load_idx %arg12[%add3A_275, %gather3A] : memref<64x512xf32, #tpu.memory_space<vmem>>[vector<16xi32>, vector<16xi32>], vector<16xf32>,
          %swap3A_277 = arith.index_cast %and3A_260 : i32 to index
          %swap3A_278 = arith.constant 16 : index
          %swap3A_279 = tpu.vector_load %arg18[%swap3A_277, %swap3A_278] {strides = array<i32>} : memref<16x64xf32, #tpu.memory_space<vmem>>, vector<16xf32>,
          tpu.vector_store %arg18[%swap3A_277, %swap3A_278], %gather3A_276 {strides = array<i32>} : memref<16x64xf32, #tpu.memory_space<vmem>>, vector<16xf32>,
          %add3A_280 = arith.constant 32 : i32
          %add3A_281 = vector.broadcast %add3A_280 : i32 to vector<16xi32>
          %add3A_282 = arith.addi %iota3A, %add3A_281 : vector<16xi32>
          %gather3A_283 = tpu.vector_load_idx %arg12[%add3A_282, %gather3A] : memref<64x512xf32, #tpu.memory_space<vmem>>[vector<16xi32>, vector<16xi32>], vector<16xf32>,
          %swap3A_284 = arith.index_cast %and3A_260 : i32 to index
          %swap3A_285 = arith.constant 32 : index
          %swap3A_286 = tpu.vector_load %arg18[%swap3A_284, %swap3A_285] {strides = array<i32>} : memref<16x64xf32, #tpu.memory_space<vmem>>, vector<16xf32>,
          tpu.vector_store %arg18[%swap3A_284, %swap3A_285], %gather3A_283 {strides = array<i32>} : memref<16x64xf32, #tpu.memory_space<vmem>>, vector<16xf32>,
          %add3A_287 = arith.constant 48 : i32
          %add3A_288 = vector.broadcast %add3A_287 : i32 to vector<16xi32>
          %add3A_289 = arith.addi %iota3A, %add3A_288 : vector<16xi32>
          %gather3A_290 = tpu.vector_load_idx %arg12[%add3A_289, %gather3A] : memref<64x512xf32, #tpu.memory_space<vmem>>[vector<16xi32>, vector<16xi32>], vector<16xf32>,
          %swap3A_291 = arith.index_cast %and3A_260 : i32 to index
          %swap3A_292 = arith.constant 48 : index
          %swap3A_293 = tpu.vector_load %arg18[%swap3A_291, %swap3A_292] {strides = array<i32>} : memref<16x64xf32, #tpu.memory_space<vmem>>, vector<16xf32>,
          tpu.vector_store %arg18[%swap3A_291, %swap3A_292], %gather3A_290 {strides = array<i32>} : memref<16x64xf32, #tpu.memory_space<vmem>>, vector<16xf32>,
          %dma_start3A_294 = arith.constant 0 : i32
          %dma_start3A_295 = tpu.memref_slice %arg18[%and3A_260, %dma_start3A_294] : memref<16x64xf32, #tpu.memory_space<vmem>> -> memref<1x64xf32, #tpu.memory_space<vmem>>
          %dma_start3A_296 = arith.constant 0 : i32
          %dma_start3A_297 = tpu.memref_slice %arg8[%squeeze3A_258, %dma_start3A_296] : memref<16384x64xf32, #tpu.memory_space<hbm>> -> memref<1x64xf32, #tpu.memory_space<hbm>>
          %dma_start3A_298 = arith.constant 0 : i32
          %dma_start3A_299 = tpu.memref_slice %arg8[%squeeze3A_258, %dma_start3A_298] : memref<16384x64xf32, #tpu.memory_space<hbm>> -> memref<1x64xf32, #tpu.memory_space<hbm>>
          %dma_start3A_300 = arith.constant 0 : i32
          %dma_start3A_301 = tpu.memref_slice %arg18[%and3A_260, %dma_start3A_300] : memref<16x64xf32, #tpu.memory_space<vmem>> -> memref<1x64xf32, #tpu.memory_space<vmem>>
          tpu.enqueue_dma source(%dma_start3A_301 : memref<1x64xf32, #tpu.memory_space<vmem>>) target(%dma_start3A_299 : memref<1x64xf32, #tpu.memory_space<hbm>>) target_semaphore(%arg21 : memref<!tpu.dma_semaphore, #tpu.memory_space<semaphore_mem>>)
          %add3A_302 = arith.constant 1 : i32
          %add3A_303 = arith.addi %while3A_253, %add3A_302 : i32
          %add3A_304 = arith.constant 1 : i32
          %add3A_305 = vector.broadcast %add3A_304 : i32 to vector<16xi32>
          %add3A_306 = arith.addi %while3A_254, %add3A_305 : vector<16xi32>
          scf.yield %add3A_303, %add3A_306 : i32, vector<16xi32>
        }
        %while3A_250 = arith.constant 1 : i32
        %while3A_251:2 = scf.for %while3A_252 = %while3A_247 to %while3A_243 step %while3A_250 iter_args(%while3A_253 = %while3A_249#0, %while3A_254 = %while3A_249#1) -> (i32, vector<16xi32>)  : i32 {
          %get3A_255 = arith.index_cast %while3A_252 : i32 to index
          %get3A_256 = tpu.vector_load %arg15[%get3A_255] {strides = array<i32>} : memref<32xi32, #tpu.memory_space<vmem>>, vector<16xi32>,
          %slice3A_257 = vector.extract_strided_slice %get3A_256 {offsets = [0], sizes = [1], strides = [1]} : vector<16xi32> to vector<1xi32>
          %squeeze3A_258 = vector.extract %slice3A_257[0] : i32 from vector<1xi32>
          %and3A_259 = arith.constant 15 : i32
          %and3A_260 = arith.andi %while3A_253, %and3A_259 : i32
          %ge3A_261 = arith.constant 16 : i32
          %ge3A_262 = arith.cmpi sge, %while3A_253, %ge3A_261 : i32
          %convert_element_type3A_263 = arith.extui %ge3A_262 : i1 to i32
          %cond3A_264 = arith.constant 0 : i32
          %cond3A_265 = arith.cmpi ne, %convert_element_type3A_263, %cond3A_264 : i32
          scf.if %cond3A_265 {
            %dma_wait3A_307 = arith.constant 0 : i32
            %dma_wait3A_308 = tpu.memref_slice %arg9[%dma_wait3A_307] : memref<16384xi32, #tpu.memory_space<vmem>> -> memref<64xi32, #tpu.memory_space<vmem>>
            %dma_wait3A_309 = arith.constant 0 : i32
            %dma_wait3A_310 = tpu.memref_slice %arg2[%dma_wait3A_309] : memref<16384xi32, #tpu.memory_space<hbm>> -> memref<64xi32, #tpu.memory_space<hbm>>
            %dma_wait3A_311 = arith.constant 0 : i32
            %dma_wait3A_312 = tpu.memref_slice %arg9[%dma_wait3A_311] : memref<16384xi32, #tpu.memory_space<vmem>> -> memref<64xi32, #tpu.memory_space<vmem>>
            %dma_wait3A_313 = arith.constant 0 : i32
            %dma_wait3A_314 = tpu.memref_slice %arg2[%dma_wait3A_313] : memref<16384xi32, #tpu.memory_space<hbm>> -> memref<64xi32, #tpu.memory_space<hbm>>
            tpu.wait_dma2 semaphore(%arg21 : memref<!tpu.dma_semaphore, #tpu.memory_space<semaphore_mem>>) src(%dma_wait3A_314 : memref<64xi32, #tpu.memory_space<hbm>>) dst(%dma_wait3A_312 : memref<64xi32, #tpu.memory_space<vmem>>)
          } else {
          }
          %gather3A = tpu.vector_load_idx %arg14[%while3A_254] : memref<32xi32, #tpu.memory_space<vmem>>[vector<16xi32>], vector<16xi32>,
          %add3A_266 = arith.constant 0 : i32
          %add3A_267 = vector.broadcast %add3A_266 : i32 to vector<16xi32>
          %add3A_268 = arith.addi %iota3A, %add3A_267 : vector<16xi32>
          %gather3A_269 = tpu.vector_load_idx %arg12[%add3A_268, %gather3A] : memref<64x512xf32, #tpu.memory_space<vmem>>[vector<16xi32>, vector<16xi32>], vector<16xf32>,
          %swap3A_270 = arith.index_cast %and3A_260 : i32 to index
          %swap3A_271 = arith.constant 0 : index
          %swap3A_272 = tpu.vector_load %arg18[%swap3A_270, %swap3A_271] {strides = array<i32>} : memref<16x64xf32, #tpu.memory_space<vmem>>, vector<16xf32>,
          tpu.vector_store %arg18[%swap3A_270, %swap3A_271], %gather3A_269 {strides = array<i32>} : memref<16x64xf32, #tpu.memory_space<vmem>>, vector<16xf32>,
          %add3A_273 = arith.constant 16 : i32
          %add3A_274 = vector.broadcast %add3A_273 : i32 to vector<16xi32>
          %add3A_275 = arith.addi %iota3A, %add3A_274 : vector<16xi32>
          %gather3A_276 = tpu.vector_load_idx %arg12[%add3A_275, %gather3A] : memref<64x512xf32, #tpu.memory_space<vmem>>[vector<16xi32>, vector<16xi32>], vector<16xf32>,
          %swap3A_277 = arith.index_cast %and3A_260 : i32 to index
          %swap3A_278 = arith.constant 16 : index
          %swap3A_279 = tpu.vector_load %arg18[%swap3A_277, %swap3A_278] {strides = array<i32>} : memref<16x64xf32, #tpu.memory_space<vmem>>, vector<16xf32>,
          tpu.vector_store %arg18[%swap3A_277, %swap3A_278], %gather3A_276 {strides = array<i32>} : memref<16x64xf32, #tpu.memory_space<vmem>>, vector<16xf32>,
          %add3A_280 = arith.constant 32 : i32
          %add3A_281 = vector.broadcast %add3A_280 : i32 to vector<16xi32>
          %add3A_282 = arith.addi %iota3A, %add3A_281 : vector<16xi32>
          %gather3A_283 = tpu.vector_load_idx %arg12[%add3A_282, %gather3A] : memref<64x512xf32, #tpu.memory_space<vmem>>[vector<16xi32>, vector<16xi32>], vector<16xf32>,
          %swap3A_284 = arith.index_cast %and3A_260 : i32 to index
          %swap3A_285 = arith.constant 32 : index
          %swap3A_286 = tpu.vector_load %arg18[%swap3A_284, %swap3A_285] {strides = array<i32>} : memref<16x64xf32, #tpu.memory_space<vmem>>, vector<16xf32>,
          tpu.vector_store %arg18[%swap3A_284, %swap3A_285], %gather3A_283 {strides = array<i32>} : memref<16x64xf32, #tpu.memory_space<vmem>>, vector<16xf32>,
          %add3A_287 = arith.constant 48 : i32
          %add3A_288 = vector.broadcast %add3A_287 : i32 to vector<16xi32>
          %add3A_289 = arith.addi %iota3A, %add3A_288 : vector<16xi32>
          %gather3A_290 = tpu.vector_load_idx %arg12[%add3A_289, %gather3A] : memref<64x512xf32, #tpu.memory_space<vmem>>[vector<16xi32>, vector<16xi32>], vector<16xf32>,
          %swap3A_291 = arith.index_cast %and3A_260 : i32 to index
          %swap3A_292 = arith.constant 48 : index
          %swap3A_293 = tpu.vector_load %arg18[%swap3A_291, %swap3A_292] {strides = array<i32>} : memref<16x64xf32, #tpu.memory_space<vmem>>, vector<16xf32>,
          tpu.vector_store %arg18[%swap3A_291, %swap3A_292], %gather3A_290 {strides = array<i32>} : memref<16x64xf32, #tpu.memory_space<vmem>>, vector<16xf32>,
          %dma_start3A_294 = arith.constant 0 : i32
          %dma_start3A_295 = tpu.memref_slice %arg18[%and3A_260, %dma_start3A_294] : memref<16x64xf32, #tpu.memory_space<vmem>> -> memref<1x64xf32, #tpu.memory_space<vmem>>
          %dma_start3A_296 = arith.constant 0 : i32
          %dma_start3A_297 = tpu.memref_slice %arg8[%squeeze3A_258, %dma_start3A_296] : memref<16384x64xf32, #tpu.memory_space<hbm>> -> memref<1x64xf32, #tpu.memory_space<hbm>>
          %dma_start3A_298 = arith.constant 0 : i32
          %dma_start3A_299 = tpu.memref_slice %arg8[%squeeze3A_258, %dma_start3A_298] : memref<16384x64xf32, #tpu.memory_space<hbm>> -> memref<1x64xf32, #tpu.memory_space<hbm>>
          %dma_start3A_300 = arith.constant 0 : i32
          %dma_start3A_301 = tpu.memref_slice %arg18[%and3A_260, %dma_start3A_300] : memref<16x64xf32, #tpu.memory_space<vmem>> -> memref<1x64xf32, #tpu.memory_space<vmem>>
          tpu.enqueue_dma source(%dma_start3A_301 : memref<1x64xf32, #tpu.memory_space<vmem>>) target(%dma_start3A_299 : memref<1x64xf32, #tpu.memory_space<hbm>>) target_semaphore(%arg21 : memref<!tpu.dma_semaphore, #tpu.memory_space<semaphore_mem>>)
          %add3A_302 = arith.constant 1 : i32
          %add3A_303 = arith.addi %while3A_253, %add3A_302 : i32
          %add3A_304 = arith.constant 1 : i32
          %add3A_305 = vector.broadcast %add3A_304 : i32 to vector<16xi32>
          %add3A_306 = arith.addi %while3A_254, %add3A_305 : vector<16xi32>
          scf.yield %add3A_303, %add3A_306 : i32, vector<16xi32>
        }
        scf.yield %while3A_251#0 : i32
      }
      %lt3A_189 = arith.cmpi slt, %add3A_152, %add3A_11 : i32
      %convert_element_type3A_190 = arith.extui %lt3A_189 : i1 to i32
      %cond3A_191 = arith.constant 0 : i32
      %cond3A_192 = arith.cmpi ne, %convert_element_type3A_190, %cond3A_191 : i32
      scf.if %cond3A_192 {
        %mul3A_201 = arith.constant 512 : i32
        %mul3A_202 = arith.muli %add3A_158, %mul3A_201 : i32
        %min3A_203 = arith.constant 999552 : i32
        %min3A_204 = arith.minsi %mul3A_202, %min3A_203 : i32
        %multiple_of3A_205 = tpu.assume_multiple %min3A_204, 128 : i32
        %dma_start3A_206 = arith.constant 0 : i32
        %dma_start3A_207 = tpu.memref_slice %arg5[%dma_start3A_206, %multiple_of3A_205] : memref<64x1000000xf32, #tpu.memory_space<hbm>> -> memref<64x512xf32, #tpu.memory_space<hbm>>
        %dma_start3A_208 = arith.constant 0 : i32
        %dma_start3A_209 = tpu.memref_slice %arg5[%dma_start3A_208, %multiple_of3A_205] : memref<64x1000000xf32, #tpu.memory_space<hbm>> -> memref<64x512xf32, #tpu.memory_space<hbm>>
        tpu.enqueue_dma source(%dma_start3A_209 : memref<64x512xf32, #tpu.memory_space<hbm>>) target(%arg12 : memref<64x512xf32, #tpu.memory_space<vmem>>) target_semaphore(%arg19 : memref<!tpu.dma_semaphore, #tpu.memory_space<semaphore_mem>>)
      } else {
      }
      %lt3A_193 = arith.cmpi slt, %add3A_150, %add3A_11 : i32
      %convert_element_type3A_194 = arith.extui %lt3A_193 : i1 to i32
      %cond3A_195 = arith.constant 0 : i32
      %cond3A_196 = arith.cmpi ne, %convert_element_type3A_194, %cond3A_195 : i32
      %cond3A_197 = scf.if %cond3A_196 -> (i32) {
        %dma_wait3A_201 = arith.constant 0 : i32
        %dma_wait3A_202 = arith.constant 0 : i32
        %dma_wait3A_203 = tpu.memref_slice %arg5[%dma_wait3A_201, %dma_wait3A_202] : memref<64x1000000xf32, #tpu.memory_space<hbm>> -> memref<64x512xf32, #tpu.memory_space<hbm>>
        %dma_wait3A_204 = arith.constant 0 : i32
        %dma_wait3A_205 = arith.constant 0 : i32
        %dma_wait3A_206 = tpu.memref_slice %arg5[%dma_wait3A_204, %dma_wait3A_205] : memref<64x1000000xf32, #tpu.memory_space<hbm>> -> memref<64x512xf32, #tpu.memory_space<hbm>>
        tpu.wait_dma2 semaphore(%arg20 : memref<!tpu.dma_semaphore, #tpu.memory_space<semaphore_mem>>) src(%dma_wait3A_206 : memref<64x512xf32, #tpu.memory_space<hbm>>) dst(%arg13 : memref<64x512xf32, #tpu.memory_space<vmem>>)
        %mul3A_207 = arith.constant 512 : i32
        %mul3A_208 = vector.broadcast %mul3A_207 : i32 to vector<16xi32>
        %mul3A_209 = arith.muli %add3A_161, %mul3A_208 : vector<16xi32>
        %mul3A_210 = arith.constant 0 : i32
        %mul3A_211 = vector.broadcast %mul3A_210 : i32 to vector<16xi32>
        %mul3A_212 = arith.muli %iota3A, %mul3A_211 : vector<16xi32>
        %add3A_213 = arith.constant 999552 : i32
        %add3A_214 = vector.broadcast %add3A_213 : i32 to vector<16xi32>
        %add3A_215 = arith.addi %mul3A_212, %add3A_214 : vector<16xi32>
        %min3A_216 = arith.minsi %mul3A_209, %add3A_215 : vector<16xi32>
        %while3A_217 = arith.constant 0 : i32
        %while3A_218 = arith.subi %select_n3A_124, %while3A_217 : i32
        %while3A_219 = arith.addi %while3A_217, %while3A_218 : i32
        %while3A_220 = arith.constant 1 : i32
        %while3A_221 = arith.divsi %while3A_218, %while3A_220 : i32
        %while3A_222 = arith.muli %while3A_221, %while3A_220 : i32
        %while3A_223 = arith.addi %while3A_217, %while3A_222 : i32
        %while3A_224 = arith.constant 1 : i32
        %while3A_225 = scf.for %while3A_228 = %while3A_217 to %while3A_223 step %while3A_224 iter_args(%while3A_229 = %while3A_188) -> (i32)  : i32 {
          %mul3A_230 = arith.constant 16 : i32
          %mul3A_231 = arith.muli %while3A_228, %mul3A_230 : i32
          %get3A_232 = arith.index_cast %mul3A_231 : i32 to index
          %get3A_233 = tpu.vector_load %arg10[%get3A_232] {strides = array<i32>} : memref<16400xi32, #tpu.memory_space<vmem>>, vector<16xi32>,
          %mul3A_234 = arith.constant 16 : i32
          %mul3A_235 = arith.muli %while3A_228, %mul3A_234 : i32
          %get3A_236 = arith.index_cast %mul3A_235 : i32 to index
          %get3A_237 = tpu.vector_load %arg11[%get3A_236] {strides = array<i32>} : memref<16400xi32, #tpu.memory_space<vmem>>, vector<16xi32>,
          %sub3A_238 = arith.subi %get3A_233, %mul3A_209 : vector<16xi32>
          %ge3A = arith.constant 0 : i32
          %ge3A_239 = vector.broadcast %ge3A : i32 to vector<16xi32>
          %ge3A_240 = arith.cmpi sge, %sub3A_238, %ge3A_239 : vector<16xi32>
          %lt3A_241 = arith.constant 512 : i32
          %lt3A_242 = vector.broadcast %lt3A_241 : i32 to vector<16xi32>
          %lt3A_243 = arith.cmpi slt, %sub3A_238, %lt3A_242 : vector<16xi32>
          %and3A_244 = arith.andi %ge3A_240, %lt3A_243 : vector<16xi1>
          %mul3A_245 = arith.constant 0 : i32
          %mul3A_246 = vector.broadcast %mul3A_245 : i32 to vector<16xi32>
          %mul3A_247 = arith.muli %iota3A, %mul3A_246 : vector<16xi32>
          %add3A_248 = arith.constant 1 : i32
          %add3A_249 = vector.broadcast %add3A_248 : i32 to vector<16xi32>
          %add3A_250 = arith.addi %mul3A_247, %add3A_249 : vector<16xi32>
          %mul3A_251 = arith.constant 0 : i32
          %mul3A_252 = vector.broadcast %mul3A_251 : i32 to vector<16xi32>
          %mul3A_253 = arith.muli %iota3A, %mul3A_252 : vector<16xi32>
          %select_n3A_254 = arith.select %and3A_244, %add3A_250, %mul3A_253 : vector<16xi1>, vector<16xi32>
          %broadcast_in_dim3A_255 = arith.constant true
          %broadcast_in_dim3A_256 = vector.broadcast %broadcast_in_dim3A_255 : i1 to vector<16xi1>
          %masked_cumsum3A = tpu.scan <sum>, %select_n3A_254 masked %broadcast_in_dim3A_256 : vector<16xi32>, vector<16xi1> -> vector<16xi32>
          %slice3A_257 = vector.extract_strided_slice %masked_cumsum3A {offsets = [15], sizes = [1], strides = [1]} : vector<16xi32> to vector<1xi32>
          %squeeze3A_258 = vector.extract %slice3A_257[0] : i32 from vector<1xi32>
          %sub3A_259 = arith.subi %masked_cumsum3A, %select_n3A_254 : vector<16xi32>
          %add3A_260 = arith.constant 16 : i32
          %add3A_261 = vector.broadcast %add3A_260 : i32 to vector<16xi32>
          %add3A_262 = arith.addi %add3A_261, %iota3A : vector<16xi32>
          %select_n3A_263 = arith.select %and3A_244, %sub3A_259, %add3A_262 : vector<16xi1>, vector<16xi32>
          %sub3A_264 = arith.subi %get3A_233, %min3A_216 : vector<16xi32>
          tpu.vector_store_idx %arg14[%select_n3A_263], %sub3A_264 : memref<32xi32, #tpu.memory_space<vmem>>[vector<16xi32>], vector<16xi32>,
          tpu.vector_store_idx %arg15[%select_n3A_263], %get3A_237 : memref<32xi32, #tpu.memory_space<vmem>>[vector<16xi32>], vector<16xi32>,
          %mul3A_265 = arith.constant 0 : i32
          %mul3A_266 = vector.broadcast %mul3A_265 : i32 to vector<16xi32>
          %mul3A_267 = arith.muli %iota3A, %mul3A_266 : vector<16xi32>
          %while3A_268 = arith.constant 0 : i32
          %while3A_269 = arith.subi %squeeze3A_258, %while3A_268 : i32
          %while3A_270 = arith.addi %while3A_268, %while3A_269 : i32
          %while3A_271 = arith.constant 1 : i32
          %while3A_272 = arith.divsi %while3A_269, %while3A_271 : i32
          %while3A_273 = arith.muli %while3A_272, %while3A_271 : i32
          %while3A_274 = arith.addi %while3A_268, %while3A_273 : i32
          %while3A_275 = arith.constant 1 : i32
          %while3A_276:2 = scf.for %while3A_279 = %while3A_268 to %while3A_274 step %while3A_275 iter_args(%while3A_280 = %while3A_229, %while3A_281 = %mul3A_267) -> (i32, vector<16xi32>)  : i32 {
            %get3A_282 = arith.index_cast %while3A_279 : i32 to index
            %get3A_283 = tpu.vector_load %arg15[%get3A_282] {strides = array<i32>} : memref<32xi32, #tpu.memory_space<vmem>>, vector<16xi32>,
            %slice3A_284 = vector.extract_strided_slice %get3A_283 {offsets = [0], sizes = [1], strides = [1]} : vector<16xi32> to vector<1xi32>
            %squeeze3A_285 = vector.extract %slice3A_284[0] : i32 from vector<1xi32>
            %and3A_286 = arith.constant 15 : i32
            %and3A_287 = arith.andi %while3A_280, %and3A_286 : i32
            %ge3A_288 = arith.constant 16 : i32
            %ge3A_289 = arith.cmpi sge, %while3A_280, %ge3A_288 : i32
            %convert_element_type3A_290 = arith.extui %ge3A_289 : i1 to i32
            %cond3A_291 = arith.constant 0 : i32
            %cond3A_292 = arith.cmpi ne, %convert_element_type3A_290, %cond3A_291 : i32
            scf.if %cond3A_292 {
              %dma_wait3A_334 = arith.constant 0 : i32
              %dma_wait3A_335 = tpu.memref_slice %arg9[%dma_wait3A_334] : memref<16384xi32, #tpu.memory_space<vmem>> -> memref<64xi32, #tpu.memory_space<vmem>>
              %dma_wait3A_336 = arith.constant 0 : i32
              %dma_wait3A_337 = tpu.memref_slice %arg2[%dma_wait3A_336] : memref<16384xi32, #tpu.memory_space<hbm>> -> memref<64xi32, #tpu.memory_space<hbm>>
              %dma_wait3A_338 = arith.constant 0 : i32
              %dma_wait3A_339 = tpu.memref_slice %arg9[%dma_wait3A_338] : memref<16384xi32, #tpu.memory_space<vmem>> -> memref<64xi32, #tpu.memory_space<vmem>>
              %dma_wait3A_340 = arith.constant 0 : i32
              %dma_wait3A_341 = tpu.memref_slice %arg2[%dma_wait3A_340] : memref<16384xi32, #tpu.memory_space<hbm>> -> memref<64xi32, #tpu.memory_space<hbm>>
              tpu.wait_dma2 semaphore(%arg21 : memref<!tpu.dma_semaphore, #tpu.memory_space<semaphore_mem>>) src(%dma_wait3A_341 : memref<64xi32, #tpu.memory_space<hbm>>) dst(%dma_wait3A_339 : memref<64xi32, #tpu.memory_space<vmem>>)
            } else {
            }
            %gather3A = tpu.vector_load_idx %arg14[%while3A_281] : memref<32xi32, #tpu.memory_space<vmem>>[vector<16xi32>], vector<16xi32>,
            %add3A_293 = arith.constant 0 : i32
            %add3A_294 = vector.broadcast %add3A_293 : i32 to vector<16xi32>
            %add3A_295 = arith.addi %iota3A, %add3A_294 : vector<16xi32>
            %gather3A_296 = tpu.vector_load_idx %arg13[%add3A_295, %gather3A] : memref<64x512xf32, #tpu.memory_space<vmem>>[vector<16xi32>, vector<16xi32>], vector<16xf32>,
            %swap3A_297 = arith.index_cast %and3A_287 : i32 to index
            %swap3A_298 = arith.constant 0 : index
            %swap3A_299 = tpu.vector_load %arg18[%swap3A_297, %swap3A_298] {strides = array<i32>} : memref<16x64xf32, #tpu.memory_space<vmem>>, vector<16xf32>,
            tpu.vector_store %arg18[%swap3A_297, %swap3A_298], %gather3A_296 {strides = array<i32>} : memref<16x64xf32, #tpu.memory_space<vmem>>, vector<16xf32>,
            %add3A_300 = arith.constant 16 : i32
            %add3A_301 = vector.broadcast %add3A_300 : i32 to vector<16xi32>
            %add3A_302 = arith.addi %iota3A, %add3A_301 : vector<16xi32>
            %gather3A_303 = tpu.vector_load_idx %arg13[%add3A_302, %gather3A] : memref<64x512xf32, #tpu.memory_space<vmem>>[vector<16xi32>, vector<16xi32>], vector<16xf32>,
            %swap3A_304 = arith.index_cast %and3A_287 : i32 to index
            %swap3A_305 = arith.constant 16 : index
            %swap3A_306 = tpu.vector_load %arg18[%swap3A_304, %swap3A_305] {strides = array<i32>} : memref<16x64xf32, #tpu.memory_space<vmem>>, vector<16xf32>,
            tpu.vector_store %arg18[%swap3A_304, %swap3A_305], %gather3A_303 {strides = array<i32>} : memref<16x64xf32, #tpu.memory_space<vmem>>, vector<16xf32>,
            %add3A_307 = arith.constant 32 : i32
            %add3A_308 = vector.broadcast %add3A_307 : i32 to vector<16xi32>
            %add3A_309 = arith.addi %iota3A, %add3A_308 : vector<16xi32>
            %gather3A_310 = tpu.vector_load_idx %arg13[%add3A_309, %gather3A] : memref<64x512xf32, #tpu.memory_space<vmem>>[vector<16xi32>, vector<16xi32>], vector<16xf32>,
            %swap3A_311 = arith.index_cast %and3A_287 : i32 to index
            %swap3A_312 = arith.constant 32 : index
            %swap3A_313 = tpu.vector_load %arg18[%swap3A_311, %swap3A_312] {strides = array<i32>} : memref<16x64xf32, #tpu.memory_space<vmem>>, vector<16xf32>,
            tpu.vector_store %arg18[%swap3A_311, %swap3A_312], %gather3A_310 {strides = array<i32>} : memref<16x64xf32, #tpu.memory_space<vmem>>, vector<16xf32>,
            %add3A_314 = arith.constant 48 : i32
            %add3A_315 = vector.broadcast %add3A_314 : i32 to vector<16xi32>
            %add3A_316 = arith.addi %iota3A, %add3A_315 : vector<16xi32>
            %gather3A_317 = tpu.vector_load_idx %arg13[%add3A_316, %gather3A] : memref<64x512xf32, #tpu.memory_space<vmem>>[vector<16xi32>, vector<16xi32>], vector<16xf32>,
            %swap3A_318 = arith.index_cast %and3A_287 : i32 to index
            %swap3A_319 = arith.constant 48 : index
            %swap3A_320 = tpu.vector_load %arg18[%swap3A_318, %swap3A_319] {strides = array<i32>} : memref<16x64xf32, #tpu.memory_space<vmem>>, vector<16xf32>,
            tpu.vector_store %arg18[%swap3A_318, %swap3A_319], %gather3A_317 {strides = array<i32>} : memref<16x64xf32, #tpu.memory_space<vmem>>, vector<16xf32>,
            %dma_start3A_321 = arith.constant 0 : i32
            %dma_start3A_322 = tpu.memref_slice %arg18[%and3A_287, %dma_start3A_321] : memref<16x64xf32, #tpu.memory_space<vmem>> -> memref<1x64xf32, #tpu.memory_space<vmem>>
            %dma_start3A_323 = arith.constant 0 : i32
            %dma_start3A_324 = tpu.memref_slice %arg8[%squeeze3A_285, %dma_start3A_323] : memref<16384x64xf32, #tpu.memory_space<hbm>> -> memref<1x64xf32, #tpu.memory_space<hbm>>
            %dma_start3A_325 = arith.constant 0 : i32
            %dma_start3A_326 = tpu.memref_slice %arg8[%squeeze3A_285, %dma_start3A_325] : memref<16384x64xf32, #tpu.memory_space<hbm>> -> memref<1x64xf32, #tpu.memory_space<hbm>>
            %dma_start3A_327 = arith.constant 0 : i32
            %dma_start3A_328 = tpu.memref_slice %arg18[%and3A_287, %dma_start3A_327] : memref<16x64xf32, #tpu.memory_space<vmem>> -> memref<1x64xf32, #tpu.memory_space<vmem>>
            tpu.enqueue_dma source(%dma_start3A_328 : memref<1x64xf32, #tpu.memory_space<vmem>>) target(%dma_start3A_326 : memref<1x64xf32, #tpu.memory_space<hbm>>) target_semaphore(%arg21 : memref<!tpu.dma_semaphore, #tpu.memory_space<semaphore_mem>>)
            %add3A_329 = arith.constant 1 : i32
            %add3A_330 = arith.addi %while3A_280, %add3A_329 : i32
            %add3A_331 = arith.constant 1 : i32
            %add3A_332 = vector.broadcast %add3A_331 : i32 to vector<16xi32>
            %add3A_333 = arith.addi %while3A_281, %add3A_332 : vector<16xi32>
            scf.yield %add3A_330, %add3A_333 : i32, vector<16xi32>
          }
          %while3A_277 = arith.constant 1 : i32
          %while3A_278:2 = scf.for %while3A_279 = %while3A_274 to %while3A_270 step %while3A_277 iter_args(%while3A_280 = %while3A_276#0, %while3A_281 = %while3A_276#1) -> (i32, vector<16xi32>)  : i32 {
            %get3A_282 = arith.index_cast %while3A_279 : i32 to index
            %get3A_283 = tpu.vector_load %arg15[%get3A_282] {strides = array<i32>} : memref<32xi32, #tpu.memory_space<vmem>>, vector<16xi32>,
            %slice3A_284 = vector.extract_strided_slice %get3A_283 {offsets = [0], sizes = [1], strides = [1]} : vector<16xi32> to vector<1xi32>
            %squeeze3A_285 = vector.extract %slice3A_284[0] : i32 from vector<1xi32>
            %and3A_286 = arith.constant 15 : i32
            %and3A_287 = arith.andi %while3A_280, %and3A_286 : i32
            %ge3A_288 = arith.constant 16 : i32
            %ge3A_289 = arith.cmpi sge, %while3A_280, %ge3A_288 : i32
            %convert_element_type3A_290 = arith.extui %ge3A_289 : i1 to i32
            %cond3A_291 = arith.constant 0 : i32
            %cond3A_292 = arith.cmpi ne, %convert_element_type3A_290, %cond3A_291 : i32
            scf.if %cond3A_292 {
              %dma_wait3A_334 = arith.constant 0 : i32
              %dma_wait3A_335 = tpu.memref_slice %arg9[%dma_wait3A_334] : memref<16384xi32, #tpu.memory_space<vmem>> -> memref<64xi32, #tpu.memory_space<vmem>>
              %dma_wait3A_336 = arith.constant 0 : i32
              %dma_wait3A_337 = tpu.memref_slice %arg2[%dma_wait3A_336] : memref<16384xi32, #tpu.memory_space<hbm>> -> memref<64xi32, #tpu.memory_space<hbm>>
              %dma_wait3A_338 = arith.constant 0 : i32
              %dma_wait3A_339 = tpu.memref_slice %arg9[%dma_wait3A_338] : memref<16384xi32, #tpu.memory_space<vmem>> -> memref<64xi32, #tpu.memory_space<vmem>>
              %dma_wait3A_340 = arith.constant 0 : i32
              %dma_wait3A_341 = tpu.memref_slice %arg2[%dma_wait3A_340] : memref<16384xi32, #tpu.memory_space<hbm>> -> memref<64xi32, #tpu.memory_space<hbm>>
              tpu.wait_dma2 semaphore(%arg21 : memref<!tpu.dma_semaphore, #tpu.memory_space<semaphore_mem>>) src(%dma_wait3A_341 : memref<64xi32, #tpu.memory_space<hbm>>) dst(%dma_wait3A_339 : memref<64xi32, #tpu.memory_space<vmem>>)
            } else {
            }
            %gather3A = tpu.vector_load_idx %arg14[%while3A_281] : memref<32xi32, #tpu.memory_space<vmem>>[vector<16xi32>], vector<16xi32>,
            %add3A_293 = arith.constant 0 : i32
            %add3A_294 = vector.broadcast %add3A_293 : i32 to vector<16xi32>
            %add3A_295 = arith.addi %iota3A, %add3A_294 : vector<16xi32>
            %gather3A_296 = tpu.vector_load_idx %arg13[%add3A_295, %gather3A] : memref<64x512xf32, #tpu.memory_space<vmem>>[vector<16xi32>, vector<16xi32>], vector<16xf32>,
            %swap3A_297 = arith.index_cast %and3A_287 : i32 to index
            %swap3A_298 = arith.constant 0 : index
            %swap3A_299 = tpu.vector_load %arg18[%swap3A_297, %swap3A_298] {strides = array<i32>} : memref<16x64xf32, #tpu.memory_space<vmem>>, vector<16xf32>,
            tpu.vector_store %arg18[%swap3A_297, %swap3A_298], %gather3A_296 {strides = array<i32>} : memref<16x64xf32, #tpu.memory_space<vmem>>, vector<16xf32>,
            %add3A_300 = arith.constant 16 : i32
            %add3A_301 = vector.broadcast %add3A_300 : i32 to vector<16xi32>
            %add3A_302 = arith.addi %iota3A, %add3A_301 : vector<16xi32>
            %gather3A_303 = tpu.vector_load_idx %arg13[%add3A_302, %gather3A] : memref<64x512xf32, #tpu.memory_space<vmem>>[vector<16xi32>, vector<16xi32>], vector<16xf32>,
            %swap3A_304 = arith.index_cast %and3A_287 : i32 to index
            %swap3A_305 = arith.constant 16 : index
            %swap3A_306 = tpu.vector_load %arg18[%swap3A_304, %swap3A_305] {strides = array<i32>} : memref<16x64xf32, #tpu.memory_space<vmem>>, vector<16xf32>,
            tpu.vector_store %arg18[%swap3A_304, %swap3A_305], %gather3A_303 {strides = array<i32>} : memref<16x64xf32, #tpu.memory_space<vmem>>, vector<16xf32>,
            %add3A_307 = arith.constant 32 : i32
            %add3A_308 = vector.broadcast %add3A_307 : i32 to vector<16xi32>
            %add3A_309 = arith.addi %iota3A, %add3A_308 : vector<16xi32>
            %gather3A_310 = tpu.vector_load_idx %arg13[%add3A_309, %gather3A] : memref<64x512xf32, #tpu.memory_space<vmem>>[vector<16xi32>, vector<16xi32>], vector<16xf32>,
            %swap3A_311 = arith.index_cast %and3A_287 : i32 to index
            %swap3A_312 = arith.constant 32 : index
            %swap3A_313 = tpu.vector_load %arg18[%swap3A_311, %swap3A_312] {strides = array<i32>} : memref<16x64xf32, #tpu.memory_space<vmem>>, vector<16xf32>,
            tpu.vector_store %arg18[%swap3A_311, %swap3A_312], %gather3A_310 {strides = array<i32>} : memref<16x64xf32, #tpu.memory_space<vmem>>, vector<16xf32>,
            %add3A_314 = arith.constant 48 : i32
            %add3A_315 = vector.broadcast %add3A_314 : i32 to vector<16xi32>
            %add3A_316 = arith.addi %iota3A, %add3A_315 : vector<16xi32>
            %gather3A_317 = tpu.vector_load_idx %arg13[%add3A_316, %gather3A] : memref<64x512xf32, #tpu.memory_space<vmem>>[vector<16xi32>, vector<16xi32>], vector<16xf32>,
            %swap3A_318 = arith.index_cast %and3A_287 : i32 to index
            %swap3A_319 = arith.constant 48 : index
            %swap3A_320 = tpu.vector_load %arg18[%swap3A_318, %swap3A_319] {strides = array<i32>} : memref<16x64xf32, #tpu.memory_space<vmem>>, vector<16xf32>,
            tpu.vector_store %arg18[%swap3A_318, %swap3A_319], %gather3A_317 {strides = array<i32>} : memref<16x64xf32, #tpu.memory_space<vmem>>, vector<16xf32>,
            %dma_start3A_321 = arith.constant 0 : i32
            %dma_start3A_322 = tpu.memref_slice %arg18[%and3A_287, %dma_start3A_321] : memref<16x64xf32, #tpu.memory_space<vmem>> -> memref<1x64xf32, #tpu.memory_space<vmem>>
            %dma_start3A_323 = arith.constant 0 : i32
            %dma_start3A_324 = tpu.memref_slice %arg8[%squeeze3A_285, %dma_start3A_323] : memref<16384x64xf32, #tpu.memory_space<hbm>> -> memref<1x64xf32, #tpu.memory_space<hbm>>
            %dma_start3A_325 = arith.constant 0 : i32
            %dma_start3A_326 = tpu.memref_slice %arg8[%squeeze3A_285, %dma_start3A_325] : memref<16384x64xf32, #tpu.memory_space<hbm>> -> memref<1x64xf32, #tpu.memory_space<hbm>>
            %dma_start3A_327 = arith.constant 0 : i32
            %dma_start3A_328 = tpu.memref_slice %arg18[%and3A_287, %dma_start3A_327] : memref<16x64xf32, #tpu.memory_space<vmem>> -> memref<1x64xf32, #tpu.memory_space<vmem>>
            tpu.enqueue_dma source(%dma_start3A_328 : memref<1x64xf32, #tpu.memory_space<vmem>>) target(%dma_start3A_326 : memref<1x64xf32, #tpu.memory_space<hbm>>) target_semaphore(%arg21 : memref<!tpu.dma_semaphore, #tpu.memory_space<semaphore_mem>>)
            %add3A_329 = arith.constant 1 : i32
            %add3A_330 = arith.addi %while3A_280, %add3A_329 : i32
            %add3A_331 = arith.constant 1 : i32
            %add3A_332 = vector.broadcast %add3A_331 : i32 to vector<16xi32>
            %add3A_333 = arith.addi %while3A_281, %add3A_332 : vector<16xi32>
            scf.yield %add3A_330, %add3A_333 : i32, vector<16xi32>
          }
          scf.yield %while3A_278#0 : i32
        }
        %while3A_226 = arith.constant 1 : i32
        %while3A_227 = scf.for %while3A_228 = %while3A_223 to %while3A_219 step %while3A_226 iter_args(%while3A_229 = %while3A_225) -> (i32)  : i32 {
          %mul3A_230 = arith.constant 16 : i32
          %mul3A_231 = arith.muli %while3A_228, %mul3A_230 : i32
          %get3A_232 = arith.index_cast %mul3A_231 : i32 to index
          %get3A_233 = tpu.vector_load %arg10[%get3A_232] {strides = array<i32>} : memref<16400xi32, #tpu.memory_space<vmem>>, vector<16xi32>,
          %mul3A_234 = arith.constant 16 : i32
          %mul3A_235 = arith.muli %while3A_228, %mul3A_234 : i32
          %get3A_236 = arith.index_cast %mul3A_235 : i32 to index
          %get3A_237 = tpu.vector_load %arg11[%get3A_236] {strides = array<i32>} : memref<16400xi32, #tpu.memory_space<vmem>>, vector<16xi32>,
          %sub3A_238 = arith.subi %get3A_233, %mul3A_209 : vector<16xi32>
          %ge3A = arith.constant 0 : i32
          %ge3A_239 = vector.broadcast %ge3A : i32 to vector<16xi32>
          %ge3A_240 = arith.cmpi sge, %sub3A_238, %ge3A_239 : vector<16xi32>
          %lt3A_241 = arith.constant 512 : i32
          %lt3A_242 = vector.broadcast %lt3A_241 : i32 to vector<16xi32>
          %lt3A_243 = arith.cmpi slt, %sub3A_238, %lt3A_242 : vector<16xi32>
          %and3A_244 = arith.andi %ge3A_240, %lt3A_243 : vector<16xi1>
          %mul3A_245 = arith.constant 0 : i32
          %mul3A_246 = vector.broadcast %mul3A_245 : i32 to vector<16xi32>
          %mul3A_247 = arith.muli %iota3A, %mul3A_246 : vector<16xi32>
          %add3A_248 = arith.constant 1 : i32
          %add3A_249 = vector.broadcast %add3A_248 : i32 to vector<16xi32>
          %add3A_250 = arith.addi %mul3A_247, %add3A_249 : vector<16xi32>
          %mul3A_251 = arith.constant 0 : i32
          %mul3A_252 = vector.broadcast %mul3A_251 : i32 to vector<16xi32>
          %mul3A_253 = arith.muli %iota3A, %mul3A_252 : vector<16xi32>
          %select_n3A_254 = arith.select %and3A_244, %add3A_250, %mul3A_253 : vector<16xi1>, vector<16xi32>
          %broadcast_in_dim3A_255 = arith.constant true
          %broadcast_in_dim3A_256 = vector.broadcast %broadcast_in_dim3A_255 : i1 to vector<16xi1>
          %masked_cumsum3A = tpu.scan <sum>, %select_n3A_254 masked %broadcast_in_dim3A_256 : vector<16xi32>, vector<16xi1> -> vector<16xi32>
          %slice3A_257 = vector.extract_strided_slice %masked_cumsum3A {offsets = [15], sizes = [1], strides = [1]} : vector<16xi32> to vector<1xi32>
          %squeeze3A_258 = vector.extract %slice3A_257[0] : i32 from vector<1xi32>
          %sub3A_259 = arith.subi %masked_cumsum3A, %select_n3A_254 : vector<16xi32>
          %add3A_260 = arith.constant 16 : i32
          %add3A_261 = vector.broadcast %add3A_260 : i32 to vector<16xi32>
          %add3A_262 = arith.addi %add3A_261, %iota3A : vector<16xi32>
          %select_n3A_263 = arith.select %and3A_244, %sub3A_259, %add3A_262 : vector<16xi1>, vector<16xi32>
          %sub3A_264 = arith.subi %get3A_233, %min3A_216 : vector<16xi32>
          tpu.vector_store_idx %arg14[%select_n3A_263], %sub3A_264 : memref<32xi32, #tpu.memory_space<vmem>>[vector<16xi32>], vector<16xi32>,
          tpu.vector_store_idx %arg15[%select_n3A_263], %get3A_237 : memref<32xi32, #tpu.memory_space<vmem>>[vector<16xi32>], vector<16xi32>,
          %mul3A_265 = arith.constant 0 : i32
          %mul3A_266 = vector.broadcast %mul3A_265 : i32 to vector<16xi32>
          %mul3A_267 = arith.muli %iota3A, %mul3A_266 : vector<16xi32>
          %while3A_268 = arith.constant 0 : i32
          %while3A_269 = arith.subi %squeeze3A_258, %while3A_268 : i32
          %while3A_270 = arith.addi %while3A_268, %while3A_269 : i32
          %while3A_271 = arith.constant 1 : i32
          %while3A_272 = arith.divsi %while3A_269, %while3A_271 : i32
          %while3A_273 = arith.muli %while3A_272, %while3A_271 : i32
          %while3A_274 = arith.addi %while3A_268, %while3A_273 : i32
          %while3A_275 = arith.constant 1 : i32
          %while3A_276:2 = scf.for %while3A_279 = %while3A_268 to %while3A_274 step %while3A_275 iter_args(%while3A_280 = %while3A_229, %while3A_281 = %mul3A_267) -> (i32, vector<16xi32>)  : i32 {
            %get3A_282 = arith.index_cast %while3A_279 : i32 to index
            %get3A_283 = tpu.vector_load %arg15[%get3A_282] {strides = array<i32>} : memref<32xi32, #tpu.memory_space<vmem>>, vector<16xi32>,
            %slice3A_284 = vector.extract_strided_slice %get3A_283 {offsets = [0], sizes = [1], strides = [1]} : vector<16xi32> to vector<1xi32>
            %squeeze3A_285 = vector.extract %slice3A_284[0] : i32 from vector<1xi32>
            %and3A_286 = arith.constant 15 : i32
            %and3A_287 = arith.andi %while3A_280, %and3A_286 : i32
            %ge3A_288 = arith.constant 16 : i32
            %ge3A_289 = arith.cmpi sge, %while3A_280, %ge3A_288 : i32
            %convert_element_type3A_290 = arith.extui %ge3A_289 : i1 to i32
            %cond3A_291 = arith.constant 0 : i32
            %cond3A_292 = arith.cmpi ne, %convert_element_type3A_290, %cond3A_291 : i32
            scf.if %cond3A_292 {
              %dma_wait3A_334 = arith.constant 0 : i32
              %dma_wait3A_335 = tpu.memref_slice %arg9[%dma_wait3A_334] : memref<16384xi32, #tpu.memory_space<vmem>> -> memref<64xi32, #tpu.memory_space<vmem>>
              %dma_wait3A_336 = arith.constant 0 : i32
              %dma_wait3A_337 = tpu.memref_slice %arg2[%dma_wait3A_336] : memref<16384xi32, #tpu.memory_space<hbm>> -> memref<64xi32, #tpu.memory_space<hbm>>
              %dma_wait3A_338 = arith.constant 0 : i32
              %dma_wait3A_339 = tpu.memref_slice %arg9[%dma_wait3A_338] : memref<16384xi32, #tpu.memory_space<vmem>> -> memref<64xi32, #tpu.memory_space<vmem>>
              %dma_wait3A_340 = arith.constant 0 : i32
              %dma_wait3A_341 = tpu.memref_slice %arg2[%dma_wait3A_340] : memref<16384xi32, #tpu.memory_space<hbm>> -> memref<64xi32, #tpu.memory_space<hbm>>
              tpu.wait_dma2 semaphore(%arg21 : memref<!tpu.dma_semaphore, #tpu.memory_space<semaphore_mem>>) src(%dma_wait3A_341 : memref<64xi32, #tpu.memory_space<hbm>>) dst(%dma_wait3A_339 : memref<64xi32, #tpu.memory_space<vmem>>)
            } else {
            }
            %gather3A = tpu.vector_load_idx %arg14[%while3A_281] : memref<32xi32, #tpu.memory_space<vmem>>[vector<16xi32>], vector<16xi32>,
            %add3A_293 = arith.constant 0 : i32
            %add3A_294 = vector.broadcast %add3A_293 : i32 to vector<16xi32>
            %add3A_295 = arith.addi %iota3A, %add3A_294 : vector<16xi32>
            %gather3A_296 = tpu.vector_load_idx %arg13[%add3A_295, %gather3A] : memref<64x512xf32, #tpu.memory_space<vmem>>[vector<16xi32>, vector<16xi32>], vector<16xf32>,
            %swap3A_297 = arith.index_cast %and3A_287 : i32 to index
            %swap3A_298 = arith.constant 0 : index
            %swap3A_299 = tpu.vector_load %arg18[%swap3A_297, %swap3A_298] {strides = array<i32>} : memref<16x64xf32, #tpu.memory_space<vmem>>, vector<16xf32>,
            tpu.vector_store %arg18[%swap3A_297, %swap3A_298], %gather3A_296 {strides = array<i32>} : memref<16x64xf32, #tpu.memory_space<vmem>>, vector<16xf32>,
            %add3A_300 = arith.constant 16 : i32
            %add3A_301 = vector.broadcast %add3A_300 : i32 to vector<16xi32>
            %add3A_302 = arith.addi %iota3A, %add3A_301 : vector<16xi32>
            %gather3A_303 = tpu.vector_load_idx %arg13[%add3A_302, %gather3A] : memref<64x512xf32, #tpu.memory_space<vmem>>[vector<16xi32>, vector<16xi32>], vector<16xf32>,
            %swap3A_304 = arith.index_cast %and3A_287 : i32 to index
            %swap3A_305 = arith.constant 16 : index
            %swap3A_306 = tpu.vector_load %arg18[%swap3A_304, %swap3A_305] {strides = array<i32>} : memref<16x64xf32, #tpu.memory_space<vmem>>, vector<16xf32>,
            tpu.vector_store %arg18[%swap3A_304, %swap3A_305], %gather3A_303 {strides = array<i32>} : memref<16x64xf32, #tpu.memory_space<vmem>>, vector<16xf32>,
            %add3A_307 = arith.constant 32 : i32
            %add3A_308 = vector.broadcast %add3A_307 : i32 to vector<16xi32>
            %add3A_309 = arith.addi %iota3A, %add3A_308 : vector<16xi32>
            %gather3A_310 = tpu.vector_load_idx %arg13[%add3A_309, %gather3A] : memref<64x512xf32, #tpu.memory_space<vmem>>[vector<16xi32>, vector<16xi32>], vector<16xf32>,
            %swap3A_311 = arith.index_cast %and3A_287 : i32 to index
            %swap3A_312 = arith.constant 32 : index
            %swap3A_313 = tpu.vector_load %arg18[%swap3A_311, %swap3A_312] {strides = array<i32>} : memref<16x64xf32, #tpu.memory_space<vmem>>, vector<16xf32>,
            tpu.vector_store %arg18[%swap3A_311, %swap3A_312], %gather3A_310 {strides = array<i32>} : memref<16x64xf32, #tpu.memory_space<vmem>>, vector<16xf32>,
            %add3A_314 = arith.constant 48 : i32
            %add3A_315 = vector.broadcast %add3A_314 : i32 to vector<16xi32>
            %add3A_316 = arith.addi %iota3A, %add3A_315 : vector<16xi32>
            %gather3A_317 = tpu.vector_load_idx %arg13[%add3A_316, %gather3A] : memref<64x512xf32, #tpu.memory_space<vmem>>[vector<16xi32>, vector<16xi32>], vector<16xf32>,
            %swap3A_318 = arith.index_cast %and3A_287 : i32 to index
            %swap3A_319 = arith.constant 48 : index
            %swap3A_320 = tpu.vector_load %arg18[%swap3A_318, %swap3A_319] {strides = array<i32>} : memref<16x64xf32, #tpu.memory_space<vmem>>, vector<16xf32>,
            tpu.vector_store %arg18[%swap3A_318, %swap3A_319], %gather3A_317 {strides = array<i32>} : memref<16x64xf32, #tpu.memory_space<vmem>>, vector<16xf32>,
            %dma_start3A_321 = arith.constant 0 : i32
            %dma_start3A_322 = tpu.memref_slice %arg18[%and3A_287, %dma_start3A_321] : memref<16x64xf32, #tpu.memory_space<vmem>> -> memref<1x64xf32, #tpu.memory_space<vmem>>
            %dma_start3A_323 = arith.constant 0 : i32
            %dma_start3A_324 = tpu.memref_slice %arg8[%squeeze3A_285, %dma_start3A_323] : memref<16384x64xf32, #tpu.memory_space<hbm>> -> memref<1x64xf32, #tpu.memory_space<hbm>>
            %dma_start3A_325 = arith.constant 0 : i32
            %dma_start3A_326 = tpu.memref_slice %arg8[%squeeze3A_285, %dma_start3A_325] : memref<16384x64xf32, #tpu.memory_space<hbm>> -> memref<1x64xf32, #tpu.memory_space<hbm>>
            %dma_start3A_327 = arith.constant 0 : i32
            %dma_start3A_328 = tpu.memref_slice %arg18[%and3A_287, %dma_start3A_327] : memref<16x64xf32, #tpu.memory_space<vmem>> -> memref<1x64xf32, #tpu.memory_space<vmem>>
            tpu.enqueue_dma source(%dma_start3A_328 : memref<1x64xf32, #tpu.memory_space<vmem>>) target(%dma_start3A_326 : memref<1x64xf32, #tpu.memory_space<hbm>>) target_semaphore(%arg21 : memref<!tpu.dma_semaphore, #tpu.memory_space<semaphore_mem>>)
            %add3A_329 = arith.constant 1 : i32
            %add3A_330 = arith.addi %while3A_280, %add3A_329 : i32
            %add3A_331 = arith.constant 1 : i32
            %add3A_332 = vector.broadcast %add3A_331 : i32 to vector<16xi32>
            %add3A_333 = arith.addi %while3A_281, %add3A_332 : vector<16xi32>
            scf.yield %add3A_330, %add3A_333 : i32, vector<16xi32>
          }
          %while3A_277 = arith.constant 1 : i32
          %while3A_278:2 = scf.for %while3A_279 = %while3A_274 to %while3A_270 step %while3A_277 iter_args(%while3A_280 = %while3A_276#0, %while3A_281 = %while3A_276#1) -> (i32, vector<16xi32>)  : i32 {
            %get3A_282 = arith.index_cast %while3A_279 : i32 to index
            %get3A_283 = tpu.vector_load %arg15[%get3A_282] {strides = array<i32>} : memref<32xi32, #tpu.memory_space<vmem>>, vector<16xi32>,
            %slice3A_284 = vector.extract_strided_slice %get3A_283 {offsets = [0], sizes = [1], strides = [1]} : vector<16xi32> to vector<1xi32>
            %squeeze3A_285 = vector.extract %slice3A_284[0] : i32 from vector<1xi32>
            %and3A_286 = arith.constant 15 : i32
            %and3A_287 = arith.andi %while3A_280, %and3A_286 : i32
            %ge3A_288 = arith.constant 16 : i32
            %ge3A_289 = arith.cmpi sge, %while3A_280, %ge3A_288 : i32
            %convert_element_type3A_290 = arith.extui %ge3A_289 : i1 to i32
            %cond3A_291 = arith.constant 0 : i32
            %cond3A_292 = arith.cmpi ne, %convert_element_type3A_290, %cond3A_291 : i32
            scf.if %cond3A_292 {
              %dma_wait3A_334 = arith.constant 0 : i32
              %dma_wait3A_335 = tpu.memref_slice %arg9[%dma_wait3A_334] : memref<16384xi32, #tpu.memory_space<vmem>> -> memref<64xi32, #tpu.memory_space<vmem>>
              %dma_wait3A_336 = arith.constant 0 : i32
              %dma_wait3A_337 = tpu.memref_slice %arg2[%dma_wait3A_336] : memref<16384xi32, #tpu.memory_space<hbm>> -> memref<64xi32, #tpu.memory_space<hbm>>
              %dma_wait3A_338 = arith.constant 0 : i32
              %dma_wait3A_339 = tpu.memref_slice %arg9[%dma_wait3A_338] : memref<16384xi32, #tpu.memory_space<vmem>> -> memref<64xi32, #tpu.memory_space<vmem>>
              %dma_wait3A_340 = arith.constant 0 : i32
              %dma_wait3A_341 = tpu.memref_slice %arg2[%dma_wait3A_340] : memref<16384xi32, #tpu.memory_space<hbm>> -> memref<64xi32, #tpu.memory_space<hbm>>
              tpu.wait_dma2 semaphore(%arg21 : memref<!tpu.dma_semaphore, #tpu.memory_space<semaphore_mem>>) src(%dma_wait3A_341 : memref<64xi32, #tpu.memory_space<hbm>>) dst(%dma_wait3A_339 : memref<64xi32, #tpu.memory_space<vmem>>)
            } else {
            }
            %gather3A = tpu.vector_load_idx %arg14[%while3A_281] : memref<32xi32, #tpu.memory_space<vmem>>[vector<16xi32>], vector<16xi32>,
            %add3A_293 = arith.constant 0 : i32
            %add3A_294 = vector.broadcast %add3A_293 : i32 to vector<16xi32>
            %add3A_295 = arith.addi %iota3A, %add3A_294 : vector<16xi32>
            %gather3A_296 = tpu.vector_load_idx %arg13[%add3A_295, %gather3A] : memref<64x512xf32, #tpu.memory_space<vmem>>[vector<16xi32>, vector<16xi32>], vector<16xf32>,
            %swap3A_297 = arith.index_cast %and3A_287 : i32 to index
            %swap3A_298 = arith.constant 0 : index
            %swap3A_299 = tpu.vector_load %arg18[%swap3A_297, %swap3A_298] {strides = array<i32>} : memref<16x64xf32, #tpu.memory_space<vmem>>, vector<16xf32>,
            tpu.vector_store %arg18[%swap3A_297, %swap3A_298], %gather3A_296 {strides = array<i32>} : memref<16x64xf32, #tpu.memory_space<vmem>>, vector<16xf32>,
            %add3A_300 = arith.constant 16 : i32
            %add3A_301 = vector.broadcast %add3A_300 : i32 to vector<16xi32>
            %add3A_302 = arith.addi %iota3A, %add3A_301 : vector<16xi32>
            %gather3A_303 = tpu.vector_load_idx %arg13[%add3A_302, %gather3A] : memref<64x512xf32, #tpu.memory_space<vmem>>[vector<16xi32>, vector<16xi32>], vector<16xf32>,
            %swap3A_304 = arith.index_cast %and3A_287 : i32 to index
            %swap3A_305 = arith.constant 16 : index
            %swap3A_306 = tpu.vector_load %arg18[%swap3A_304, %swap3A_305] {strides = array<i32>} : memref<16x64xf32, #tpu.memory_space<vmem>>, vector<16xf32>,
            tpu.vector_store %arg18[%swap3A_304, %swap3A_305], %gather3A_303 {strides = array<i32>} : memref<16x64xf32, #tpu.memory_space<vmem>>, vector<16xf32>,
            %add3A_307 = arith.constant 32 : i32
            %add3A_308 = vector.broadcast %add3A_307 : i32 to vector<16xi32>
            %add3A_309 = arith.addi %iota3A, %add3A_308 : vector<16xi32>
            %gather3A_310 = tpu.vector_load_idx %arg13[%add3A_309, %gather3A] : memref<64x512xf32, #tpu.memory_space<vmem>>[vector<16xi32>, vector<16xi32>], vector<16xf32>,
            %swap3A_311 = arith.index_cast %and3A_287 : i32 to index
            %swap3A_312 = arith.constant 32 : index
            %swap3A_313 = tpu.vector_load %arg18[%swap3A_311, %swap3A_312] {strides = array<i32>} : memref<16x64xf32, #tpu.memory_space<vmem>>, vector<16xf32>,
            tpu.vector_store %arg18[%swap3A_311, %swap3A_312], %gather3A_310 {strides = array<i32>} : memref<16x64xf32, #tpu.memory_space<vmem>>, vector<16xf32>,
            %add3A_314 = arith.constant 48 : i32
            %add3A_315 = vector.broadcast %add3A_314 : i32 to vector<16xi32>
            %add3A_316 = arith.addi %iota3A, %add3A_315 : vector<16xi32>
            %gather3A_317 = tpu.vector_load_idx %arg13[%add3A_316, %gather3A] : memref<64x512xf32, #tpu.memory_space<vmem>>[vector<16xi32>, vector<16xi32>], vector<16xf32>,
            %swap3A_318 = arith.index_cast %and3A_287 : i32 to index
            %swap3A_319 = arith.constant 48 : index
            %swap3A_320 = tpu.vector_load %arg18[%swap3A_318, %swap3A_319] {strides = array<i32>} : memref<16x64xf32, #tpu.memory_space<vmem>>, vector<16xf32>,
            tpu.vector_store %arg18[%swap3A_318, %swap3A_319], %gather3A_317 {strides = array<i32>} : memref<16x64xf32, #tpu.memory_space<vmem>>, vector<16xf32>,
            %dma_start3A_321 = arith.constant 0 : i32
            %dma_start3A_322 = tpu.memref_slice %arg18[%and3A_287, %dma_start3A_321] : memref<16x64xf32, #tpu.memory_space<vmem>> -> memref<1x64xf32, #tpu.memory_space<vmem>>
            %dma_start3A_323 = arith.constant 0 : i32
            %dma_start3A_324 = tpu.memref_slice %arg8[%squeeze3A_285, %dma_start3A_323] : memref<16384x64xf32, #tpu.memory_space<hbm>> -> memref<1x64xf32, #tpu.memory_space<hbm>>
            %dma_start3A_325 = arith.constant 0 : i32
            %dma_start3A_326 = tpu.memref_slice %arg8[%squeeze3A_285, %dma_start3A_325] : memref<16384x64xf32, #tpu.memory_space<hbm>> -> memref<1x64xf32, #tpu.memory_space<hbm>>
            %dma_start3A_327 = arith.constant 0 : i32
            %dma_start3A_328 = tpu.memref_slice %arg18[%and3A_287, %dma_start3A_327] : memref<16x64xf32, #tpu.memory_space<vmem>> -> memref<1x64xf32, #tpu.memory_space<vmem>>
            tpu.enqueue_dma source(%dma_start3A_328 : memref<1x64xf32, #tpu.memory_space<vmem>>) target(%dma_start3A_326 : memref<1x64xf32, #tpu.memory_space<hbm>>) target_semaphore(%arg21 : memref<!tpu.dma_semaphore, #tpu.memory_space<semaphore_mem>>)
            %add3A_329 = arith.constant 1 : i32
            %add3A_330 = arith.addi %while3A_280, %add3A_329 : i32
            %add3A_331 = arith.constant 1 : i32
            %add3A_332 = vector.broadcast %add3A_331 : i32 to vector<16xi32>
            %add3A_333 = arith.addi %while3A_281, %add3A_332 : vector<16xi32>
            scf.yield %add3A_330, %add3A_333 : i32, vector<16xi32>
          }
          scf.yield %while3A_278#0 : i32
        }
        scf.yield %while3A_227 : i32
      } else {
        scf.yield %while3A_188 : i32
      }
      %add3A_198 = arith.constant 64 : i32
      %add3A_199 = vector.broadcast %add3A_198 : i32 to vector<16xi32>
      %add3A_200 = arith.addi %scan3A_146, %add3A_199 : vector<16xi32>
      scf.yield %cond3A_197, %add3A_200 : i32, vector<16xi32>
    }
    %scan3A_131 = arith.constant 31 : i32
    %min3A_132 = arith.constant 16 : i32
    %min3A_133 = arith.minsi %scan3A_130#0, %min3A_132 : i32
    %while3A_134 = arith.constant 0 : i32
    %while3A_135 = arith.constant 0 : i32
    %while3A_136 = arith.subi %min3A_133, %while3A_135 : i32
    %while3A_137 = arith.addi %while3A_135, %while3A_136 : i32
    %while3A_138 = arith.constant 1 : i32
    %while3A_139 = arith.divsi %while3A_136, %while3A_138 : i32
    %while3A_140 = arith.muli %while3A_139, %while3A_138 : i32
    %while3A_141 = arith.addi %while3A_135, %while3A_140 : i32
    %while3A_142 = arith.constant 1 : i32
    scf.for %while3A_144 = %while3A_135 to %while3A_141 step %while3A_142  : i32 {
      %dma_wait3A = arith.constant 0 : i32
      %dma_wait3A_145 = tpu.memref_slice %arg9[%dma_wait3A] : memref<16384xi32, #tpu.memory_space<vmem>> -> memref<64xi32, #tpu.memory_space<vmem>>
      %dma_wait3A_146 = arith.constant 0 : i32
      %dma_wait3A_147 = tpu.memref_slice %arg2[%dma_wait3A_146] : memref<16384xi32, #tpu.memory_space<hbm>> -> memref<64xi32, #tpu.memory_space<hbm>>
      %dma_wait3A_148 = arith.constant 0 : i32
      %dma_wait3A_149 = tpu.memref_slice %arg9[%dma_wait3A_148] : memref<16384xi32, #tpu.memory_space<vmem>> -> memref<64xi32, #tpu.memory_space<vmem>>
      %dma_wait3A_150 = arith.constant 0 : i32
      %dma_wait3A_151 = tpu.memref_slice %arg2[%dma_wait3A_150] : memref<16384xi32, #tpu.memory_space<hbm>> -> memref<64xi32, #tpu.memory_space<hbm>>
      tpu.wait_dma2 semaphore(%arg21 : memref<!tpu.dma_semaphore, #tpu.memory_space<semaphore_mem>>) src(%dma_wait3A_151 : memref<64xi32, #tpu.memory_space<hbm>>) dst(%dma_wait3A_149 : memref<64xi32, #tpu.memory_space<vmem>>)
    }
    %while3A_143 = arith.constant 1 : i32
    scf.for %while3A_144 = %while3A_141 to %while3A_137 step %while3A_143  : i32 {
      %dma_wait3A = arith.constant 0 : i32
      %dma_wait3A_145 = tpu.memref_slice %arg9[%dma_wait3A] : memref<16384xi32, #tpu.memory_space<vmem>> -> memref<64xi32, #tpu.memory_space<vmem>>
      %dma_wait3A_146 = arith.constant 0 : i32
      %dma_wait3A_147 = tpu.memref_slice %arg2[%dma_wait3A_146] : memref<16384xi32, #tpu.memory_space<hbm>> -> memref<64xi32, #tpu.memory_space<hbm>>
      %dma_wait3A_148 = arith.constant 0 : i32
      %dma_wait3A_149 = tpu.memref_slice %arg9[%dma_wait3A_148] : memref<16384xi32, #tpu.memory_space<vmem>> -> memref<64xi32, #tpu.memory_space<vmem>>
      %dma_wait3A_150 = arith.constant 0 : i32
      %dma_wait3A_151 = tpu.memref_slice %arg2[%dma_wait3A_150] : memref<16384xi32, #tpu.memory_space<hbm>> -> memref<64xi32, #tpu.memory_space<hbm>>
      tpu.wait_dma2 semaphore(%arg21 : memref<!tpu.dma_semaphore, #tpu.memory_space<semaphore_mem>>) src(%dma_wait3A_151 : memref<64xi32, #tpu.memory_space<hbm>>) dst(%dma_wait3A_149 : memref<64xi32, #tpu.memory_space<vmem>>)
    }
    return
  }
}

module attributes {stable_mosaic.version = 14 : i64} {
  func.func @body(%arg0: i32, %arg1: memref<2048x64xf32, #tpu.memory_space<vmem>>, %arg2: memref<2048x64xf32, #tpu.memory_space<vmem>>, %arg3: memref<2048x18xf32, #tpu.memory_space<vmem>>, %arg4: memref<18x64xf32, #tpu.memory_space<vmem>>, %arg5: memref<1x64xf32, #tpu.memory_space<vmem>>, %arg6: memref<192x64xf32, #tpu.memory_space<vmem>>, %arg7: memref<1x64xf32, #tpu.memory_space<vmem>>, %arg8: memref<64x1xf32, #tpu.memory_space<vmem>>, %arg9: memref<1x1xf32, #tpu.memory_space<vmem>>, %arg10: memref<2048x1xf32, #tpu.memory_space<vmem>>) attributes {dimension_semantics = [#tpu.dimension_semantics<arbitrary>], iteration_bounds = array<i64: 8>, scalar_prefetch = 0 : i64, scratch_operands = 0 : i64, tpu.core_type = #tpu.core_type<tc>, window_params = [{transform_indices = @transform_0, window_bounds = array<i64: 2048, 64>}, {transform_indices = @transform_1, window_bounds = array<i64: 2048, 64>}, {transform_indices = @transform_2, window_bounds = array<i64: 2048, 18>}, {pipeline_mode = #tpu.pipeline_mode<synchronous>, transform_indices = @transform_3, window_bounds = array<i64: 18, 64>}, {pipeline_mode = #tpu.pipeline_mode<synchronous>, transform_indices = @transform_4, window_bounds = array<i64: 1, 64>}, {pipeline_mode = #tpu.pipeline_mode<synchronous>, transform_indices = @transform_5, window_bounds = array<i64: 192, 64>}, {pipeline_mode = #tpu.pipeline_mode<synchronous>, transform_indices = @transform_6, window_bounds = array<i64: 1, 64>}, {pipeline_mode = #tpu.pipeline_mode<synchronous>, transform_indices = @transform_7, window_bounds = array<i64: 64, 1>}, {pipeline_mode = #tpu.pipeline_mode<synchronous>, transform_indices = @transform_8, window_bounds = array<i64: 1, 1>}, {transform_indices = @transform_9, window_bounds = array<i64: 2048, 1>}]} {
    %get3A = arith.constant 0 : index
    %get3A_0 = arith.constant 0 : index
    %get3A_1 = vector.load %arg3[%get3A, %get3A_0] : memref<2048x18xf32, #tpu.memory_space<vmem>>, vector<2048x18xf32>
    %get3A_2 = arith.constant 0 : index
    %get3A_3 = arith.constant 0 : index
    %get3A_4 = vector.load %arg4[%get3A_2, %get3A_3] : memref<18x64xf32, #tpu.memory_space<vmem>>, vector<18x64xf32>
    %dot_general3A = arith.constant dense<0.000000e+00> : vector<2048x64xf32>
    %dot_general3A_5 = tpu.matmul %get3A_1, %get3A_4, %dot_general3A {dimension_numbers = #tpu.dot_dimension_numbers<[1], [0], [0], [1], [0, 0, 1, 1], [], []>, transpose_lhs_hint = false} : vector<2048x18xf32>, vector<18x64xf32>, vector<2048x64xf32> -> vector<2048x64xf32>
    %get3A_6 = arith.constant 0 : index
    %get3A_7 = arith.constant 0 : index
    %get3A_8 = vector.load %arg5[%get3A_6, %get3A_7] : memref<1x64xf32, #tpu.memory_space<vmem>>, vector<1x64xf32>
    %add3A = vector.broadcast %get3A_8 : vector<1x64xf32> to vector<2048x64xf32>
    %add3A_9 = arith.addf %dot_general3A_5, %add3A : vector<2048x64xf32>
    %get3A_10 = arith.constant 0 : index
    %get3A_11 = arith.constant 0 : index
    %get3A_12 = vector.load %arg1[%get3A_10, %get3A_11] : memref<2048x64xf32, #tpu.memory_space<vmem>>, vector<2048x64xf32>
    %get3A_13 = arith.constant 0 : index
    %get3A_14 = arith.constant 0 : index
    %get3A_15 = vector.load %arg6[%get3A_13, %get3A_14] : memref<192x64xf32, #tpu.memory_space<vmem>>, vector<64x64xf32>
    %dot_general3A_16 = arith.constant dense<0.000000e+00> : vector<2048x64xf32>
    %dot_general3A_17 = tpu.matmul %get3A_12, %get3A_15, %dot_general3A_16 {dimension_numbers = #tpu.dot_dimension_numbers<[1], [0], [0], [1], [0, 0, 1, 1], [], []>, transpose_lhs_hint = false} : vector<2048x64xf32>, vector<64x64xf32>, vector<2048x64xf32> -> vector<2048x64xf32>
    %get3A_18 = arith.constant 0 : index
    %get3A_19 = arith.constant 0 : index
    %get3A_20 = vector.load %arg2[%get3A_18, %get3A_19] : memref<2048x64xf32, #tpu.memory_space<vmem>>, vector<2048x64xf32>
    %get3A_21 = arith.constant 64 : index
    %get3A_22 = arith.constant 0 : index
    %get3A_23 = vector.load %arg6[%get3A_21, %get3A_22] : memref<192x64xf32, #tpu.memory_space<vmem>>, vector<64x64xf32>
    %dot_general3A_24 = arith.constant dense<0.000000e+00> : vector<2048x64xf32>
    %dot_general3A_25 = tpu.matmul %get3A_20, %get3A_23, %dot_general3A_24 {dimension_numbers = #tpu.dot_dimension_numbers<[1], [0], [0], [1], [0, 0, 1, 1], [], []>, transpose_lhs_hint = false} : vector<2048x64xf32>, vector<64x64xf32>, vector<2048x64xf32> -> vector<2048x64xf32>
    %add3A_26 = arith.addf %dot_general3A_17, %dot_general3A_25 : vector<2048x64xf32>
    %get3A_27 = arith.constant 128 : index
    %get3A_28 = arith.constant 0 : index
    %get3A_29 = vector.load %arg6[%get3A_27, %get3A_28] : memref<192x64xf32, #tpu.memory_space<vmem>>, vector<64x64xf32>
    %dot_general3A_30 = arith.constant dense<0.000000e+00> : vector<2048x64xf32>
    %dot_general3A_31 = tpu.matmul %add3A_9, %get3A_29, %dot_general3A_30 {dimension_numbers = #tpu.dot_dimension_numbers<[1], [0], [0], [1], [0, 0, 1, 1], [], []>, transpose_lhs_hint = false} : vector<2048x64xf32>, vector<64x64xf32>, vector<2048x64xf32> -> vector<2048x64xf32>
    %add3A_32 = arith.addf %add3A_26, %dot_general3A_31 : vector<2048x64xf32>
    %get3A_33 = arith.constant 0 : index
    %get3A_34 = arith.constant 0 : index
    %get3A_35 = vector.load %arg7[%get3A_33, %get3A_34] : memref<1x64xf32, #tpu.memory_space<vmem>>, vector<1x64xf32>
    %add3A_36 = vector.broadcast %get3A_35 : vector<1x64xf32> to vector<2048x64xf32>
    %add3A_37 = arith.addf %add3A_32, %add3A_36 : vector<2048x64xf32>
    %max3A = arith.constant 0.000000e+00 : f32
    %max3A_38 = vector.broadcast %max3A : f32 to vector<2048x64xf32>
    %max3A_39 = arith.maximumf %add3A_37, %max3A_38 : vector<2048x64xf32>
    %get3A_40 = arith.constant 0 : index
    %get3A_41 = arith.constant 0 : index
    %get3A_42 = vector.load %arg8[%get3A_40, %get3A_41] : memref<64x1xf32, #tpu.memory_space<vmem>>, vector<64x1xf32>
    %dot_general3A_43 = arith.constant dense<0.000000e+00> : vector<2048x1xf32>
    %dot_general3A_44 = tpu.matmul %max3A_39, %get3A_42, %dot_general3A_43 {dimension_numbers = #tpu.dot_dimension_numbers<[1], [0], [0], [1], [0, 0, 1, 1], [], []>, transpose_lhs_hint = false} : vector<2048x64xf32>, vector<64x1xf32>, vector<2048x1xf32> -> vector<2048x1xf32>
    %get3A_45 = arith.constant 0 : index
    %get3A_46 = arith.constant 0 : index
    %get3A_47 = vector.load %arg9[%get3A_45, %get3A_46] : memref<1x1xf32, #tpu.memory_space<vmem>>, vector<1x1xf32>
    %add3A_48 = vector.broadcast %get3A_47 : vector<1x1xf32> to vector<2048x1xf32>
    %add3A_49 = arith.addf %dot_general3A_44, %add3A_48 : vector<2048x1xf32>
    %swap3A = arith.constant 0 : index
    %swap3A_50 = arith.constant 0 : index
    %swap3A_51 = vector.load %arg10[%swap3A, %swap3A_50] : memref<2048x1xf32, #tpu.memory_space<vmem>>, vector<2048x1xf32>
    tpu.vector_store %arg10[%swap3A, %swap3A_50], %add3A_49 {strides = array<i32>} : memref<2048x1xf32, #tpu.memory_space<vmem>>, vector<2048x1xf32>,
    return
  }
  func.func @transform_0(%arg0: i32) -> (i32, i32) {
    %c0_i32 = arith.constant 0 : i32
    %c0_i32_0 = arith.constant 0 : i32
    return %arg0, %c0_i32 : i32, i32
  }
  func.func @transform_1(%arg0: i32) -> (i32, i32) {
    %c0_i32 = arith.constant 0 : i32
    %c0_i32_0 = arith.constant 0 : i32
    return %arg0, %c0_i32 : i32, i32
  }
  func.func @transform_2(%arg0: i32) -> (i32, i32) {
    %c0_i32 = arith.constant 0 : i32
    %c0_i32_0 = arith.constant 0 : i32
    return %arg0, %c0_i32 : i32, i32
  }
  func.func @transform_3(%arg0: i32) -> (i32, i32) {
    %c0_i32 = arith.constant 0 : i32
    %c0_i32_0 = arith.constant 0 : i32
    %c0_i32_1 = arith.constant 0 : i32
    return %c0_i32, %c0_i32_0 : i32, i32
  }
  func.func @transform_4(%arg0: i32) -> (i32, i32) {
    %c0_i32 = arith.constant 0 : i32
    %c0_i32_0 = arith.constant 0 : i32
    %c0_i32_1 = arith.constant 0 : i32
    return %c0_i32, %c0_i32_0 : i32, i32
  }
  func.func @transform_5(%arg0: i32) -> (i32, i32) {
    %c0_i32 = arith.constant 0 : i32
    %c0_i32_0 = arith.constant 0 : i32
    %c0_i32_1 = arith.constant 0 : i32
    return %c0_i32, %c0_i32_0 : i32, i32
  }
  func.func @transform_6(%arg0: i32) -> (i32, i32) {
    %c0_i32 = arith.constant 0 : i32
    %c0_i32_0 = arith.constant 0 : i32
    %c0_i32_1 = arith.constant 0 : i32
    return %c0_i32, %c0_i32_0 : i32, i32
  }
  func.func @transform_7(%arg0: i32) -> (i32, i32) {
    %c0_i32 = arith.constant 0 : i32
    %c0_i32_0 = arith.constant 0 : i32
    %c0_i32_1 = arith.constant 0 : i32
    return %c0_i32, %c0_i32_0 : i32, i32
  }
  func.func @transform_8(%arg0: i32) -> (i32, i32) {
    %c0_i32 = arith.constant 0 : i32
    %c0_i32_0 = arith.constant 0 : i32
    %c0_i32_1 = arith.constant 0 : i32
    return %c0_i32, %c0_i32_0 : i32, i32
  }
  func.func @transform_9(%arg0: i32) -> (i32, i32) {
    %c0_i32 = arith.constant 0 : i32
    %c0_i32_0 = arith.constant 0 : i32
    return %arg0, %c0_i32 : i32, i32
  }
}

</mosaic_0001>

<sc_bundles>
// kernel: kernel.4.cloned.1.call-start
scs
__scs_entry_jumppad:
0x0: {  	(pc) =	sbr.rel $0x88, $3  }
0x1: {  	(tag) =	ssettag $0x0;
	lr =	simm.s32 $0x1  }
0x2: {  	[smem:$0x3F96] =	sst lr;
	_ =	strace $0xD0000000  }
0x3: {  	_ = 	snop  }
0x4: {  	_ = 	snop  }
0x5: {  	_ = 	snop  }
0x6: {  	_ = 	snop  }
0x7: {  	_ = 	snop  }
__scs_overlays_trampoline_lowered:
0x8: {  	[smem:$0x3FA5] =	sst s0  }
0x9: {  	[smem:$0x3FA6] =	sst s1  }
0xa: {  	[smem:$0x3FA7] =	sst s2  }
0xb: {  	[smem:$0x3FA8] =	sst s3  }
0xc: {  	[smem:$0x3FA9] =	sst s4  }
0xd: {  	[smem:$0x3FAA] =	sst s5  }
0xe: {  	[smem:$0x3FAB] =	sst s6  }
0xf: {  	[smem:$0x3FAC] =	sst s7  }
0x10: {  	[smem:$0x3FAD] =	sst s8  }
0x11: {  	[smem:$0x3FAE] =	sst s9;
	s0 =	simm.s32 @!p0 $0x0  }
0x12: {  	s1 =	sld [smem:$0x3F94];
	s0 =	simm.s32 @p0 $0x1  }
0x13: {  	[smem:$0x3FAF] =	sst s0;
	s0 =	simm.s32 @!p1 $0x0  }
0x14: {  	s2 =	sld [smem:$0x3F93];
	s0 =	simm.s32 @p1 $0x1  }
0x15: {  	[smem:$0x3FB0] =	sst s0;
	s0 =	simm.s32 @!p2 $0x0  }
0x16: {  	s3 =	sld [smem:$0x3FDB];
	s0 =	simm.s32 @p2 $0x1  }
0x17: {  	s4 =	simm.s32 $0x1BF5;
	[smem:$0x3FB2] =	sst s0  }
0x18: {  	s0 =	sld [smem:$0x3F95];
	_ =	swait.ge [sflag:s4], $0x0  }
0x19: {  	s7 =	sld [smem:$0x3F96]  }
0x1a: {  	s8 =	sadd.s32 $0xFFFFE003, lr  }
0x1b: {  	s9 =	sadd.s32 $0xFFFFFEF7, lr;
	s5 =	simm.s32 $0xFFFFFFFF;
	p2 =	slt.u32 s8, $0xFFFFF086  }
0x1c: {  	p1 =	slt.u32 s9, $0xF7A;
	s5 =	simm.s32 @!p2 $0x0  }
0x1d: {  	s5 =	simm.s32 @p1 $0x1;
	p0 =	seq.s32 s7, s2  }
0x1e: {  	s7 =	smul.u32 @!p0 $0xF7A, s2;
	p2 =	seq.s32 @!p0 s5, $0x0  }
0x1f: {  	s9 =	smul.u32 $0xF7A, s1;
	s8 =	simm.s32 @!p0 $0x1BF5;
	p2 =	por !p2, p0  }
0x20: {  	[sflag:s8] =	ssyncset.s32 @!p0 $0xFFFFF086;
	s6 =	sadd.s32 @!p0 s3, s7;
	s7 =	simm.s32 @!p0 $0x108  }
0x21: {  	s3 =	sadd.s32 s3, s9;
	s6 =	sadd.s32 @!p0 $0x88, s6;
	s7 =	simm.s32 @p2 $0x1082  }
0x22: {  	[simem:s7], [sflag:s8] =	dma.local @!p0 [hbm:s6], $0xF7A  }
0x23: {  	s9 =	sor.u32 $0xD0000000, s2;
	s6 =	simm.s32 $0x108;
	_ =	swait.ge @!p0 [sflag:s8], $0x0  }
0x24: {  	s3 =	sadd.s32 $0x88, s3;
	s6 =	simm.s32 @!p1 $0x1082;
	[sflag:s4] =	ssyncset.s32 $0xFFFFF086  }
0x25: {  	[simem:s6], [sflag:s4] =	dma.local [hbm:s3], $0xF7A  }
0x26: {  	[smem:$0x3F96] =	sst s1;
	(tag) =	ssettag s2;
	_ =	strace s9  }
0x27: {  	s1 =	sld [smem:$0x3FA6]  }
0x28: {  	s2 =	sld [smem:$0x3FA7]  }
0x29: {  	s4 =	sld [smem:$0x3FA9]  }
0x2a: {  	p0 =	seq.s32 s5, $0x0;
	s5 =	sld [smem:$0x3FAA]  }
0x2b: {  	s6 =	sld [smem:$0x3FAB]  }
0x2c: {  	s7 =	sld [smem:$0x3FAC]  }
0x2d: {  	s3 =	simm.s32 $0x108;
	s8 =	sld [smem:$0x3FAD]  }
0x2e: {  	s3 =	simm.s32 @!p0 $0x1082;
	s9 =	sld [smem:$0x3FAE]  }
0x2f: {  	lr =	sadd.s32 s0, s3;
	s0 =	sld [smem:$0x3FA5]  }
0x30: {  	s3 =	sld [smem:$0x3FA8]  }
0x31: {  	[smem:$0x3FB1] =	sst s10  }
0x32: {  	s10 =	sld [smem:$0x3FAF];
	_ =	sdelay $0x3  }
0x33: {  	p0 =	seq.s32 s10, $0x1;
	s10 =	sld [smem:$0x3FB1];
	_ =	sdelay $0x3  }
0x34: {  	[smem:$0x3FB1] =	sst s10  }
0x35: {  	s10 =	sld [smem:$0x3FB0];
	_ =	sdelay $0x3  }
0x36: {  	p1 =	seq.s32 s10, $0x1;
	s10 =	sld [smem:$0x3FB1];
	_ =	sdelay $0x3  }
0x37: {  	[smem:$0x3FB1] =	sst s10  }
0x38: {  	s10 =	sld [smem:$0x3FB2]  }
0x39: {  	_ = 	snop;
	(pc) =	sbr.ind lr, $3  }
0x3a: {  	_ = 	snop  }
0x3b: {  	_ = 	snop  }
0x3c: {  	p2 =	seq.s32 s10, $0x1;
	s10 =	sld [smem:$0x3FB1]  }
0x3d: {  	_ =	shalt  }
0x3e: {  	_ =	shalt  }
0x3f: {  	_ =	shalt  }
0x40: {  	_ =	shalt  }
0x41: {  	_ =	shalt  }
0x42: {  	_ =	shalt  }
0x43: {  	_ =	shalt  }
0x44: {  	_ =	shalt  }
0x45: {  	_ =	shalt  }
0x46: {  	_ =	shalt  }
0x47: {  	_ =	shalt  }
0x48: {  	_ =	shalt  }
0x49: {  	_ =	shalt  }
0x4a: {  	_ =	shalt  }
0x4b: {  	_ =	shalt  }
0x4c: {  	_ =	shalt  }
0x4d: {  	_ =	shalt  }
0x4e: {  	_ =	shalt  }
0x4f: {  	_ =	shalt  }
0x50: {  	_ =	shalt  }
0x51: {  	_ =	shalt  }
0x52: {  	_ =	shalt  }
0x53: {  	_ =	shalt  }
0x54: {  	_ =	shalt  }
0x55: {  	_ =	shalt  }
0x56: {  	_ =	shalt  }
0x57: {  	_ =	shalt  }
0x58: {  	_ =	shalt  }
0x59: {  	_ =	shalt  }
0x5a: {  	_ =	shalt  }
0x5b: {  	_ =	shalt  }
0x5c: {  	_ =	shalt  }
0x5d: {  	_ =	shalt  }
0x5e: {  	_ =	shalt  }
0x5f: {  	_ =	shalt  }
0x60: {  	_ =	shalt  }
0x61: {  	_ =	shalt  }
0x62: {  	_ =	shalt  }
0x63: {  	_ =	shalt  }
0x64: {  	_ =	shalt  }
0x65: {  	_ =	shalt  }
0x66: {  	_ =	shalt  }
0x67: {  	_ =	shalt  }
0x68: {  	_ =	shalt  }
0x69: {  	_ =	shalt  }
0x6a: {  	_ =	shalt  }
0x6b: {  	_ =	shalt  }
0x6c: {  	_ =	shalt  }
0x6d: {  	_ =	shalt  }
0x6e: {  	_ =	shalt  }
0x6f: {  	_ =	shalt  }
0x70: {  	_ =	shalt  }
0x71: {  	_ =	shalt  }
0x72: {  	_ =	shalt  }
0x73: {  	_ =	shalt  }
0x74: {  	_ =	shalt  }
0x75: {  	_ =	shalt  }
0x76: {  	_ =	shalt  }
0x77: {  	_ =	shalt  }
0x78: {  	_ =	shalt  }
0x79: {  	_ =	shalt  }
0x7a: {  	_ =	shalt  }
0x7b: {  	_ =	shalt  }
0x7c: {  	_ =	shalt  }
0x7d: {  	_ =	shalt  }
0x7e: {  	_ =	shalt  }
0x7f: {  	_ =	shalt  }
0x80: {  	_ =	shalt  }
0x81: {  	_ =	shalt  }
0x82: {  	_ =	shalt  }
0x83: {  	_ =	shalt  }
0x84: {  	_ =	shalt  }
0x85: {  	_ =	shalt  }
0x86: {  	_ =	shalt  }
0x87: {  	_ =	shalt  }
.Lfunc_end0:
.L_simem_size_0:
called_computation_lowered:
.L_overlay_start_0:
0x88: {  	s2 =	sld [smem:$0x3FD9]  }
0x89: {  	s3 =	sld [smem:$0x3FFE];
	_ =	sdelay $0x1  }
0x8a: {  	s1 =	srdreg.scid  }
0x8b: {  	s0 =	sand.u32 $0x1, s1  }
0x8c: {  	s17 =	sshll.u32 s0, $0xA;
	s2 =	sadd.s32 s3, s2  }
0x8d: {  	s2 =	sadd.s32 s2, s17  }
0x8e: {  	[smem:$0x3FBD] =	sst s2  }
0x8f: {  	_ = 	snop  }
0x90: {  	s2 =	sld [smem:$0x3FC9]  }
0x91: {  	s18 =	sld [smem:$0x3FC8]  }
0x92: {  	s4 =	sld [smem:$0x3FC6]  }
0x93: {  	s5 =	sld [smem:$0x3FC5]  }
0x94: {  	s6 =	sld [smem:$0x3FD0];
	(tm) =	ssettm $0x1  }
0x95: {  	s7 =	sld [smem:$0x3FFB];
	_ =	sdelay $0x3  }
0x96: {  	_ =	strace s7  }
0x97: {  	s7 =	sld [smem:$0x3FFC];
	_ =	sdelay $0x3  }
0x98: {  	_ =	strace s7  }
0x99: {  	s7 =	sld [smem:$0x3FFD];
	_ =	sdelay $0x3  }
0x9a: {  	_ =	strace s7  }
0x9b: {  	_ =	strace $0x8FFFFFFF  }
0x9c: {  	s19 =	sld [smem:$0x3FDB];
	_ =	sdelay $0x1  }
0x9d: {  	s8 =	simm.s32 $_scs_section_size  }
0x9e: {  	s9 =	simm.s32 $_size__tile_overlayer_lowered;
	s10 =	simm.s32 $_tile_overlayer_lowered  }
0x9f: {  	s22 =	simm.s32 $0x1BFF;
	s21 =	sshll.u32 s10, $0x1;
	s7 =	sadd.s32 s8, s19  }
0xa0: {  	s11 =	simm.s32 $0x0;
	s20 =	sshll.u32 s9, $0x1;
	s9 =	sadd.s32 s21, s7  }
0xa1: {  	[timem:s11], [sflag:s22] =	dma.local [hbm:s9], s20  }
0xa2: {  	_ =	swait.ge [sflag:s22], s20  }
0xa3: {  	s8 =	ssub.s32 $0x0, s20;
	[sflag:s22] =	ssyncset.done $0x0  }
0xa4: {  	[sflag:s22] =	ssyncadd.s32 s8;
	_ =	sdelay $0x1  }
0xa5: {  	s23 =	simm.s32 $0x1B8B  }
0xa6: {  	_ =	swait.ge [sflag:s23], $0x1  }
0xa7: {  	[sflag:s23] =	ssyncset.done $0x0  }
0xa8: {  	s25 =	simm.s32 $0x1B8E;
	s24 =	sld [smem:$0x3FFE];
	[sflag:s23] =	ssyncadd.s32 $0xFFFFFFFF  }
0xa9: {  	s26 =	simm.s32 $execute0_lowered;
	[smem:$0x3FD2] =	sst s25  }
0xaa: {  	s9 =	sshll.u32 s26, $0x1;
	_ =	strace $0x80000046;
	[dreg:$0x1] =	wrdreg $0xFFFFFFFF  }
0xab: {  	s28 =	simm.s32 $_size_execute0_lowered;
	s7 =	sadd.s32 s7, s9;
	[dreg:$0x0] =	wrdreg $0x0  }
0xac: {  	s9 =	sshll.u32 s28, $0x1;
	[dreg:$0x2] =	wrdreg s7  }
0xad: {  	[dreg:$0x3] =	wrdreg s9  }
0xae: {  	[dreg:$0x4] =	wrdreg $0xC0  }
0xaf: {  	_ =	task [dreg:s11], $0x5FFFF  }
0xb0: {  	[dreg:$0x1] =	wrdreg $0xFFFFFFFF  }
0xb1: {  	[dreg:$0x0] =	wrdreg $0x60  }
0xb2: {  	[dreg:$0x2] =	wrdreg s2  }
0xb3: {  	[dreg:$0x3] =	wrdreg s18  }
0xb4: {  	[dreg:$0x4] =	wrdreg s4  }
0xb5: {  	[dreg:$0x5] =	wrdreg s5  }
0xb6: {  	[dreg:$0x6] =	wrdreg s6  }
0xb7: {  	[dreg:$0x7] =	wrdreg s24  }
0xb8: {  	[dreg:$0x8] =	wrdreg $0x9  }
0xb9: {  	_ =	task.clear_ibuf [dreg:s11], $0x9FFFF;
	_ =	strace $0x90000046  }
0xba: {  	s29 =	simm.s32 $0x9;
	_ =	strace $0x80000048  }
0xbb: {  	_ =	swait.ge [sflag:s29], $0x1  }
0xbc: {  	[sflag:s29] =	ssyncadd.s32 $0xFFFFFFFF  }
0xbd: {  	_ =	strace $0x90000048  }
0xbe: {  	_ =	sfence  }
0xbf: {  	s30 =	sld [smem:$0x0];
	_ =	sdelay $0x2  }
0xc0: {  	s31 =	sshll.u32 s1, $0xD;
	s1 =	sshrl.u32 s1, $0x2  }
0xc1: {  	s3 =	sand.u32 $0x4000, s31;
	s1 =	sadd.s32 s1, s30  }
0xc2: {  	s0 =	sor.u32 s3, s0;
	s1 =	sshll.u32 s1, $0x11  }
0xc3: {  	s0 =	sor.u32 s1, s0  }
0xc4: {  	s0 =	sadd.s32 $0x8F2B, s0  }
0xc5: {  	[sflag:s0] =	ssyncadd.remote.s32 $0x1  }
0xc6: {  	_ =	sfence.sel $0xFFFF  }
0xc7: {  	[dreg:$0x0] =	wrdreg $0xFFFFFFFF;
	(pc) =	sbr.abs _section_cstart, $3  }
0xc8: {  	[dreg:$0x1] =	wrdreg $0xFFFFFFFF  }
0xc9: {  	_ =	task.clear_ibuf [dreg:s11], $0x2FFFF;
	_ =	strace $0x9FFFFFFF  }
0xca: {  	(tm) =	ssettm $0x7FFFFFFF  }
0xcb: {  	_ =	shalt  }
tec
execute0_lowered:
.L_overlay_start_1:
0x0: {  	(tag) =	ssettag $0x1  }
0x1: {  	v0 =	vimm.s32 $0x1380  }
0x2: {  	vm14 =	vcmask $0x300;
	vm13 =	vcmask $0x704;
	vm12 =	vcmask $0xB08  }
0x3: {  	vm11 =	vcmask $0xF0C;
	vm10 =	vcmask $0x1310;
	vm9 =	vcmask $0x1714  }
0x4: {  	vm8 =	vcmask $0x1B18;
	vm7 =	vcmask $0x1F1C;
	vm6 =	vcmask $0x2320  }
0x5: {  	vm5 =	vcmask $0x2724;
	vm4 =	vcmask $0x2B28;
	vm3 =	vcmask $0x2F2C  }
0x6: {  	vm2 =	vcmask $0x3330;
	vm0 =	vcmask $0x3734;
	vm1 =	vcmask $0x3B38  }
0x7: {  	v7 =	vimm.s32 $0x3380;
	v8 =	vimm.s32 $0x5380;
	v9 =	vimm.s32 $0x7380  }
0x8: {  	v0 =	vsel vm14, $0x0, v0;
	v7 =	vsel vm14, $0x2000, v7;
	v8 =	vsel vm14, $0x4000, v8  }
0x9: {  	v9 =	vsel vm14, $0x6000, v9;
	v0 =	vsel vm13, $0x80, v0;
	v7 =	vsel vm13, $0x2080, v7  }
0xa: {  	v8 =	vsel vm13, $0x4080, v8;
	v9 =	vsel vm13, $0x6080, v9;
	v0 =	vsel vm12, $0x100, v0  }
0xb: {  	v7 =	vsel vm12, $0x2100, v7;
	v8 =	vsel vm12, $0x4100, v8;
	v9 =	vsel vm12, $0x6100, v9  }
0xc: {  	v0 =	vsel vm11, $0x180, v0;
	v7 =	vsel vm11, $0x2180, v7;
	v8 =	vsel vm11, $0x4180, v8  }
0xd: {  	v9 =	vsel vm11, $0x6180, v9;
	v0 =	vsel vm10, $0x200, v0;
	v7 =	vsel vm10, $0x2200, v7  }
0xe: {  	s2 =	rddreg [dreg:$0x2];
	v8 =	vsel vm10, $0x4200, v8;
	v9 =	vsel vm10, $0x6200, v9;
	v0 =	vsel vm9, $0x280, v0  }
0xf: {  	s3 =	rddreg [dreg:$0x3];
	v7 =	vsel vm9, $0x2280, v7;
	v8 =	vsel vm9, $0x4280, v8;
	v9 =	vsel vm9, $0x6280, v9  }
0x10: {  	s0 =	rddreg [dreg:$0x4];
	v0 =	vsel vm8, $0x300, v0;
	v7 =	vsel vm8, $0x2300, v7;
	v8 =	vsel vm8, $0x4300, v8  }
0x11: {  	s1 =	rddreg [dreg:$0x5];
	v9 =	vsel vm8, $0x6300, v9;
	v0 =	vsel vm7, $0x380, v0;
	v7 =	vsel vm7, $0x2380, v7  }
0x12: {  	s5 =	simm.s32 $0x0;
	s4 =	srdreg.scid;
	s10 =	stileid.u32;
	v8 =	vsel vm7, $0x4380, v8;
	v9 =	vsel vm7, $0x6380, v9;
	v0 =	vsel vm6, $0x1000, v0  }
0x13: {  	s17 =	simm.s32 $0x4;
	s19 =	simm.s32 $0xC100;
	s20 =	simm.s32 $0x4000;
	v7 =	vsel vm6, $0x3000, v7;
	v8 =	vsel vm6, $0x5000, v8;
	v9 =	vsel vm6, $0x7000, v9  }
0x14: {  	s21 =	simm.s32 $0x8080;
	s22 =	simm.s32 $0x1C280;
	s23 =	simm.s32 $0x1;
	v1 =	vsel vm5, $0x1080, v0;
	v0 =	vimm.s32 $0x0;
	v7 =	vsel vm5, $0x3080, v7  }
0x15: {  	s24 =	simm.s32 $0x1C100;
	s25 =	simm.s32 $0x1C180;
	s28 =	simm.s32 $0x3;
	v8 =	vsel vm5, $0x5080, v8;
	v9 =	vsel vm5, $0x7080, v9;
	v2 =	vsel vm4, $0x1100, v1  }
0x16: {  	s29 =	simm.s32 $0x0;
	[smem:$0x7FF] =	sst s5;
	s4 =	sand.u32 $0x1, s4;
	v1 =	vlaneseq.u32;
	v7 =	vsel vm4, $0x3100, v7;
	v8 =	vsel vm4, $0x5100, v8  }
0x17: {  	s7 =	sadd.s32 $0x1200, s1;
	s8 =	sadd.s32 $0x41200, s1;
	s30 =	sshll.u32 s10, $0x1;
	v9 =	vsel vm4, $0x7100, v9;
	v3 =	vsel vm3, $0x1180, v2;
	v2 =	vor.u32 $0x4000, v1  }
0x18: {  	p0 =	seq.s32 s10, $0x0;
	_ =	strace $0x80000047;
	s6 =	ssub.s32 $0x2, s4;
	v5 =	vor.u32 $0x10, v1;
	v7 =	vsel vm3, $0x3180, v7;
	v8 =	vsel vm3, $0x5180, v8  }
.Ltmp0:
0x19: {  	s4 =	sor.u32 s4, s30;
	s9 =	sshrl.u32 s6, $0x1;
	v9 =	vsel vm3, $0x7180, v9;
	v4 =	vsel vm2, $0x1200, v3;
	v3 =	vimm.s32 $0xF;
	(pc) =	sbr.rel .LBB2_1-.Ltmp0, $4  }
0x1a: {  	s10 =	sshll.u32 s4, $0x9;
	s26 =	ssub.s32 s6, s9;
	s9 =	simm.s32 $0x3E;
	v7 =	vsel vm2, $0x3200, v7;
	v8 =	vsel vm2, $0x5200, v8;
	v9 =	vsel vm2, $0x7200, v9  }
0x1b: {  	s6 =	sshll.u32 s4, $0x1;
	s31 =	sadd.s32 s2, s10;
	s13 =	sadd.s32 s3, s10;
	v6 =	vsel vm0, $0x1280, v4;
	v4 =	vimm.s32 $0xFFFFFFFF;
	v7 =	vsel vm0, $0x3280, v7  }
0x1c: {  	s9 =	simm.s32 @!p0 $0x3D;
	s0 =	sadd.s32 s0, s6;
	[dreg:$0x8] =	wrdreg s31;
	v8 =	vsel vm0, $0x5280, v8;
	v9 =	vsel vm0, $0x7280, v9;
	v6 =	vsel vm1, $0x1300, v6  }
0x1d: {  	s14 =	smax.u32 s26, $0x1;
	s26 =	simm.s32 $0x14100;
	[dreg:$0x7] =	wrdreg s0;
	v7 =	vsel vm1, $0x3300, v7;
	v8 =	vsel vm1, $0x5300, v8;
	v9 =	vsel vm1, $0x7300, v9  }
.LBB2_62:
0x1e: {  	[sflag:s28] =	ssyncadd.s32 $0xFFFFFFC0  }
.LBB2_63:
0x1f: {  	s29 =	sadd.s32 $0x1, s29  }
0x20: {  	p0 =	sne.s32 s29, s14  }
.Ltmp1:
0x21: {  	_ = 	snop;
	(pc) =	sbr.rel @!p0 .LBB2_64-.Ltmp1, $1  }
0x22: {  	_ =	sdelay $0x3  }
.LBB2_1:
0x23: {  	s0 =	rddreg [dreg:$0x7];
	s1 =	simm.s32 $0x1C200  }
0x24: {  	[tilespmem:s1], [sflag:$0x4] =	stream.linear.gather [hbm4b:s0+s5], $0x10, $0x38;
	[tilespmem:$0x1CB00] =	vst v63  }
0x25: {  	_ =	swait.ge [sflag:s17], $0x10  }
0x26: {  	[sflag:s17] =	ssyncset.done $0x0  }
0x27: {  	[sflag:s17] =	ssyncadd.s32 $0xFFFFFFF0  }
0x28: {  	s15 =	rddreg [dreg:$0x0]  }
0x29: {  	v10 =	vld [tilespmem:$0x1C200];
	[tilespmem:s5], [sflag:$0x4] =	stream.linear.gather [hbm4b:s15+s5], $0x4000, $0x38  }
0x2a: {  	_ =	swait.ge [sflag:s17], $0x4000  }
0x2b: {  	s18 =	simm.s32 $0x1000;
	s4 =	simm.s32 $0x7A1400;
	[sflag:s17] =	ssyncset.done $0x0  }
0x2c: {  	s30 =	simm.s32 $0x0;
	s16 =	rddreg [dreg:$0x8];
	[sflag:s17] =	ssyncadd.s32 $0xFFFFC000  }
0x2d: {  	[tilespmem:s19], [sflag:$0x1] =	stream.strided.gather [hbm4b:s16+s18], $0x8000, s4, s18, $0x38;
	[tilespmem:$0x1CB00] =	vst v63  }
0x2e: {  	v11 =	vld [tilespmem:s30+$0x0];
	_ =	sdelay $0x4  }
0x2f: {  	v12 =	vshrl.u32 v11, $0x9  }
0x30: {  	v12 =	vand.u32 $0x1F, v12  }
0x31: {  	vm0 =	veq.s32 v12, v10  }
0x32: {  	v12 =	vsel vm0, $0x1, v0  }
0x33: {  	(xrf0) =	vadd.scan.msk.s32 $0xffff, v12;
	_ =	sdelay $0x4  }
0x34: {  	v12 =	vsel vm0, $0xFFFFFFFF, v0  }
0x35: {  	v12 =	vadd.s32 v12, v0;
	v13, _, _ =	vpop (xrf0)  }
0x36: {  	v12 =	vadd.s32 v13, v12  }
0x37: {  	v12 =	vsel vm0, v12, v2;
	_ =	sdelay $0x4  }
0x38: {  	[tilespmem:v12+s20+$0x0] =	vst.idx.msk $0xffff, v11  }
0x39: {  	[tilespmem:v12+s21+$0x0] =	vst.idx.msk $0xffff, v1  }
0x3a: {  	s31 =	simm.s32 $0x10;
	[tilespmem:$0x1C280] =	vst v13  }
0x3b: {  	v12 =	vld [tilespmem:s31+$0x0]  }
0x3c: {  	s0 =	simm.s32 $0x80;
	v11 =	vlaneseq.u32;
	v13 =	vimm.s32 $0x0;
	v14 =	vld.idx.msk [tilespmem:v3+s22+$0x0], $0xffff  }
.LBB2_2:
0x3d: {  	p0 =	sne.s32 s0, $0xFFC0;
	_ =	sdelay $0x2  }
0x3e: {  	v15 =	vshrl.u32 v12, $0x9  }
0x3f: {  	v15 =	vand.u32 $0x1F, v15  }
0x40: {  	v13 =	vadd.s32 v13, v14;
	vm0 =	veq.s32 v15, v10  }
0x41: {  	v14 =	vsel vm0, $0x1, v0  }
0x42: {  	(xrf0) =	vadd.scan.msk.s32 $0xffff, v14;
	_ =	sdelay $0x4  }
0x43: {  	v14 =	vsel vm0, $0xFFFFFFFF, v0  }
0x44: {  	v14 =	vadd.s32 v14, v13;
	v15, _, _ =	vpop (xrf0)  }
0x45: {  	v14 =	vadd.s32 v15, v14  }
0x46: {  	v14 =	vsel vm0, v14, v2;
	_ =	sdelay $0x4  }
.Ltmp2:
0x47: {  	v11 =	vadd.s32 $0x10, v11;
	[tilespmem:v14+s20+$0x0] =	vst.idx.msk $0xffff, v12;
	(pc) =	sbr.rel @p0 .LBB2_2-.Ltmp2, $4  }
0x48: {  	[tilespmem:v14+s21+$0x0] =	vst.idx.msk $0xffff, v11  }
0x49: {  	s1 =	sshra.s32 s0, $0x2;
	[tilespmem:$0x1C280] =	vst v15  }
0x4a: {  	v12 =	vld [tilespmem:s1+$0x0]  }
0x4b: {  	s0 =	sadd.s32 $0x40, s0;
	v14 =	vld.idx.msk [tilespmem:v3+s22+$0x0], $0xffff  }
0x4c: {  	_ =	sdelay $0x2  }
0x4d: {  	v15 =	vshrl.u32 v12, $0x9  }
0x4e: {  	v15 =	vand.u32 $0x1F, v15  }
0x4f: {  	vm0 =	veq.s32 v15, v10  }
0x50: {  	v15 =	vsel vm0, $0x1, v0  }
0x51: {  	(xrf0) =	vadd.scan.msk.s32 $0xffff, v15;
	_ =	sdelay $0x4  }
0x52: {  	v13 =	vadd.s32 v13, v14;
	v63 =	vsel vm0, $0xFFFFFFFF, v0  }
0x53: {  	v14 =	vadd.s32 v63, v13;
	v15, _, _ =	vpop (xrf0)  }
0x54: {  	v14 =	vadd.s32 v15, v14  }
0x55: {  	v14 =	vsel vm0, v14, v2;
	_ =	sdelay $0x4  }
0x56: {  	v11 =	vadd.s32 $0x10, v11;
	[tilespmem:v14+s20+$0x0] =	vst.idx.msk $0xffff, v12  }
0x57: {  	[tilespmem:v14+s21+$0x0] =	vst.idx.msk $0xffff, v11  }
0x58: {  	[tilespmem:$0x1C280] =	vst v15  }
0x59: {  	v11 =	vld.idx.msk [tilespmem:v3+s22+$0x0], $0xffff;
	_ =	sdelay $0x4  }
0x5a: {  	v11 =	vadd.s32 v13, v11  }
0x5b: {  	(v2sf) =	vpush v11, $0x0;
	_ =	sdelay $0xe  }
0x5c: {  	s0 =	spop (v2sf)  }
0x5d: {  	s1 =	sadd.s32 $0xF, s0  }
0x5e: {  	s4 =	sand.u32 $0xF, s1  }
0x5f: {  	s18 =	sshra.s32 s1, $0x1F;
	p1 =	slt.s32 s1, $0x1;
	p0 =	sne.s32 s4, $0x0  }
.Ltmp3:
0x60: {  	s4 =	sshrl.u32 s18, $0x1C;
	p0 =	por !p1, !p0;
	(pc) =	sbr.rel .LBB2_4-.Ltmp3, $4  }
0x61: {  	s1 =	sadd.s32 s4, s1;
	s4 =	simm.s32 $0x1;
	p0 =	por !p0, !p0  }
0x62: {  	s1 =	sshra.s32 s1, $0x4;
	s4 =	simm.s32 @!p0 $0x0  }
0x63: {  	s30 =	ssub.s32 s1, s4  }
0x64: {  	s6 =	simm.s32 $0x0;
	s31 =	simm.s32 $0x0;
	v11 =	vmov v10;
	[tilespmem:s0+$0x4000] =	vst v4;
	p0 =	slt.s32 s30, $0x1  }
.LBB2_65:
0x65: {  	s4 =	smov.u32 @p1 s4  }
0x66: {  	s6 =	smov.u32 s4  }
.LBB2_27:
0x67: {  	s31 =	sadd.s32 $0x1, s31  }
0x68: {  	p1 =	sne.s32 s31, $0x1F  }
.Ltmp4:
0x69: {  	_ = 	snop;
	(pc) =	sbr.rel @!p1 .LBB2_28-.Ltmp4, $2  }
0x6a: {  	_ =	sdelay $0x2  }
0x6b: {  	v11 =	vadd.s32 $0x40, v11  }
.LBB2_4:
0x6c: {  	s0 =	sshllo.u32 s31, $0x1  }
0x6d: {  	p1 =	sge.u32 s0, s9  }
0x6e: {  	s0 =	sshll.u32 @!p1 s0, $0xE  }
0x6f: {  	s0 =	sor.u32 @!p1 s10, s0  }
0x70: {  	s1 =	simm.s32 @!p1 $0x1000;
	s4 =	simm.s32 @!p1 $0x7A1400;
	s0 =	smin.u32 @!p1 s0, $0xF4080  }
.Ltmp5:
0x71: {  	s11 =	simm.s32 @!p1 $0x14100;
	s0 =	sadd.s32 @!p1 s2, s0;
	(pc) =	sbr.rel @p0 .LBB2_5-.Ltmp5, $4  }
0x72: {  	[tilespmem:s11], [sflag:$0x2] =	stream.strided.gather @!p1 [hbm4b:s0+s1], $0x8000, s4, s1, $0x38;
	[tilespmem:$0x1CB00] =	vst v63  }
0x73: {  	_ =	swait.ge [sflag:s23], $0x8000  }
0x74: {  	[sflag:s23] =	ssyncset.done $0x0  }
0x75: {  	v12 =	vshll.u32 v11, $0x9;
	[sflag:s23] =	ssyncadd.s32 $0xFFFF8000  }
.Ltmp6:
0x76: {  	(pc) =	sbr.rel .LBB2_7-.Ltmp6, $3  }
0x77: {  	_ =	sdelay $0x1  }
0x78: {  	vm0 =	vlt.s32 v12, $0xF4080  }
0x79: {  	s0 =	simm.s32 $0x0;
	v13 =	vnsel vm0, $0xF4080, v12  }
.LBB2_8:
0x7a: {  	s4 =	smov.u32 s6  }
.LBB2_15:
0x7b: {  	s0 =	sadd.s32 $0x1, s0  }
0x7c: {  	p2 =	sne.s32 s0, s30  }
.Ltmp7:
0x7d: {  	_ = 	snop;
	(pc) =	sbr.rel @!p2 .LBB2_16-.Ltmp7, $1  }
0x7e: {  	_ =	sdelay $0x3  }
.LBB2_7:
0x7f: {  	s1 =	sshll.u32 s0, $0x4  }
0x80: {  	v14 =	vld [tilespmem:s1+$0x4000];
	_ =	sdelay $0x4  }
0x81: {  	v15 =	vsub.s32 v14, v12  }
0x82: {  	vm0 =	vlt.u32 v15, $0x200  }
0x83: {  	v15 =	vsel vm0, $0x1, v0  }
0x84: {  	(xrf0) =	vadd.scan.msk.s32 $0xffff, v15;
	_ =	sdelay $0x5  }
0x85: {  	v16, _, _ =	vpop (xrf0)  }
0x86: {  	(v2sf) =	vpush v16, $0xF;
	_ =	sdelay $0xd  }
0x87: {  	v15 =	vsub.s32 v16, v15  }
0x88: {  	v15 =	vsel vm0, v15, v5;
	s11 =	spop (v2sf)  }
0x89: {  	v63 =	vld [tilespmem:s1+$0x8080];
	p2 =	slt.s32 s11, $0x1  }
.Ltmp8:
0x8a: {  	_ = 	snop;
	(pc) =	sbr.rel @p2 .LBB2_8-.Ltmp8, $4  }
0x8b: {  	_ = 	snop  }
0x8c: {  	v14 =	vsub.s32 v14, v13  }
0x8d: {  	[tilespmem:v15+s24+$0x0] =	vst.idx.msk $0xffff, v14  }
0x8e: {  	[tilespmem:v15+s25+$0x0] =	vst.idx.msk $0xffff, v63  }
0x8f: {  	s18 =	sadd.s32 $0xFFFFFFFF, s11  }
0x90: {  	p4 =	sne.s32 s18, $0x0  }
.Ltmp9:
0x91: {  	_ = 	snop;
	(pc) =	sbr.rel @!p4 .LBB2_10-.Ltmp9, $4  }
0x92: {  	_ = 	snop  }
0x93: {  	s1 =	sshll.u32 s6, $0x7  }
0x94: {  	s4 =	sadd.s32 s6, s11;
	s15 =	simm.s32 $0x1C180;
	p2 =	slt.s32 s6, $0x10  }
0x95: {  	v14 =	vimm.s32 $0x0;
	s16 =	sadd.s32 $0x1, s6;
	p3 =	por $0x0, $0x0;
	p2 =	por p2, p2  }
0x96: {  	s6 =	simm.s32 @!p2 $0x3  }
0x97: {  	v15 =	vld [tilespmem:s15+$0x0];
	_ =	swait.ge @!p2 [sflag:s6], $0x40  }
0x98: {  	[sflag:s6] =	ssyncset.done @!p2 $0x0  }
0x99: {  	[sflag:s6] =	ssyncadd.s32 @!p2 $0xFFFFFFC0  }
0x9a: {  	v16 =	vld.idx.msk [tilespmem:v14+s24+$0x0], $0xffff;
	_ =	sdelay $0x4  }
0x9b: {  	v17 =	vshll.u32 v16, $0x3  }
0x9c: {  	v16 =	vand.u32 $0x7F, v16;
	v17 =	vand.u32 $0xFFFFFC00, v17  }
0x9d: {  	v16 =	vor.u32 v16, v17  }
0x9e: {  	v17 =	vadd.s32 v6, v16;
	_ =	sdelay $0x4  }
0x9f: {  	v17 =	vld.idx.msk [tilespmem:v17+s19+$0x0], $0xffff  }
0xa0: {  	v18 =	vadd.s32 v7, v16;
	_ =	sdelay $0x2  }
0xa1: {  	s11 =	sand.u32 $0x780, s1  }
0xa2: {  	(v2sf) =	vpush v15, $0x0;
	[tilespmem:s11+$0x1C300] =	vst v17  }
0xa3: {  	v15 =	vld.idx.msk [tilespmem:v18+s19+$0x0], $0xffff  }
0xa4: {  	v17 =	vadd.s32 v8, v16;
	_ =	sdelay $0x3  }
0xa5: {  	[tilespmem:s11+$0x1C310] =	vst v15  }
0xa6: {  	v15 =	vld.idx.msk [tilespmem:v17+s19+$0x0], $0xffff  }
0xa7: {  	v16 =	vadd.s32 v9, v16;
	_ =	sdelay $0x3  }
0xa8: {  	s6 =	sadd.s32 $0xFFFFFFFF, s18;
	[tilespmem:s11+$0x1C320] =	vst v15  }
0xa9: {  	p4 =	sne.s32 s6, $0x0;
	v15 =	vld.idx.msk [tilespmem:v16+s19+$0x0], $0xffff  }
.Ltmp10:
0xaa: {  	_ = 	snop;
	(pc) =	sbr.rel @!p4 .LBB2_12-.Ltmp10, $4  }
0xab: {  	p6 =	slt.s32 s16, $0x10;
	s12 =	spop (v2sf)  }
0xac: {  	s1 =	sadd.s32 $0x80, s1;
	s16 =	sadd.s32 $0x1, s16;
	s15 =	sshll.u32 s12, $0x4  }
0xad: {  	p3 =	por $0x1, $0x1;
	p2 =	por p6, p6;
	s12 =	sand.u32 $0x1FFFFFF0, s15  }
0xae: {  	s18 =	sadd.s32 $0x1C300, s11;
	s15 =	simm.s32 $0x1C181;
	[tilespmem:s11+$0x1C330] =	vst v15;
	s11 =	sadd.s32 s7, s12;
	v15 =	vimm.s32 $0x0  }
.LBB2_13:
0xaf: {  	[hbm4b:s11+s5] =	stream.linear.scatter [tilespmem:s18], [sflag:$0x3], $0x80, $0x38;
	v15 =	vadd.s32 $0x1, v15;
	[tilespmem:$0x1CB00] =	vst v63  }
0xb0: {  	p5 =	slt.s32 s16, $0x10;
	s6 =	sadd.s32 $0xFFFFFFFF, s6;
	s11 =	simm.s32 @!p2 $0x3;
	v16 =	vld [tilespmem:s15+$0x0]  }
0xb1: {  	p4 =	sne.s32 s6, $0x0;
	_ =	swait.ge @!p2 [sflag:s11], $0x40  }
0xb2: {  	[sflag:s11] =	ssyncset.done @!p2 $0x0  }
0xb3: {  	[sflag:s11] =	ssyncadd.s32 @!p2 $0xFFFFFFC0;
	p2 =	por p5, p5  }
0xb4: {  	v17 =	vld.idx.msk [tilespmem:v15+s24+$0x0], $0xffff  }
0xb5: {  	(v2sf) =	vpush v16, $0x0;
	_ =	sdelay $0x4  }
0xb6: {  	v16 =	vshll.u32 v17, $0x3  }
0xb7: {  	v17 =	vand.u32 $0x7F, v17;
	v16 =	vand.u32 $0xFFFFFC00, v16  }
0xb8: {  	v16 =	vor.u32 v17, v16  }
0xb9: {  	v17 =	vadd.s32 v6, v16;
	_ =	sdelay $0x4  }
0xba: {  	v17 =	vld.idx.msk [tilespmem:v17+s19+$0x0], $0xffff;
	_ =	sdelay $0x1  }
0xbb: {  	v18 =	vadd.s32 v7, v16;
	s11 =	spop (v2sf)  }
0xbc: {  	s11 =	sshll.u32 s11, $0x4  }
0xbd: {  	s11 =	sand.u32 $0x1FFFFFF0, s11  }
0xbe: {  	s12 =	sand.u32 $0x780, s1  }
0xbf: {  	[tilespmem:s12+$0x1C300] =	vst v17  }
0xc0: {  	v17 =	vld.idx.msk [tilespmem:v18+s19+$0x0], $0xffff;
	_ =	sdelay $0x1  }
0xc1: {  	v18 =	vadd.s32 v8, v16;
	_ =	sdelay $0x3  }
0xc2: {  	[tilespmem:s12+$0x1C310] =	vst v17  }
0xc3: {  	v17 =	vld.idx.msk [tilespmem:v18+s19+$0x0], $0xffff;
	_ =	sdelay $0x1  }
0xc4: {  	v16 =	vadd.s32 v9, v16;
	_ =	sdelay $0x3  }
0xc5: {  	[tilespmem:s12+$0x1C320] =	vst v17  }
0xc6: {  	v16 =	vld.idx.msk [tilespmem:v16+s19+$0x0], $0xffff;
	_ =	sdelay $0x1  }
.Ltmp11:
0xc7: {  	(pc) =	sbr.rel @p4 .LBB2_13-.Ltmp11, $3  }
0xc8: {  	_ =	sdelay $0x1  }
0xc9: {  	s1 =	sadd.s32 $0x80, s1;
	s15 =	sadd.s32 $0x1, s15  }
0xca: {  	s16 =	sadd.s32 $0x1, s16;
	s18 =	sadd.s32 $0x1C300, s12;
	s11 =	sadd.s32 s7, s11;
	[tilespmem:s12+$0x1C330] =	vst v16  }
.LBB2_14:
0xcb: {  	v15 =	vadd.s32 @p3 $0x1, v15  }
0xcc: {  	[hbm4b:s11+s5] =	stream.linear.scatter @p3 [tilespmem:s18], [sflag:$0x3], $0x80, $0x38;
	v14 =	vpsel p3, v15, v14;
	[tilespmem:$0x1CB00] =	vst v63  }
0xcd: {  	s6 =	simm.s32 @!p2 $0x3  }
0xce: {  	v15 =	vld [tilespmem:s15+$0x0];
	_ =	swait.ge @!p2 [sflag:s6], $0x40  }
0xcf: {  	[sflag:s6] =	ssyncset.done @!p2 $0x0  }
0xd0: {  	[sflag:s6] =	ssyncadd.s32 @!p2 $0xFFFFFFC0  }
0xd1: {  	v14 =	vld.idx.msk [tilespmem:v14+s24+$0x0], $0xffff;
	_ =	sdelay $0x4  }
0xd2: {  	v16 =	vshll.u32 v14, $0x3  }
0xd3: {  	v14 =	vand.u32 $0x7F, v14;
	v16 =	vand.u32 $0xFFFFFC00, v16  }
0xd4: {  	v14 =	vor.u32 v14, v16  }
0xd5: {  	v16 =	vadd.s32 v6, v14;
	_ =	sdelay $0x4  }
0xd6: {  	v16 =	vld.idx.msk [tilespmem:v16+s19+$0x0], $0xffff  }
0xd7: {  	v17 =	vadd.s32 v7, v14;
	_ =	sdelay $0x2  }
0xd8: {  	s1 =	sand.u32 $0x780, s1  }
0xd9: {  	(v2sf) =	vpush v15, $0x0;
	[tilespmem:s1+$0x1C300] =	vst v16  }
0xda: {  	v15 =	vld.idx.msk [tilespmem:v17+s19+$0x0], $0xffff  }
0xdb: {  	v63 =	vadd.s32 v8, v14;
	_ =	sdelay $0x3  }
0xdc: {  	[tilespmem:s1+$0x1C310] =	vst v15  }
0xdd: {  	v15 =	vld.idx.msk [tilespmem:v63+s19+$0x0], $0xffff  }
0xde: {  	v14 =	vadd.s32 v9, v14;
	_ =	sdelay $0x3  }
0xdf: {  	[tilespmem:s1+$0x1C320] =	vst v15  }
0xe0: {  	v14 =	vld.idx.msk [tilespmem:v14+s19+$0x0], $0xffff;
	_ =	sdelay $0x1  }
.Ltmp12:
0xe1: {  	s15 =	spop (v2sf);
	(pc) =	sbr.rel .LBB2_15-.Ltmp12, $4  }
0xe2: {  	s6 =	sshll.u32 s15, $0x4  }
0xe3: {  	s6 =	sand.u32 $0x1FFFFFF0, s6  }
0xe4: {  	s16 =	sadd.s32 $0x1C300, s1;
	s18 =	sadd.s32 s7, s6;
	s6 =	smov.u32 s4;
	[tilespmem:s1+$0x1C330] =	vst v14  }
0xe5: {  	[hbm4b:s18+s5] =	stream.linear.scatter [tilespmem:s16], [sflag:$0x3], $0x80, $0x38;
	[tilespmem:$0x1CB00] =	vst v63  }
.LBB2_10:
.Ltmp13:
0xe6: {  	(pc) =	sbr.rel .LBB2_14-.Ltmp13, $2  }
0xe7: {  	_ =	sdelay $0x2  }
0xe8: {  	v15 =	vimm.s32 $0x0  }
.LBB2_12:
.Ltmp14:
0xe9: {  	(pc) =	sbr.rel .LBB2_14-.Ltmp14, $2  }
0xea: {  	_ =	sdelay $0x2  }
0xeb: {  	v15 =	vimm.s32 $0x0  }
.LBB2_5:
0xec: {  	s4 =	smov.u32 s6  }
.LBB2_16:
0xed: {  	s0 =	sshll.u32 s31, $0x1  }
0xee: {  	s0 =	sadd.s32 $0x2, s0  }
0xef: {  	p2 =	sge.u32 s0, s9  }
0xf0: {  	s0 =	sshll.u32 @!p2 s0, $0xE  }
0xf1: {  	s0 =	sor.u32 @!p2 s10, s0  }
0xf2: {  	s1 =	simm.s32 @!p2 $0x1000;
	s0 =	smin.u32 @!p2 s0, $0xF4080  }
0xf3: {  	s6 =	simm.s32 @!p2 $0x7A1400;
	s11 =	simm.s32 @!p2 $0xC100;
	s0 =	sadd.s32 @!p2 s2, s0  }
0xf4: {  	[tilespmem:s11], [sflag:$0x1] =	stream.strided.gather @!p2 [hbm4b:s0+s1], $0x8000, s6, s1, $0x38;
	[tilespmem:$0x1CB00] =	vst v63  }
0xf5: {  	p2 =	slt.s32 @!p1 s30, $0x1  }
0xf6: {  	p2 =	por p1, p2  }
.Ltmp15:
0xf7: {  	_ = 	snop;
	(pc) =	sbr.rel @p2 .LBB2_65-.Ltmp15, $4  }
0xf8: {  	s0 =	simm.s32 @!p1 $0x2  }
0xf9: {  	_ =	swait.ge @!p1 [sflag:s0], $0x8000  }
0xfa: {  	[sflag:s0] =	ssyncset.done @!p1 $0x0  }
0xfb: {  	[sflag:s0] =	ssyncadd.s32 @!p1 $0xFFFF8000  }
.Ltmp16:
0xfc: {  	(pc) =	sbr.rel .LBB2_18-.Ltmp16, $4  }
0xfd: {  	_ = 	snop  }
0xfe: {  	v12 =	vadd.s32 @!p1 $0x4000, v12  }
0xff: {  	vm0 =	vlt.s32 @!p1 v12, $0xF4080  }
0x100: {  	s0 =	simm.s32 @!p1 $0x0;
	v13 =	vnsel @!p1 vm0, $0xF4080, v12  }
.LBB2_19:
0x101: {  	s6 =	smov.u32 s4  }
.LBB2_26:
0x102: {  	s0 =	sadd.s32 $0x1, s0  }
0x103: {  	p1 =	sne.s32 s0, s30  }
.Ltmp17:
0x104: {  	_ = 	snop;
	(pc) =	sbr.rel @!p1 .LBB2_27-.Ltmp17, $1  }
0x105: {  	_ =	sdelay $0x3  }
.LBB2_18:
0x106: {  	s1 =	sshll.u32 s0, $0x4  }
0x107: {  	v14 =	vld [tilespmem:s1+$0x4000];
	_ =	sdelay $0x4  }
0x108: {  	v15 =	vsub.s32 v14, v12  }
0x109: {  	vm0 =	vlt.u32 v15, $0x200  }
0x10a: {  	v15 =	vsel vm0, $0x1, v0  }
0x10b: {  	(xrf0) =	vadd.scan.msk.s32 $0xffff, v15;
	_ =	sdelay $0x5  }
0x10c: {  	v16, _, _ =	vpop (xrf0)  }
0x10d: {  	(v2sf) =	vpush v16, $0xF;
	_ =	sdelay $0xd  }
0x10e: {  	v15 =	vsub.s32 v16, v15  }
0x10f: {  	v15 =	vsel vm0, v15, v5;
	s11 =	spop (v2sf)  }
0x110: {  	v63 =	vld [tilespmem:s1+$0x8080];
	p1 =	slt.s32 s11, $0x1  }
.Ltmp18:
0x111: {  	_ = 	snop;
	(pc) =	sbr.rel @p1 .LBB2_19-.Ltmp18, $4  }
0x112: {  	_ = 	snop  }
0x113: {  	v14 =	vsub.s32 v14, v13  }
0x114: {  	[tilespmem:v15+s24+$0x0] =	vst.idx.msk $0xffff, v14  }
0x115: {  	[tilespmem:v15+s25+$0x0] =	vst.idx.msk $0xffff, v63  }
0x116: {  	s18 =	sadd.s32 $0xFFFFFFFF, s11  }
0x117: {  	p3 =	sne.s32 s18, $0x0  }
.Ltmp19:
0x118: {  	_ = 	snop;
	(pc) =	sbr.rel @!p3 .LBB2_21-.Ltmp19, $4  }
0x119: {  	_ = 	snop  }
0x11a: {  	s1 =	sshll.u32 s4, $0x7  }
0x11b: {  	s6 =	sadd.s32 s4, s11;
	s15 =	simm.s32 $0x1C180;
	p1 =	slt.s32 s4, $0x10  }
0x11c: {  	v14 =	vimm.s32 $0x0;
	s16 =	sadd.s32 $0x1, s4;
	p2 =	por $0x0, $0x0;
	p1 =	por p1, p1  }
0x11d: {  	s4 =	simm.s32 @!p1 $0x3  }
0x11e: {  	v15 =	vld [tilespmem:s15+$0x0];
	_ =	swait.ge @!p1 [sflag:s4], $0x40  }
0x11f: {  	[sflag:s4] =	ssyncset.done @!p1 $0x0  }
0x120: {  	[sflag:s4] =	ssyncadd.s32 @!p1 $0xFFFFFFC0  }
0x121: {  	v16 =	vld.idx.msk [tilespmem:v14+s24+$0x0], $0xffff;
	_ =	sdelay $0x4  }
0x122: {  	v17 =	vshll.u32 v16, $0x3  }
0x123: {  	v16 =	vand.u32 $0x7F, v16;
	v17 =	vand.u32 $0xFFFFFC00, v17  }
0x124: {  	v16 =	vor.u32 v16, v17  }
0x125: {  	v17 =	vadd.s32 v6, v16;
	_ =	sdelay $0x4  }
0x126: {  	v17 =	vld.idx.msk [tilespmem:v17+s26+$0x0], $0xffff  }
0x127: {  	v18 =	vadd.s32 v7, v16;
	_ =	sdelay $0x2  }
0x128: {  	s11 =	sand.u32 $0x780, s1  }
0x129: {  	(v2sf) =	vpush v15, $0x0;
	[tilespmem:s11+$0x1C300] =	vst v17  }
0x12a: {  	v15 =	vld.idx.msk [tilespmem:v18+s26+$0x0], $0xffff  }
0x12b: {  	v17 =	vadd.s32 v8, v16;
	_ =	sdelay $0x3  }
0x12c: {  	[tilespmem:s11+$0x1C310] =	vst v15  }
0x12d: {  	v15 =	vld.idx.msk [tilespmem:v17+s26+$0x0], $0xffff  }
0x12e: {  	v16 =	vadd.s32 v9, v16;
	_ =	sdelay $0x3  }
0x12f: {  	s4 =	sadd.s32 $0xFFFFFFFF, s18;
	[tilespmem:s11+$0x1C320] =	vst v15  }
0x130: {  	p3 =	sne.s32 s4, $0x0;
	v15 =	vld.idx.msk [tilespmem:v16+s26+$0x0], $0xffff  }
.Ltmp20:
0x131: {  	_ = 	snop;
	(pc) =	sbr.rel @!p3 .LBB2_23-.Ltmp20, $4  }
0x132: {  	p6 =	slt.s32 s16, $0x10;
	s12 =	spop (v2sf)  }
0x133: {  	s1 =	sadd.s32 $0x80, s1;
	s15 =	simm.s32 $0x1C181;
	s12 =	sshll.u32 s12, $0x4  }
0x134: {  	s16 =	sadd.s32 $0x1, s16;
	p2 =	por $0x1, $0x1;
	s12 =	sand.u32 $0x1FFFFFF0, s12  }
0x135: {  	p1 =	por p6, p6;
	s18 =	sadd.s32 $0x1C300, s11;
	[tilespmem:s11+$0x1C330] =	vst v15;
	s11 =	sadd.s32 s7, s12;
	v15 =	vimm.s32 $0x0  }
.LBB2_24:
0x136: {  	[hbm4b:s11+s5] =	stream.linear.scatter [tilespmem:s18], [sflag:$0x3], $0x80, $0x38;
	v15 =	vadd.s32 $0x1, v15;
	[tilespmem:$0x1CB00] =	vst v63  }
0x137: {  	p4 =	slt.s32 s16, $0x10;
	s4 =	sadd.s32 $0xFFFFFFFF, s4;
	s11 =	simm.s32 @!p1 $0x3;
	v16 =	vld [tilespmem:s15+$0x0]  }
0x138: {  	p3 =	sne.s32 s4, $0x0;
	_ =	swait.ge @!p1 [sflag:s11], $0x40  }
0x139: {  	[sflag:s11] =	ssyncset.done @!p1 $0x0  }
0x13a: {  	[sflag:s11] =	ssyncadd.s32 @!p1 $0xFFFFFFC0;
	p1 =	por p4, p4  }
0x13b: {  	v17 =	vld.idx.msk [tilespmem:v15+s24+$0x0], $0xffff  }
0x13c: {  	(v2sf) =	vpush v16, $0x0;
	_ =	sdelay $0x4  }
0x13d: {  	v16 =	vshll.u32 v17, $0x3  }
0x13e: {  	v17 =	vand.u32 $0x7F, v17;
	v16 =	vand.u32 $0xFFFFFC00, v16  }
0x13f: {  	v16 =	vor.u32 v17, v16  }
0x140: {  	v17 =	vadd.s32 v6, v16;
	_ =	sdelay $0x4  }
0x141: {  	v17 =	vld.idx.msk [tilespmem:v17+s26+$0x0], $0xffff;
	_ =	sdelay $0x1  }
0x142: {  	v18 =	vadd.s32 v7, v16;
	s11 =	spop (v2sf)  }
0x143: {  	s11 =	sshll.u32 s11, $0x4  }
0x144: {  	s11 =	sand.u32 $0x1FFFFFF0, s11  }
0x145: {  	s12 =	sand.u32 $0x780, s1  }
0x146: {  	[tilespmem:s12+$0x1C300] =	vst v17  }
0x147: {  	v17 =	vld.idx.msk [tilespmem:v18+s26+$0x0], $0xffff;
	_ =	sdelay $0x1  }
0x148: {  	v18 =	vadd.s32 v8, v16;
	_ =	sdelay $0x3  }
0x149: {  	[tilespmem:s12+$0x1C310] =	vst v17  }
0x14a: {  	v17 =	vld.idx.msk [tilespmem:v18+s26+$0x0], $0xffff;
	_ =	sdelay $0x1  }
0x14b: {  	v16 =	vadd.s32 v9, v16;
	_ =	sdelay $0x3  }
0x14c: {  	[tilespmem:s12+$0x1C320] =	vst v17  }
0x14d: {  	v16 =	vld.idx.msk [tilespmem:v16+s26+$0x0], $0xffff;
	_ =	sdelay $0x1  }
.Ltmp21:
0x14e: {  	(pc) =	sbr.rel @p3 .LBB2_24-.Ltmp21, $3  }
0x14f: {  	_ =	sdelay $0x1  }
0x150: {  	s1 =	sadd.s32 $0x80, s1;
	s15 =	sadd.s32 $0x1, s15  }
0x151: {  	s16 =	sadd.s32 $0x1, s16;
	s18 =	sadd.s32 $0x1C300, s12;
	s11 =	sadd.s32 s7, s11;
	[tilespmem:s12+$0x1C330] =	vst v16  }
.LBB2_25:
0x152: {  	v15 =	vadd.s32 @p2 $0x1, v15  }
0x153: {  	[hbm4b:s11+s5] =	stream.linear.scatter @p2 [tilespmem:s18], [sflag:$0x3], $0x80, $0x38;
	v14 =	vpsel p2, v15, v14;
	[tilespmem:$0x1CB00] =	vst v63  }
0x154: {  	s4 =	simm.s32 @!p1 $0x3  }
0x155: {  	v15 =	vld [tilespmem:s15+$0x0];
	_ =	swait.ge @!p1 [sflag:s4], $0x40  }
0x156: {  	[sflag:s4] =	ssyncset.done @!p1 $0x0  }
0x157: {  	[sflag:s4] =	ssyncadd.s32 @!p1 $0xFFFFFFC0  }
0x158: {  	v14 =	vld.idx.msk [tilespmem:v14+s24+$0x0], $0xffff;
	_ =	sdelay $0x4  }
0x159: {  	v16 =	vshll.u32 v14, $0x3  }
0x15a: {  	v14 =	vand.u32 $0x7F, v14;
	v16 =	vand.u32 $0xFFFFFC00, v16  }
0x15b: {  	v14 =	vor.u32 v14, v16  }
0x15c: {  	v16 =	vadd.s32 v6, v14;
	_ =	sdelay $0x4  }
0x15d: {  	v16 =	vld.idx.msk [tilespmem:v16+s26+$0x0], $0xffff  }
0x15e: {  	v17 =	vadd.s32 v7, v14;
	_ =	sdelay $0x2  }
0x15f: {  	s1 =	sand.u32 $0x780, s1  }
0x160: {  	(v2sf) =	vpush v15, $0x0;
	[tilespmem:s1+$0x1C300] =	vst v16  }
0x161: {  	v15 =	vld.idx.msk [tilespmem:v17+s26+$0x0], $0xffff  }
0x162: {  	v63 =	vadd.s32 v8, v14;
	_ =	sdelay $0x3  }
0x163: {  	[tilespmem:s1+$0x1C310] =	vst v15  }
0x164: {  	v15 =	vld.idx.msk [tilespmem:v63+s26+$0x0], $0xffff  }
0x165: {  	v14 =	vadd.s32 v9, v14;
	_ =	sdelay $0x3  }
0x166: {  	[tilespmem:s1+$0x1C320] =	vst v15  }
0x167: {  	v14 =	vld.idx.msk [tilespmem:v14+s26+$0x0], $0xffff;
	_ =	sdelay $0x1  }
.Ltmp22:
0x168: {  	s15 =	spop (v2sf);
	(pc) =	sbr.rel .LBB2_26-.Ltmp22, $4  }
0x169: {  	s4 =	sshll.u32 s15, $0x4  }
0x16a: {  	s4 =	sand.u32 $0x1FFFFFF0, s4  }
0x16b: {  	s16 =	sadd.s32 $0x1C300, s1;
	s18 =	sadd.s32 s7, s4;
	s4 =	smov.u32 s6;
	[tilespmem:s1+$0x1C330] =	vst v14  }
0x16c: {  	[hbm4b:s18+s5] =	stream.linear.scatter [tilespmem:s16], [sflag:$0x3], $0x80, $0x38;
	[tilespmem:$0x1CB00] =	vst v63  }
.LBB2_21:
.Ltmp23:
0x16d: {  	(pc) =	sbr.rel .LBB2_25-.Ltmp23, $2  }
0x16e: {  	_ =	sdelay $0x2  }
0x16f: {  	v15 =	vimm.s32 $0x0  }
.LBB2_23:
.Ltmp24:
0x170: {  	(pc) =	sbr.rel .LBB2_25-.Ltmp24, $2  }
0x171: {  	_ =	sdelay $0x2  }
0x172: {  	v15 =	vimm.s32 $0x0  }
.LBB2_28:
0x173: {  	p0 =	slt.s32 s6, $0x1  }
.Ltmp25:
0x174: {  	_ = 	snop;
	(pc) =	sbr.rel @p0 .LBB2_32-.Ltmp25, $1  }
0x175: {  	_ =	sdelay $0x3  }
0x176: {  	p0 =	slt.s32 s6, $0x10  }
0x177: {  	s6 =	simm.s32 @!p0 $0x10  }
0x178: {  	p0 =	sne.s32 s6, $0x1  }
.Ltmp26:
0x179: {  	_ = 	snop;
	(pc) =	sbr.rel @!p0 .LBB2_31-.Ltmp26, $3  }
0x17a: {  	_ =	sdelay $0x1  }
0x17b: {  	_ =	swait.ge [sflag:s28], $0x40  }
0x17c: {  	[sflag:s28] =	ssyncset.done $0x0;
	s0 =	sadd.s32 $0xFFFFFFFF, s6  }
.LBB2_30:
0x17d: {  	p0 =	sne.s32 s0, $0x1;
	s0 =	sadd.s32 $0xFFFFFFFF, s0;
	[sflag:s28] =	ssyncadd.s32 $0xFFFFFFC0  }
.Ltmp27:
0x17e: {  	(pc) =	sbr.rel @p0 .LBB2_30-.Ltmp27, $3  }
0x17f: {  	_ =	sdelay $0x1  }
0x180: {  	_ =	swait.ge [sflag:s28], $0x40  }
0x181: {  	[sflag:s28] =	ssyncset.done $0x0  }
.LBB2_31:
0x182: {  	[sflag:s28] =	ssyncadd.s32 $0xFFFFFFC0  }
.LBB2_32:
0x183: {  	s0 =	simm.s32 $0x0;
	s1 =	rddreg [dreg:$0x1]  }
0x184: {  	[tilespmem:s0], [sflag:$0x4] =	stream.linear.gather [hbm4b:s1+s0], $0x4000, $0x38;
	[tilespmem:$0x1CB00] =	vst v63  }
0x185: {  	_ =	swait.ge [sflag:s17], $0x4000  }
0x186: {  	s16 =	simm.s32 $0x1000;
	[sflag:s17] =	ssyncset.done $0x0  }
0x187: {  	s18 =	simm.s32 $0x7A1400;
	s30 =	simm.s32 $0x0;
	[sflag:s17] =	ssyncadd.s32 $0xFFFFC000  }
0x188: {  	[tilespmem:s19], [sflag:$0x1] =	stream.strided.gather [hbm4b:s13+s16], $0x8000, s18, s16, $0x38;
	[tilespmem:$0x1CB00] =	vst v63  }
0x189: {  	v13 =	vld [tilespmem:s30+$0x0];
	_ =	sdelay $0x4  }
0x18a: {  	v11 =	vshrl.u32 v13, $0x9  }
0x18b: {  	v11 =	vand.u32 $0x1F, v11  }
0x18c: {  	vm0 =	veq.s32 v11, v10  }
0x18d: {  	v11 =	vsel vm0, $0x1, v0  }
0x18e: {  	(xrf0) =	vadd.scan.msk.s32 $0xffff, v11;
	_ =	sdelay $0x4  }
0x18f: {  	v12 =	vimm.s32 $0x0;
	v11 =	vsel vm0, $0xFFFFFFFF, v0  }
0x190: {  	v11 =	vadd.s32 v11, v12;
	v14, _, _ =	vpop (xrf0)  }
0x191: {  	v11 =	vadd.s32 v14, v11  }
0x192: {  	v15 =	vsel vm0, v11, v2;
	_ =	sdelay $0x4  }
0x193: {  	v11 =	vlaneseq.u32;
	[tilespmem:v15+s20+$0x0] =	vst.idx.msk $0xffff, v13  }
0x194: {  	[tilespmem:v15+s21+$0x0] =	vst.idx.msk $0xffff, v11  }
0x195: {  	s31 =	simm.s32 $0x10;
	[tilespmem:$0x1C280] =	vst v14  }
0x196: {  	v13 =	vld [tilespmem:s31+$0x0]  }
0x197: {  	s0 =	simm.s32 $0x80;
	v14 =	vld.idx.msk [tilespmem:v3+s22+$0x0], $0xffff  }
.LBB2_33:
0x198: {  	p0 =	sne.s32 s0, $0xFFC0;
	_ =	sdelay $0x2  }
0x199: {  	v15 =	vshrl.u32 v13, $0x9  }
0x19a: {  	v15 =	vand.u32 $0x1F, v15  }
0x19b: {  	v12 =	vadd.s32 v12, v14;
	vm0 =	veq.s32 v15, v10  }
0x19c: {  	v14 =	vsel vm0, $0x1, v0  }
0x19d: {  	(xrf0) =	vadd.scan.msk.s32 $0xffff, v14;
	_ =	sdelay $0x4  }
0x19e: {  	v14 =	vsel vm0, $0xFFFFFFFF, v0  }
0x19f: {  	v14 =	vadd.s32 v14, v12;
	v15, _, _ =	vpop (xrf0)  }
0x1a0: {  	v14 =	vadd.s32 v15, v14  }
0x1a1: {  	v14 =	vsel vm0, v14, v2;
	_ =	sdelay $0x4  }
.Ltmp28:
0x1a2: {  	v11 =	vadd.s32 $0x10, v11;
	[tilespmem:v14+s20+$0x0] =	vst.idx.msk $0xffff, v13;
	(pc) =	sbr.rel @p0 .LBB2_33-.Ltmp28, $4  }
0x1a3: {  	[tilespmem:v14+s21+$0x0] =	vst.idx.msk $0xffff, v11  }
0x1a4: {  	s1 =	sshra.s32 s0, $0x2;
	[tilespmem:$0x1C280] =	vst v15  }
0x1a5: {  	v13 =	vld [tilespmem:s1+$0x0]  }
0x1a6: {  	s0 =	sadd.s32 $0x40, s0;
	v14 =	vld.idx.msk [tilespmem:v3+s22+$0x0], $0xffff  }
0x1a7: {  	_ =	sdelay $0x2  }
0x1a8: {  	v15 =	vshrl.u32 v13, $0x9  }
0x1a9: {  	v15 =	vand.u32 $0x1F, v15  }
0x1aa: {  	vm0 =	veq.s32 v15, v10  }
0x1ab: {  	v15 =	vsel vm0, $0x1, v0  }
0x1ac: {  	(xrf0) =	vadd.scan.msk.s32 $0xffff, v15;
	_ =	sdelay $0x4  }
0x1ad: {  	v12 =	vadd.s32 v12, v14;
	v63 =	vsel vm0, $0xFFFFFFFF, v0  }
0x1ae: {  	v14 =	vadd.s32 v63, v12;
	v15, _, _ =	vpop (xrf0)  }
0x1af: {  	v14 =	vadd.s32 v15, v14  }
0x1b0: {  	v14 =	vsel vm0, v14, v2;
	_ =	sdelay $0x4  }
0x1b1: {  	v11 =	vadd.s32 $0x10, v11;
	[tilespmem:v14+s20+$0x0] =	vst.idx.msk $0xffff, v13  }
0x1b2: {  	[tilespmem:v14+s21+$0x0] =	vst.idx.msk $0xffff, v11  }
0x1b3: {  	[tilespmem:$0x1C280] =	vst v15  }
0x1b4: {  	v11 =	vld.idx.msk [tilespmem:v3+s22+$0x0], $0xffff;
	_ =	sdelay $0x4  }
0x1b5: {  	v11 =	vadd.s32 v12, v11  }
0x1b6: {  	(v2sf) =	vpush v11, $0x0;
	_ =	sdelay $0xe  }
0x1b7: {  	s0 =	spop (v2sf)  }
0x1b8: {  	s1 =	sadd.s32 $0xF, s0  }
0x1b9: {  	s4 =	sand.u32 $0xF, s1  }
0x1ba: {  	s18 =	sshra.s32 s1, $0x1F;
	p1 =	slt.s32 s1, $0x1;
	p0 =	sne.s32 s4, $0x0  }
.Ltmp29:
0x1bb: {  	s4 =	sshrl.u32 s18, $0x1C;
	p0 =	por !p1, !p0;
	(pc) =	sbr.rel .LBB2_35-.Ltmp29, $4  }
0x1bc: {  	s1 =	sadd.s32 s4, s1;
	s4 =	simm.s32 $0x1;
	p0 =	por !p0, !p0  }
0x1bd: {  	s1 =	sshra.s32 s1, $0x4;
	s4 =	simm.s32 @!p0 $0x0  }
0x1be: {  	s30 =	ssub.s32 s1, s4  }
0x1bf: {  	s31 =	simm.s32 $0x0;
	[tilespmem:s0+$0x4000] =	vst v4;
	s4 =	simm.s32 $0x0;
	p0 =	slt.s32 s30, $0x1  }
.LBB2_66:
0x1c0: {  	s6 =	smov.u32 @p1 s6  }
0x1c1: {  	s4 =	smov.u32 s6  }
.LBB2_58:
0x1c2: {  	s31 =	sadd.s32 $0x1, s31  }
0x1c3: {  	p1 =	sne.s32 s31, $0x1F  }
.Ltmp30:
0x1c4: {  	_ = 	snop;
	(pc) =	sbr.rel @!p1 .LBB2_59-.Ltmp30, $2  }
0x1c5: {  	_ =	sdelay $0x2  }
0x1c6: {  	v10 =	vadd.s32 $0x40, v10  }
.LBB2_35:
0x1c7: {  	s0 =	sshllo.u32 s31, $0x1  }
0x1c8: {  	p1 =	sge.u32 s0, s9  }
0x1c9: {  	s0 =	sshll.u32 @!p1 s0, $0xE  }
0x1ca: {  	s0 =	sor.u32 @!p1 s10, s0  }
0x1cb: {  	s1 =	simm.s32 @!p1 $0x1000;
	s6 =	simm.s32 @!p1 $0x7A1400;
	s0 =	smin.u32 @!p1 s0, $0xF4080  }
.Ltmp31:
0x1cc: {  	s11 =	simm.s32 @!p1 $0x14100;
	s0 =	sadd.s32 @!p1 s3, s0;
	(pc) =	sbr.rel @p0 .LBB2_36-.Ltmp31, $4  }
0x1cd: {  	[tilespmem:s11], [sflag:$0x2] =	stream.strided.gather @!p1 [hbm4b:s0+s1], $0x8000, s6, s1, $0x38;
	[tilespmem:$0x1CB00] =	vst v63  }
0x1ce: {  	_ =	swait.ge [sflag:s23], $0x8000  }
0x1cf: {  	[sflag:s23] =	ssyncset.done $0x0  }
0x1d0: {  	v11 =	vshll.u32 v10, $0x9;
	[sflag:s23] =	ssyncadd.s32 $0xFFFF8000  }
.Ltmp32:
0x1d1: {  	(pc) =	sbr.rel .LBB2_38-.Ltmp32, $3  }
0x1d2: {  	_ =	sdelay $0x1  }
0x1d3: {  	vm0 =	vlt.s32 v11, $0xF4080  }
0x1d4: {  	s0 =	simm.s32 $0x0;
	v12 =	vnsel vm0, $0xF4080, v11  }
.LBB2_39:
0x1d5: {  	s6 =	smov.u32 s4  }
.LBB2_46:
0x1d6: {  	s0 =	sadd.s32 $0x1, s0  }
0x1d7: {  	p2 =	sne.s32 s0, s30  }
.Ltmp33:
0x1d8: {  	_ = 	snop;
	(pc) =	sbr.rel @!p2 .LBB2_47-.Ltmp33, $1  }
0x1d9: {  	_ =	sdelay $0x3  }
.LBB2_38:
0x1da: {  	s1 =	sshll.u32 s0, $0x4  }
0x1db: {  	v13 =	vld [tilespmem:s1+$0x4000];
	_ =	sdelay $0x4  }
0x1dc: {  	v14 =	vsub.s32 v13, v11  }
0x1dd: {  	vm0 =	vlt.u32 v14, $0x200  }
0x1de: {  	v14 =	vsel vm0, $0x1, v0  }
0x1df: {  	(xrf0) =	vadd.scan.msk.s32 $0xffff, v14;
	_ =	sdelay $0x5  }
0x1e0: {  	v15, _, _ =	vpop (xrf0)  }
0x1e1: {  	(v2sf) =	vpush v15, $0xF;
	_ =	sdelay $0xd  }
0x1e2: {  	v14 =	vsub.s32 v15, v14  }
0x1e3: {  	v14 =	vsel vm0, v14, v5;
	s11 =	spop (v2sf)  }
0x1e4: {  	v15 =	vld [tilespmem:s1+$0x8080];
	p2 =	slt.s32 s11, $0x1  }
.Ltmp34:
0x1e5: {  	_ = 	snop;
	(pc) =	sbr.rel @p2 .LBB2_39-.Ltmp34, $4  }
0x1e6: {  	_ = 	snop  }
0x1e7: {  	v13 =	vsub.s32 v13, v12  }
0x1e8: {  	[tilespmem:v14+s24+$0x0] =	vst.idx.msk $0xffff, v13  }
0x1e9: {  	[tilespmem:v14+s25+$0x0] =	vst.idx.msk $0xffff, v15  }
0x1ea: {  	s18 =	sadd.s32 $0xFFFFFFFF, s11  }
0x1eb: {  	p4 =	sne.s32 s18, $0x0  }
.Ltmp35:
0x1ec: {  	_ = 	snop;
	(pc) =	sbr.rel @!p4 .LBB2_41-.Ltmp35, $4  }
0x1ed: {  	_ = 	snop  }
0x1ee: {  	s1 =	sshll.u32 s4, $0x7  }
0x1ef: {  	s6 =	sadd.s32 s4, s11;
	s15 =	simm.s32 $0x1C180;
	p2 =	slt.s32 s4, $0x10  }
0x1f0: {  	v13 =	vimm.s32 $0x0;
	s16 =	sadd.s32 $0x1, s4;
	p3 =	por $0x0, $0x0;
	p2 =	por p2, p2  }
0x1f1: {  	s4 =	simm.s32 @!p2 $0x3  }
0x1f2: {  	v14 =	vld [tilespmem:s15+$0x0];
	_ =	swait.ge @!p2 [sflag:s4], $0x40  }
0x1f3: {  	[sflag:s4] =	ssyncset.done @!p2 $0x0  }
0x1f4: {  	[sflag:s4] =	ssyncadd.s32 @!p2 $0xFFFFFFC0  }
0x1f5: {  	v15 =	vld.idx.msk [tilespmem:v13+s24+$0x0], $0xffff;
	_ =	sdelay $0x4  }
0x1f6: {  	v16 =	vshll.u32 v15, $0x3  }
0x1f7: {  	v15 =	vand.u32 $0x7F, v15;
	v16 =	vand.u32 $0xFFFFFC00, v16  }
0x1f8: {  	v15 =	vor.u32 v15, v16  }
0x1f9: {  	v16 =	vadd.s32 v6, v15;
	_ =	sdelay $0x4  }
0x1fa: {  	v16 =	vld.idx.msk [tilespmem:v16+s19+$0x0], $0xffff  }
0x1fb: {  	v17 =	vadd.s32 v7, v15;
	_ =	sdelay $0x2  }
0x1fc: {  	s11 =	sand.u32 $0x780, s1  }
0x1fd: {  	(v2sf) =	vpush v14, $0x0;
	[tilespmem:s11+$0x1C300] =	vst v16  }
0x1fe: {  	v14 =	vld.idx.msk [tilespmem:v17+s19+$0x0], $0xffff  }
0x1ff: {  	v63 =	vadd.s32 v8, v15;
	_ =	sdelay $0x3  }
0x200: {  	[tilespmem:s11+$0x1C310] =	vst v14  }
0x201: {  	v14 =	vld.idx.msk [tilespmem:v63+s19+$0x0], $0xffff  }
0x202: {  	v15 =	vadd.s32 v9, v15;
	_ =	sdelay $0x3  }
0x203: {  	s4 =	sadd.s32 $0xFFFFFFFF, s18;
	[tilespmem:s11+$0x1C320] =	vst v14  }
0x204: {  	p4 =	sne.s32 s4, $0x0;
	v14 =	vld.idx.msk [tilespmem:v15+s19+$0x0], $0xffff  }
.Ltmp36:
0x205: {  	_ = 	snop;
	(pc) =	sbr.rel @!p4 .LBB2_43-.Ltmp36, $4  }
0x206: {  	p6 =	slt.s32 s16, $0x10;
	s12 =	spop (v2sf)  }
0x207: {  	s1 =	sadd.s32 $0x80, s1;
	s15 =	simm.s32 $0x1C181;
	s12 =	sshll.u32 s12, $0x4  }
0x208: {  	s16 =	sadd.s32 $0x1, s16;
	p3 =	por $0x1, $0x1;
	s12 =	sand.u32 $0x1FFFFFF0, s12  }
0x209: {  	p2 =	por p6, p6;
	s18 =	sadd.s32 $0x1C300, s11;
	[tilespmem:s11+$0x1C330] =	vst v14;
	s11 =	sadd.s32 s8, s12;
	v14 =	vimm.s32 $0x0  }
.LBB2_44:
0x20a: {  	[hbm4b:s11+s5] =	stream.linear.scatter [tilespmem:s18], [sflag:$0x3], $0x80, $0x38;
	v14 =	vadd.s32 $0x1, v14;
	[tilespmem:$0x1CB00] =	vst v63  }
0x20b: {  	p5 =	slt.s32 s16, $0x10;
	s4 =	sadd.s32 $0xFFFFFFFF, s4;
	s11 =	simm.s32 @!p2 $0x3;
	v15 =	vld [tilespmem:s15+$0x0]  }
0x20c: {  	p4 =	sne.s32 s4, $0x0;
	_ =	swait.ge @!p2 [sflag:s11], $0x40  }
0x20d: {  	[sflag:s11] =	ssyncset.done @!p2 $0x0  }
0x20e: {  	[sflag:s11] =	ssyncadd.s32 @!p2 $0xFFFFFFC0;
	p2 =	por p5, p5  }
0x20f: {  	v16 =	vld.idx.msk [tilespmem:v14+s24+$0x0], $0xffff  }
0x210: {  	(v2sf) =	vpush v15, $0x0;
	_ =	sdelay $0x4  }
0x211: {  	v15 =	vshll.u32 v16, $0x3  }
0x212: {  	v16 =	vand.u32 $0x7F, v16;
	v15 =	vand.u32 $0xFFFFFC00, v15  }
0x213: {  	v15 =	vor.u32 v16, v15  }
0x214: {  	v16 =	vadd.s32 v6, v15;
	_ =	sdelay $0x4  }
0x215: {  	v16 =	vld.idx.msk [tilespmem:v16+s19+$0x0], $0xffff;
	_ =	sdelay $0x1  }
0x216: {  	v17 =	vadd.s32 v7, v15;
	s11 =	spop (v2sf)  }
0x217: {  	s11 =	sshll.u32 s11, $0x4  }
0x218: {  	s11 =	sand.u32 $0x1FFFFFF0, s11  }
0x219: {  	s12 =	sand.u32 $0x780, s1  }
0x21a: {  	[tilespmem:s12+$0x1C300] =	vst v16  }
0x21b: {  	v16 =	vld.idx.msk [tilespmem:v17+s19+$0x0], $0xffff;
	_ =	sdelay $0x1  }
0x21c: {  	v17 =	vadd.s32 v8, v15;
	_ =	sdelay $0x3  }
0x21d: {  	[tilespmem:s12+$0x1C310] =	vst v16  }
0x21e: {  	v16 =	vld.idx.msk [tilespmem:v17+s19+$0x0], $0xffff;
	_ =	sdelay $0x1  }
0x21f: {  	v15 =	vadd.s32 v9, v15;
	_ =	sdelay $0x3  }
0x220: {  	[tilespmem:s12+$0x1C320] =	vst v16  }
0x221: {  	v15 =	vld.idx.msk [tilespmem:v15+s19+$0x0], $0xffff;
	_ =	sdelay $0x1  }
.Ltmp37:
0x222: {  	(pc) =	sbr.rel @p4 .LBB2_44-.Ltmp37, $3  }
0x223: {  	_ =	sdelay $0x1  }
0x224: {  	s1 =	sadd.s32 $0x80, s1;
	s15 =	sadd.s32 $0x1, s15  }
0x225: {  	s16 =	sadd.s32 $0x1, s16;
	s18 =	sadd.s32 $0x1C300, s12;
	s11 =	sadd.s32 s8, s11;
	[tilespmem:s12+$0x1C330] =	vst v15  }
.LBB2_45:
0x226: {  	v14 =	vadd.s32 @p3 $0x1, v14  }
0x227: {  	[hbm4b:s11+s5] =	stream.linear.scatter @p3 [tilespmem:s18], [sflag:$0x3], $0x80, $0x38;
	v13 =	vpsel p3, v14, v13;
	[tilespmem:$0x1CB00] =	vst v63  }
0x228: {  	s4 =	simm.s32 @!p2 $0x3  }
0x229: {  	v14 =	vld [tilespmem:s15+$0x0];
	_ =	swait.ge @!p2 [sflag:s4], $0x40  }
0x22a: {  	[sflag:s4] =	ssyncset.done @!p2 $0x0  }
0x22b: {  	[sflag:s4] =	ssyncadd.s32 @!p2 $0xFFFFFFC0  }
0x22c: {  	v13 =	vld.idx.msk [tilespmem:v13+s24+$0x0], $0xffff;
	_ =	sdelay $0x4  }
0x22d: {  	v15 =	vshll.u32 v13, $0x3  }
0x22e: {  	v13 =	vand.u32 $0x7F, v13;
	v15 =	vand.u32 $0xFFFFFC00, v15  }
0x22f: {  	v13 =	vor.u32 v13, v15  }
0x230: {  	v15 =	vadd.s32 v6, v13;
	_ =	sdelay $0x4  }
0x231: {  	v15 =	vld.idx.msk [tilespmem:v15+s19+$0x0], $0xffff  }
0x232: {  	v16 =	vadd.s32 v7, v13;
	_ =	sdelay $0x2  }
0x233: {  	s1 =	sand.u32 $0x780, s1  }
0x234: {  	(v2sf) =	vpush v14, $0x0;
	[tilespmem:s1+$0x1C300] =	vst v15  }
0x235: {  	v14 =	vld.idx.msk [tilespmem:v16+s19+$0x0], $0xffff  }
0x236: {  	v15 =	vadd.s32 v8, v13;
	_ =	sdelay $0x3  }
0x237: {  	[tilespmem:s1+$0x1C310] =	vst v14  }
0x238: {  	v14 =	vld.idx.msk [tilespmem:v15+s19+$0x0], $0xffff  }
0x239: {  	v13 =	vadd.s32 v9, v13;
	_ =	sdelay $0x3  }
0x23a: {  	[tilespmem:s1+$0x1C320] =	vst v14  }
0x23b: {  	v13 =	vld.idx.msk [tilespmem:v13+s19+$0x0], $0xffff;
	_ =	sdelay $0x1  }
.Ltmp38:
0x23c: {  	s15 =	spop (v2sf);
	(pc) =	sbr.rel .LBB2_46-.Ltmp38, $4  }
0x23d: {  	s4 =	sshll.u32 s15, $0x4  }
0x23e: {  	s4 =	sand.u32 $0x1FFFFFF0, s4  }
0x23f: {  	s16 =	sadd.s32 $0x1C300, s1;
	s18 =	sadd.s32 s8, s4;
	s4 =	smov.u32 s6;
	[tilespmem:s1+$0x1C330] =	vst v13  }
0x240: {  	[hbm4b:s18+s5] =	stream.linear.scatter [tilespmem:s16], [sflag:$0x3], $0x80, $0x38;
	[tilespmem:$0x1CB00] =	vst v63  }
.LBB2_41:
.Ltmp39:
0x241: {  	(pc) =	sbr.rel .LBB2_45-.Ltmp39, $2  }
0x242: {  	_ =	sdelay $0x2  }
0x243: {  	v14 =	vimm.s32 $0x0  }
.LBB2_43:
.Ltmp40:
0x244: {  	(pc) =	sbr.rel .LBB2_45-.Ltmp40, $2  }
0x245: {  	_ =	sdelay $0x2  }
0x246: {  	v14 =	vimm.s32 $0x0  }
.LBB2_36:
0x247: {  	s6 =	smov.u32 s4  }
.LBB2_47:
0x248: {  	s0 =	sshll.u32 s31, $0x1  }
0x249: {  	s0 =	sadd.s32 $0x2, s0  }
0x24a: {  	p2 =	sge.u32 s0, s9  }
0x24b: {  	s0 =	sshll.u32 @!p2 s0, $0xE  }
0x24c: {  	s0 =	sor.u32 @!p2 s10, s0  }
0x24d: {  	s1 =	simm.s32 @!p2 $0x1000;
	s0 =	smin.u32 @!p2 s0, $0xF4080  }
0x24e: {  	s4 =	simm.s32 @!p2 $0x7A1400;
	s11 =	simm.s32 @!p2 $0xC100;
	s0 =	sadd.s32 @!p2 s3, s0  }
0x24f: {  	[tilespmem:s11], [sflag:$0x1] =	stream.strided.gather @!p2 [hbm4b:s0+s1], $0x8000, s4, s1, $0x38;
	[tilespmem:$0x1CB00] =	vst v63  }
0x250: {  	p2 =	slt.s32 @!p1 s30, $0x1  }
0x251: {  	p2 =	por p1, p2  }
.Ltmp41:
0x252: {  	_ = 	snop;
	(pc) =	sbr.rel @p2 .LBB2_66-.Ltmp41, $4  }
0x253: {  	s0 =	simm.s32 @!p1 $0x2  }
0x254: {  	_ =	swait.ge @!p1 [sflag:s0], $0x8000  }
0x255: {  	[sflag:s0] =	ssyncset.done @!p1 $0x0  }
0x256: {  	[sflag:s0] =	ssyncadd.s32 @!p1 $0xFFFF8000  }
.Ltmp42:
0x257: {  	(pc) =	sbr.rel .LBB2_49-.Ltmp42, $4  }
0x258: {  	_ = 	snop  }
0x259: {  	v11 =	vadd.s32 @!p1 $0x4000, v11  }
0x25a: {  	vm0 =	vlt.s32 @!p1 v11, $0xF4080  }
0x25b: {  	s0 =	simm.s32 @!p1 $0x0;
	v12 =	vnsel @!p1 vm0, $0xF4080, v11  }
.LBB2_50:
0x25c: {  	s4 =	smov.u32 s6  }
.LBB2_57:
0x25d: {  	s0 =	sadd.s32 $0x1, s0  }
0x25e: {  	p1 =	sne.s32 s0, s30  }
.Ltmp43:
0x25f: {  	_ = 	snop;
	(pc) =	sbr.rel @!p1 .LBB2_58-.Ltmp43, $1  }
0x260: {  	_ =	sdelay $0x3  }
.LBB2_49:
0x261: {  	s1 =	sshll.u32 s0, $0x4  }
0x262: {  	v13 =	vld [tilespmem:s1+$0x4000];
	_ =	sdelay $0x4  }
0x263: {  	v14 =	vsub.s32 v13, v11  }
0x264: {  	vm0 =	vlt.u32 v14, $0x200  }
0x265: {  	v14 =	vsel vm0, $0x1, v0  }
0x266: {  	(xrf0) =	vadd.scan.msk.s32 $0xffff, v14;
	_ =	sdelay $0x5  }
0x267: {  	v15, _, _ =	vpop (xrf0)  }
0x268: {  	(v2sf) =	vpush v15, $0xF;
	_ =	sdelay $0xd  }
0x269: {  	v14 =	vsub.s32 v15, v14  }
0x26a: {  	v14 =	vsel vm0, v14, v5;
	s11 =	spop (v2sf)  }
0x26b: {  	v15 =	vld [tilespmem:s1+$0x8080];
	p1 =	slt.s32 s11, $0x1  }
.Ltmp44:
0x26c: {  	_ = 	snop;
	(pc) =	sbr.rel @p1 .LBB2_50-.Ltmp44, $4  }
0x26d: {  	_ = 	snop  }
0x26e: {  	v13 =	vsub.s32 v13, v12  }
0x26f: {  	[tilespmem:v14+s24+$0x0] =	vst.idx.msk $0xffff, v13  }
0x270: {  	[tilespmem:v14+s25+$0x0] =	vst.idx.msk $0xffff, v15  }
0x271: {  	s18 =	sadd.s32 $0xFFFFFFFF, s11  }
0x272: {  	p3 =	sne.s32 s18, $0x0  }
.Ltmp45:
0x273: {  	_ = 	snop;
	(pc) =	sbr.rel @!p3 .LBB2_52-.Ltmp45, $4  }
0x274: {  	_ = 	snop  }
0x275: {  	s1 =	sshll.u32 s6, $0x7  }
0x276: {  	s4 =	sadd.s32 s6, s11;
	s15 =	simm.s32 $0x1C180;
	p1 =	slt.s32 s6, $0x10  }
0x277: {  	v13 =	vimm.s32 $0x0;
	s16 =	sadd.s32 $0x1, s6;
	p2 =	por $0x0, $0x0;
	p1 =	por p1, p1  }
0x278: {  	s6 =	simm.s32 @!p1 $0x3  }
0x279: {  	v14 =	vld [tilespmem:s15+$0x0];
	_ =	swait.ge @!p1 [sflag:s6], $0x40  }
0x27a: {  	[sflag:s6] =	ssyncset.done @!p1 $0x0  }
0x27b: {  	[sflag:s6] =	ssyncadd.s32 @!p1 $0xFFFFFFC0  }
0x27c: {  	v15 =	vld.idx.msk [tilespmem:v13+s24+$0x0], $0xffff;
	_ =	sdelay $0x4  }
0x27d: {  	v16 =	vshll.u32 v15, $0x3  }
0x27e: {  	v15 =	vand.u32 $0x7F, v15;
	v16 =	vand.u32 $0xFFFFFC00, v16  }
0x27f: {  	v15 =	vor.u32 v15, v16  }
0x280: {  	v16 =	vadd.s32 v6, v15;
	_ =	sdelay $0x4  }
0x281: {  	v16 =	vld.idx.msk [tilespmem:v16+s26+$0x0], $0xffff  }
0x282: {  	v17 =	vadd.s32 v7, v15;
	_ =	sdelay $0x2  }
0x283: {  	s11 =	sand.u32 $0x780, s1  }
0x284: {  	(v2sf) =	vpush v14, $0x0;
	[tilespmem:s11+$0x1C300] =	vst v16  }
0x285: {  	v14 =	vld.idx.msk [tilespmem:v17+s26+$0x0], $0xffff  }
0x286: {  	v63 =	vadd.s32 v8, v15;
	_ =	sdelay $0x3  }
0x287: {  	[tilespmem:s11+$0x1C310] =	vst v14  }
0x288: {  	v14 =	vld.idx.msk [tilespmem:v63+s26+$0x0], $0xffff  }
0x289: {  	v15 =	vadd.s32 v9, v15;
	_ =	sdelay $0x3  }
0x28a: {  	s6 =	sadd.s32 $0xFFFFFFFF, s18;
	[tilespmem:s11+$0x1C320] =	vst v14  }
0x28b: {  	p3 =	sne.s32 s6, $0x0;
	v14 =	vld.idx.msk [tilespmem:v15+s26+$0x0], $0xffff  }
.Ltmp46:
0x28c: {  	_ = 	snop;
	(pc) =	sbr.rel @!p3 .LBB2_54-.Ltmp46, $4  }
0x28d: {  	p6 =	slt.s32 s16, $0x10;
	s12 =	spop (v2sf)  }
0x28e: {  	s1 =	sadd.s32 $0x80, s1;
	s15 =	simm.s32 $0x1C181;
	s12 =	sshll.u32 s12, $0x4  }
0x28f: {  	s16 =	sadd.s32 $0x1, s16;
	p2 =	por $0x1, $0x1;
	s12 =	sand.u32 $0x1FFFFFF0, s12  }
0x290: {  	p1 =	por p6, p6;
	s18 =	sadd.s32 $0x1C300, s11;
	[tilespmem:s11+$0x1C330] =	vst v14;
	s11 =	sadd.s32 s8, s12;
	v14 =	vimm.s32 $0x0  }
.LBB2_55:
0x291: {  	[hbm4b:s11+s5] =	stream.linear.scatter [tilespmem:s18], [sflag:$0x3], $0x80, $0x38;
	v14 =	vadd.s32 $0x1, v14;
	[tilespmem:$0x1CB00] =	vst v63  }
0x292: {  	p4 =	slt.s32 s16, $0x10;
	s6 =	sadd.s32 $0xFFFFFFFF, s6;
	s11 =	simm.s32 @!p1 $0x3;
	v15 =	vld [tilespmem:s15+$0x0]  }
0x293: {  	p3 =	sne.s32 s6, $0x0;
	_ =	swait.ge @!p1 [sflag:s11], $0x40  }
0x294: {  	[sflag:s11] =	ssyncset.done @!p1 $0x0  }
0x295: {  	[sflag:s11] =	ssyncadd.s32 @!p1 $0xFFFFFFC0;
	p1 =	por p4, p4  }
0x296: {  	v16 =	vld.idx.msk [tilespmem:v14+s24+$0x0], $0xffff  }
0x297: {  	(v2sf) =	vpush v15, $0x0;
	_ =	sdelay $0x4  }
0x298: {  	v15 =	vshll.u32 v16, $0x3  }
0x299: {  	v16 =	vand.u32 $0x7F, v16;
	v15 =	vand.u32 $0xFFFFFC00, v15  }
0x29a: {  	v15 =	vor.u32 v16, v15  }
0x29b: {  	v16 =	vadd.s32 v6, v15;
	_ =	sdelay $0x4  }
0x29c: {  	v16 =	vld.idx.msk [tilespmem:v16+s26+$0x0], $0xffff;
	_ =	sdelay $0x1  }
0x29d: {  	v17 =	vadd.s32 v7, v15;
	s11 =	spop (v2sf)  }
0x29e: {  	s11 =	sshll.u32 s11, $0x4  }
0x29f: {  	s11 =	sand.u32 $0x1FFFFFF0, s11  }
0x2a0: {  	s12 =	sand.u32 $0x780, s1  }
0x2a1: {  	[tilespmem:s12+$0x1C300] =	vst v16  }
0x2a2: {  	v16 =	vld.idx.msk [tilespmem:v17+s26+$0x0], $0xffff;
	_ =	sdelay $0x1  }
0x2a3: {  	v17 =	vadd.s32 v8, v15;
	_ =	sdelay $0x3  }
0x2a4: {  	[tilespmem:s12+$0x1C310] =	vst v16  }
0x2a5: {  	v16 =	vld.idx.msk [tilespmem:v17+s26+$0x0], $0xffff;
	_ =	sdelay $0x1  }
0x2a6: {  	v15 =	vadd.s32 v9, v15;
	_ =	sdelay $0x3  }
0x2a7: {  	[tilespmem:s12+$0x1C320] =	vst v16  }
0x2a8: {  	v15 =	vld.idx.msk [tilespmem:v15+s26+$0x0], $0xffff;
	_ =	sdelay $0x1  }
.Ltmp47:
0x2a9: {  	(pc) =	sbr.rel @p3 .LBB2_55-.Ltmp47, $3  }
0x2aa: {  	_ =	sdelay $0x1  }
0x2ab: {  	s1 =	sadd.s32 $0x80, s1;
	s15 =	sadd.s32 $0x1, s15  }
0x2ac: {  	s16 =	sadd.s32 $0x1, s16;
	s18 =	sadd.s32 $0x1C300, s12;
	s11 =	sadd.s32 s8, s11;
	[tilespmem:s12+$0x1C330] =	vst v15  }
.LBB2_56:
0x2ad: {  	v14 =	vadd.s32 @p2 $0x1, v14  }
0x2ae: {  	[hbm4b:s11+s5] =	stream.linear.scatter @p2 [tilespmem:s18], [sflag:$0x3], $0x80, $0x38;
	v13 =	vpsel p2, v14, v13;
	[tilespmem:$0x1CB00] =	vst v63  }
0x2af: {  	s6 =	simm.s32 @!p1 $0x3  }
0x2b0: {  	v14 =	vld [tilespmem:s15+$0x0];
	_ =	swait.ge @!p1 [sflag:s6], $0x40  }
0x2b1: {  	[sflag:s6] =	ssyncset.done @!p1 $0x0  }
0x2b2: {  	[sflag:s6] =	ssyncadd.s32 @!p1 $0xFFFFFFC0  }
0x2b3: {  	v13 =	vld.idx.msk [tilespmem:v13+s24+$0x0], $0xffff;
	_ =	sdelay $0x4  }
0x2b4: {  	v15 =	vshll.u32 v13, $0x3  }
0x2b5: {  	v13 =	vand.u32 $0x7F, v13;
	v15 =	vand.u32 $0xFFFFFC00, v15  }
0x2b6: {  	v13 =	vor.u32 v13, v15  }
0x2b7: {  	v15 =	vadd.s32 v6, v13;
	_ =	sdelay $0x4  }
0x2b8: {  	v15 =	vld.idx.msk [tilespmem:v15+s26+$0x0], $0xffff  }
0x2b9: {  	v16 =	vadd.s32 v7, v13;
	_ =	sdelay $0x2  }
0x2ba: {  	s1 =	sand.u32 $0x780, s1  }
0x2bb: {  	(v2sf) =	vpush v14, $0x0;
	[tilespmem:s1+$0x1C300] =	vst v15  }
0x2bc: {  	v14 =	vld.idx.msk [tilespmem:v16+s26+$0x0], $0xffff  }
0x2bd: {  	v15 =	vadd.s32 v8, v13;
	_ =	sdelay $0x3  }
0x2be: {  	[tilespmem:s1+$0x1C310] =	vst v14  }
0x2bf: {  	v14 =	vld.idx.msk [tilespmem:v15+s26+$0x0], $0xffff  }
0x2c0: {  	v13 =	vadd.s32 v9, v13;
	_ =	sdelay $0x3  }
0x2c1: {  	[tilespmem:s1+$0x1C320] =	vst v14  }
0x2c2: {  	v13 =	vld.idx.msk [tilespmem:v13+s26+$0x0], $0xffff;
	_ =	sdelay $0x1  }
.Ltmp48:
0x2c3: {  	s15 =	spop (v2sf);
	(pc) =	sbr.rel .LBB2_57-.Ltmp48, $4  }
0x2c4: {  	s6 =	sshll.u32 s15, $0x4  }
0x2c5: {  	s6 =	sand.u32 $0x1FFFFFF0, s6  }
0x2c6: {  	s16 =	sadd.s32 $0x1C300, s1;
	s18 =	sadd.s32 s8, s6;
	s6 =	smov.u32 s4;
	[tilespmem:s1+$0x1C330] =	vst v13  }
0x2c7: {  	[hbm4b:s18+s5] =	stream.linear.scatter [tilespmem:s16], [sflag:$0x3], $0x80, $0x38;
	[tilespmem:$0x1CB00] =	vst v63  }
.LBB2_52:
.Ltmp49:
0x2c8: {  	(pc) =	sbr.rel .LBB2_56-.Ltmp49, $2  }
0x2c9: {  	_ =	sdelay $0x2  }
0x2ca: {  	v14 =	vimm.s32 $0x0  }
.LBB2_54:
.Ltmp50:
0x2cb: {  	(pc) =	sbr.rel .LBB2_56-.Ltmp50, $2  }
0x2cc: {  	_ =	sdelay $0x2  }
0x2cd: {  	v14 =	vimm.s32 $0x0  }
.LBB2_59:
0x2ce: {  	p0 =	slt.s32 s4, $0x1  }
.Ltmp51:
0x2cf: {  	_ = 	snop;
	(pc) =	sbr.rel @p0 .LBB2_63-.Ltmp51, $1  }
0x2d0: {  	_ =	sdelay $0x3  }
0x2d1: {  	p0 =	slt.s32 s4, $0x10  }
0x2d2: {  	s4 =	simm.s32 @!p0 $0x10  }
0x2d3: {  	p0 =	sne.s32 s4, $0x1  }
.Ltmp52:
0x2d4: {  	_ = 	snop;
	(pc) =	sbr.rel @!p0 .LBB2_62-.Ltmp52, $3  }
0x2d5: {  	_ =	sdelay $0x1  }
0x2d6: {  	_ =	swait.ge [sflag:s28], $0x40  }
0x2d7: {  	[sflag:s28] =	ssyncset.done $0x0;
	s0 =	sadd.s32 $0xFFFFFFFF, s4  }
.LBB2_61:
0x2d8: {  	p0 =	sne.s32 s0, $0x1;
	s0 =	sadd.s32 $0xFFFFFFFF, s0;
	[sflag:s28] =	ssyncadd.s32 $0xFFFFFFC0  }
.Ltmp53:
0x2d9: {  	(pc) =	sbr.rel @p0 .LBB2_61-.Ltmp53, $3  }
0x2da: {  	_ =	sdelay $0x1  }
0x2db: {  	_ =	swait.ge [sflag:s28], $0x40  }
0x2dc: {  	[sflag:s28] =	ssyncset.done $0x0  }
.Ltmp54:
0x2dd: {  	_ = 	snop;
	(pc) =	sbr.rel .LBB2_62-.Ltmp54, $1  }
0x2de: {  	_ =	sdelay $0x3  }
.LBB2_64:
0x2df: {  	_ =	sfence.sel $0x180000  }
0x2e0: {  	[bflag:$0x0] =	sbarrier.arrive $0xFFFF  }
0x2e1: {  	_ =	strace $0x90000047  }
0x2e2: {  	s0 =	stileid.u32;
	[bflag:$0x2] =	sbarrier.arrive $0xFFFF  }
0x2e3: {  	p0 =	sne.s32 s0, $0x0;
	s0 =	rddreg [dreg:$0x6]  }
0x2e4: {  	s0 =	sadd.s32 @!p0 $0x100000, s0  }
0x2e5: {  	[sflag:s0] =	ssyncadd.tile.s32 @!p0 $0x1;
	_ =	shalt  }
.Lfunc_end2:
_tile_overlayer_lowered:
.L_overlay_start_2:
0x2e6: {  	(tag) =	ssettag $0x2  }
0x2e7: {  	s0 =	rddreg [dreg:$0x0];
	s2 =	stileid.u32  }
0x2e8: {  	s1 =	rddreg [dreg:$0x1];
	p0 =	sne.s32 s2, $0x0  }
0x2e9: {  	s3 =	rddreg [dreg:$0x2];
	[bflag:$0x3] =	sbarrier.arrive $0xFFFF;
	s2 =	simm.s32 @!p0 $0x1C04  }
0x2ea: {  	[timem:s3], [sflag:s2] =	dma.local @!p0 [hbm:s0], s1  }
0x2eb: {  	s0 =	simm.s32 @!p0 $0x4  }
0x2ec: {  	_ =	swait.ge @!p0 [sflag:s0], s1  }
0x2ed: {  	s1 =	ssub.s32 @!p0 $0x0, s1;
	[sflag:s0] =	ssyncset.done @!p0 $0x0  }
0x2ee: {  	[sflag:s0] =	ssyncadd.s32 @!p0 s1  }
0x2ef: {  	[bflag:$0x3] =	sbarrier.arrive $0xFFFF  }
0x2f0: {  	_ =	shalt  }

</sc_bundles>
